<compile_context>
chip_gen: v7x
topology: tpu7x:2x2x1
jax: 0.10.2.dev20260603
libtpu: 0.0.44.dev20260713+nightly
codegen_flags: <defaults>
</compile_context>

<pallas_src>
import functools

import jax
import jax.numpy as jnp
from jax import lax
from jax.experimental import pallas as pl
from jax.experimental.pallas import tpu as pltpu
from jax.experimental.pallas import tpu_sc as plsc

NC = 2
NS = 16
NW = NC * NS
LANES = 16
CHUNK = 128
MASK16 = 0xFFFF


def _mesh():
    return plsc.VectorSubcoreMesh(core_axis_name="c", subcore_axis_name="s")


def _unpack(packed_all, j, si_c, di_c, cg=CHUNK):
    @pl.loop(0, cg // LANES)
    def _(k):
        p = packed_all[pl.ds(j * cg + k * LANES, LANES)]
        si_c[pl.ds(k * LANES, LANES)] = jnp.bitwise_and(p, MASK16)
        di_c[pl.ds(k * LANES, LANES)] = jnp.right_shift(p, 16)


def _make_sc_degree(E, N_pad):
    epw = E // NW
    n_full = epw // CHUNK
    tail = epw - n_full * CHUNK
    assert E % NW == 0 and epw % 8 == 0 and tail % LANES == 0
    rps = N_pad // NS
    assert rps % LANES == 0
    FIRE = 6
    assert n_full % FIRE == 0

    @functools.partial(
        pl.kernel,
        out_type=jax.ShapeDtypeStruct((NC, N_pad), jnp.float32),
        mesh=_mesh(),
        scratch_types=[
            pltpu.VMEM((epw,), jnp.int32),
            [pltpu.VMEM((CHUNK,), jnp.int32) for _ in range(FIRE)],
            pltpu.VMEM((CHUNK,), jnp.int32),
            pltpu.VMEM((CHUNK,), jnp.float32),
            pltpu.VMEM((rps,), jnp.float32),
            pltpu.VMEM_SHARED((N_pad,), jnp.float32),
            pltpu.SemaphoreType.DMA,
        ],
    )
    def deg_kernel(pk_hbm, out_hbm, pk_all, di_cs, di_scr, ones_v, zbuf_v,
                   acc_sh, sem):
        c = lax.axis_index("c")
        s = lax.axis_index("s")
        wid = c * NS + s

        @pl.loop(0, CHUNK // LANES)
        def _(i):
            ones_v[pl.ds(i * LANES, LANES)] = jnp.ones((LANES,), jnp.float32)

        @pl.loop(0, rps // LANES)
        def _(i):
            zbuf_v[pl.ds(i * LANES, LANES)] = jnp.zeros((LANES,), jnp.float32)

        pltpu.sync_copy(zbuf_v, acc_sh.at[pl.ds(s * rps, rps)])
        pltpu.sync_copy(pk_hbm.at[pl.ds(wid * epw, epw)], pk_all)
        plsc.subcore_barrier()

        @pl.loop(0, n_full // FIRE)
        def _(i):
            for b in range(FIRE):
                _unpack(pk_all, i * FIRE + b, di_scr, di_cs[b])
                pltpu.async_copy(ones_v, acc_sh.at[di_cs[b]], sem, add=True)
            for b in range(FIRE):
                pltpu.make_async_copy(ones_v, acc_sh.at[di_cs[0]], sem).wait()

        if tail:
            @pl.loop(0, tail // LANES)
            def _(k):
                p = pk_all[pl.ds(n_full * CHUNK + k * LANES, LANES)]
                di_cs[0][pl.ds(k * LANES, LANES)] = jnp.right_shift(p, 16)
            pltpu.sync_copy(ones_v.at[pl.ds(0, tail)],
                            acc_sh.at[di_cs[0].at[pl.ds(0, tail)]], add=True)

        plsc.subcore_barrier()
        pltpu.sync_copy(acc_sh.at[pl.ds(s * rps, rps)],
                        out_hbm.at[c, pl.ds(s * rps, rps)])

    return deg_kernel


def _make_sc_agg(E, N_pad, D, tc_tiling=True, cg=CHUNK, nb=2):
    epw = E // NW
    n_full = epw // cg
    tail = epw - n_full * cg
    assert E % NW == 0 and epw % 8 == 0 and tail % LANES == 0
    assert n_full % nb == 0
    rps = N_pad // NS
    assert rps % cg == 0
    t_sz = tail if tail else LANES

    @functools.partial(
        pl.kernel,
        out_type=jax.ShapeDtypeStruct((NC, N_pad, D), jnp.float32),
        mesh=_mesh(),
        scratch_types=[
            pltpu.VMEM((epw,), jnp.int32),
            [pltpu.VMEM((cg,), jnp.int32) for _ in range(nb)],
            [pltpu.VMEM((cg,), jnp.int32) for _ in range(nb)],
            [pltpu.VMEM((cg, D), jnp.float32) for _ in range(nb)],
            pltpu.VMEM((t_sz,), jnp.int32),
            pltpu.VMEM((t_sz,), jnp.int32),
            pltpu.VMEM((t_sz, D), jnp.float32),
            pltpu.VMEM_SHARED((N_pad, D), jnp.float32),
            [pltpu.SemaphoreType.DMA for _ in range(nb)],
        ],
        compiler_params=pltpu.CompilerParams(use_tc_tiling_on_sc=tc_tiling),
    )
    def agg_kernel(h_hbm, pk_hbm, out_hbm,
                   pk_all, si_c, di_c, rows, si_t, di_t, rows_t, acc_sh, g):
        c = lax.axis_index("c")
        s = lax.axis_index("s")
        wid = c * NS + s

        pltpu.async_copy(pk_hbm.at[pl.ds(wid * epw, epw)], pk_all, g[0])

        @pl.loop(0, cg)
        def _(i):
            for jj in range(D // LANES):
                rows[0].at[pl.ds(i, 1), pl.ds(jj * LANES, LANES)][...] = (
                    jnp.zeros((1, LANES), jnp.float32))

        @pl.loop(0, rps // cg)
        def _(i):
            pltpu.sync_copy(rows[0], acc_sh.at[pl.ds(s * rps + i * cg, cg)])

        pltpu.make_async_copy(pk_hbm.at[pl.ds(wid * epw, epw)], pk_all,
                              g[0]).wait()
        plsc.subcore_barrier()

        for b in range(nb):
            _unpack(pk_all, b, si_c[b], di_c[b], cg)
            pltpu.async_copy(h_hbm.at[si_c[b]], rows[b], g[b])

        @pl.loop(0, n_full // nb)
        def _(i):
            j = i * nb
            for b in range(nb):
                pltpu.make_async_copy(h_hbm.at[si_c[b]], rows[b],
                                      g[b]).wait()
                pltpu.sync_copy(rows[b], acc_sh.at[di_c[b]], add=True)

                @pl.when(j + b + nb < n_full)
                def _():
                    _unpack(pk_all, j + b + nb, si_c[b], di_c[b], cg)
                    pltpu.async_copy(h_hbm.at[si_c[b]], rows[b], g[b])

        if tail:
            @pl.loop(0, tail // LANES)
            def _(k):
                p = pk_all[pl.ds(n_full * cg + k * LANES, LANES)]
                si_t[pl.ds(k * LANES, LANES)] = jnp.bitwise_and(p, MASK16)
                di_t[pl.ds(k * LANES, LANES)] = jnp.right_shift(p, 16)
            pltpu.async_copy(h_hbm.at[si_t], rows_t, g[0]).wait()
            pltpu.sync_copy(rows_t, acc_sh.at[di_t], add=True)

        plsc.subcore_barrier()
        pltpu.sync_copy(acc_sh.at[pl.ds(s * rps, rps)],
                        out_hbm.at[c, pl.ds(s * rps, rps)])

    return agg_kernel


def _tc_mm(x, W, block=2000):
    n, k = x.shape
    d = W.shape[1]

    def body(x_ref, w_ref, o_ref):
        o_ref[...] = jnp.dot(x_ref[...], w_ref[...],
                             preferred_element_type=jnp.float32)

    return pl.pallas_call(
        body,
        grid=(n // block,),
        in_specs=[
            pl.BlockSpec((block, k), lambda i: (i, 0)),
            pl.BlockSpec((k, d), lambda i: (0, 0)),
        ],
        out_specs=pl.BlockSpec((block, d), lambda i: (i, 0)),
        out_shape=jax.ShapeDtypeStruct((n, d), jnp.float32),
    )(x, W)


def _tc_combine_mm(acc, hp, dis, b, W, block=2000):
    n, k = hp.shape
    d = W.shape[1]

    def body(a0_ref, a1_ref, h_ref, dis_ref, b_ref, w_ref, o_ref):
        dis_c = dis_ref[...]
        z = (a0_ref[0] + a1_ref[0] + h_ref[...]) * dis_c + b_ref[...]
        z = jnp.maximum(z, 0.0)
        mm = jnp.dot(z, w_ref[...], preferred_element_type=jnp.float32)
        o_ref[...] = mm * dis_c

    return pl.pallas_call(
        body,
        grid=(n // block,),
        in_specs=[
            pl.BlockSpec((1, block, k), lambda i: (0, i, 0)),
            pl.BlockSpec((1, block, k), lambda i: (1, i, 0)),
            pl.BlockSpec((block, k), lambda i: (i, 0)),
            pl.BlockSpec((block, 1), lambda i: (i, 0)),
            pl.BlockSpec((1, k), lambda i: (0, 0)),
            pl.BlockSpec((k, d), lambda i: (0, 0)),
        ],
        out_specs=pl.BlockSpec((block, d), lambda i: (i, 0)),
        out_shape=jax.ShapeDtypeStruct((n, d), jnp.float32),
    )(acc, acc, hp, dis, b, W)


def _tc_final(acc, hp, dis, b, d_out, block=2000):
    n, d = hp.shape

    def body(a0_ref, a1_ref, h_ref, dis_ref, b_ref, o_ref):
        z = ((a0_ref[0] + a1_ref[0] + h_ref[...]) * dis_ref[...]
             + b_ref[...])
        o_ref[...] = z[:, :d_out]

    return pl.pallas_call(
        body,
        grid=(n // block,),
        in_specs=[
            pl.BlockSpec((1, block, d), lambda i: (0, i, 0)),
            pl.BlockSpec((1, block, d), lambda i: (1, i, 0)),
            pl.BlockSpec((block, d), lambda i: (i, 0)),
            pl.BlockSpec((block, 1), lambda i: (i, 0)),
            pl.BlockSpec((1, d), lambda i: (0, 0)),
        ],
        out_specs=pl.BlockSpec((block, d_out), lambda i: (i, 0)),
        out_shape=jax.ShapeDtypeStruct((n, d_out), jnp.float32),
    )(acc, acc, hp, dis, b)


def kernel(x, edge_index, W1, b1, W2, b2):
    n, _ = x.shape
    e = edge_index.shape[1]
    hid = W1.shape[1]
    out_d = W2.shape[1]
    n_pad = -(-n // (LANES * NS)) * (LANES * NS)

    src = edge_index[0]
    dst = edge_index[1]
    packed = jnp.bitwise_or(src, jnp.left_shift(dst, 16))

    degp = _make_sc_degree(e, n_pad)(packed)
    deg = degp[0, :n] + degp[1, :n] + 1.0
    dis = lax.rsqrt(deg)[:, None]

    h1p = dis * _tc_mm(x, W1)
    acc1 = _make_sc_agg(e, n_pad, hid, cg=64, nb=4)(h1p, packed)
    h2p = _tc_combine_mm(acc1, h1p, dis, b1.reshape(1, -1), W2)
    acc2 = _make_sc_agg(e, n_pad, out_d, tc_tiling=(out_d % 128 == 0),
                        cg=64, nb=4)(h2p, packed)
    return _tc_final(acc2, h2p, dis, b2.reshape(1, -1), out_d)

# --- scband reference (transcript-rebuilt; emitter-appended) ---
"""Pipeline reference for scband-gcnencoder-89635967467596 (READ-ONLY COPY).

The authoritative reference and input builder live on the scoring server;
editing this copy changes nothing except your own understanding.
"""

import jax, jax.numpy as jnp
import numpy as np

N = 10000
E = 320000
IN = 128
HID = 128  # 2 * out_channels
OUT = 64


def glorot(key, shape):
    fan_in, fan_out = shape[0], shape[1]
    limit = jnp.sqrt(6.0 / (fan_in + fan_out))
    return jax.random.uniform(key, shape, dtype=jnp.float32, minval=-limit, maxval=limit)


def setup_inputs(seed: int = 0) -> dict:
    key = jax.random.key(seed)
    k1, k2, k3, k4 = jax.random.split(key, 4)
    x = jax.random.normal(k1, (N, IN), dtype=jnp.float32)
    edge_index = jax.random.randint(k2, (2, E), 0, N, dtype=jnp.int32)
    W1 = glorot(k3, (IN, HID))
    b1 = jnp.zeros((HID,), dtype=jnp.float32)
    W2 = glorot(k4, (HID, OUT))
    b2 = jnp.zeros((OUT,), dtype=jnp.float32)
    return {"x": x, "edge_index": edge_index, "W1": W1, "b1": b1, "W2": W2, "b2": b2}


def _gcn_conv(x, src, dst, norm, W, b):
    # GCNConv: out = D^{-1/2} (A + I) D^{-1/2} (x W) + b
    h = x @ W
    msg = h[src] * norm[:, None]
    out = jax.ops.segment_sum(msg, dst, num_segments=N)
    return out + b


def _build_norm(edge_index):
    # add self-loops
    loop = jnp.arange(N, dtype=edge_index.dtype)
    src = jnp.concatenate([edge_index[0], loop])
    dst = jnp.concatenate([edge_index[1], loop])
    deg = jnp.zeros((N,), dtype=jnp.float32).at[dst].add(1.0)
    deg_inv_sqrt = jnp.where(deg > 0, 1.0 / jnp.sqrt(deg), 0.0)
    norm = deg_inv_sqrt[src] * deg_inv_sqrt[dst]
    return src, dst, norm


def reference(x, edge_index, W1, b1, W2, b2):
    src, dst, norm = _build_norm(edge_index)
    h = _gcn_conv(x, src, dst, norm, W1, b1)
    h = jax.nn.relu(h)
    # Dropout is identity at inference (eval mode)
    out = _gcn_conv(h, src, dst, norm, W2, b2)
    return out

if __name__ == "__main__":
    import jax
    _d = setup_inputs()
    print(jax.jit(kernel)(*tuple(_d.values())))

</pallas_src>

<mosaic_0001>
#map = affine_map<(d0, d1) -> (0)>
#map1 = affine_map<(d0, d1) -> (0, 0)>
module attributes {stable_mosaic.version = 14 : i64} {
  func.func @deg_kernel(%arg0: i32, %arg1: i32, %arg2: memref<320000xi32, #tpu.memory_space<hbm>>, %arg3: memref<2x10240xf32, #tpu.memory_space<hbm>>, %arg4: memref<10000xi32, #tpu.memory_space<vmem>>, %arg5: memref<128xi32, #tpu.memory_space<vmem>>, %arg6: memref<128xi32, #tpu.memory_space<vmem>>, %arg7: memref<128xi32, #tpu.memory_space<vmem>>, %arg8: memref<128xi32, #tpu.memory_space<vmem>>, %arg9: memref<128xi32, #tpu.memory_space<vmem>>, %arg10: memref<128xi32, #tpu.memory_space<vmem>>, %arg11: memref<128xi32, #tpu.memory_space<vmem>>, %arg12: memref<128xf32, #tpu.memory_space<vmem>>, %arg13: memref<640xf32, #tpu.memory_space<vmem>>, %arg14: memref<10240xf32, #tpu.memory_space<vmem_shared>>, %arg15: memref<!tpu.dma_semaphore, #tpu.memory_space<semaphore_mem>>) attributes {dimension_semantics = [#tpu.dimension_semantics<core_parallel>, #tpu.dimension_semantics<subcore_parallel>], iteration_bounds = array<i64: 2, 16>, scalar_prefetch = 0 : i64, scratch_operands = 12 : i64, tpu.core_type = #tpu.core_type<sc_vector_subcore>, window_params = [{transform_indices = #map}, {transform_indices = #map1}]} {
    %mul3A = arith.constant 16 : i32
    %mul3A_0 = arith.muli %arg0, %mul3A : i32
    %add3A = arith.addi %mul3A_0, %arg1 : i32
    %scan3A = arith.constant 0 : i32
    %scan3A_1 = arith.constant 8 : i32
    %scan3A_2 = arith.addi %scan3A, %scan3A_1 : i32
    %scan3A_3 = arith.constant 1 : i32
    scf.for %scan3A_43 = %scan3A to %scan3A_2 step %scan3A_3  : i32 {
      %mul3A_44 = arith.constant 1 : i32
      %mul3A_45 = arith.muli %scan3A_43, %mul3A_44 : i32
      %add3A_46 = arith.constant 0 : i32
      %add3A_47 = arith.addi %add3A_46, %mul3A_45 : i32
      %broadcast_in_dim3A = arith.constant 1.000000e+00 : f32
      %broadcast_in_dim3A_48 = vector.broadcast %broadcast_in_dim3A : f32 to vector<16xf32>
      %mul3A_49 = arith.constant 16 : i32
      %mul3A_50 = arith.muli %add3A_47, %mul3A_49 : i32
      %swap3A_51 = arith.index_cast %mul3A_50 : i32 to index
      %swap3A_52 = tpu.vector_load %arg12[%swap3A_51] {strides = array<i32>} : memref<128xf32, #tpu.memory_space<vmem>>, vector<16xf32>,
      %swap3A_53 = vector.shape_cast %swap3A_52 : vector<16xf32> to vector<16xf32>
      %swap3A_54 = vector.shape_cast %broadcast_in_dim3A_48 : vector<16xf32> to vector<16xf32>
      tpu.vector_store %arg12[%swap3A_51], %swap3A_54 {strides = array<i32>} : memref<128xf32, #tpu.memory_space<vmem>>, vector<16xf32>,
    }
    %scan3A_4 = arith.constant 8 : i32
    %scan3A_5 = arith.constant 0 : i32
    %scan3A_6 = arith.constant 40 : i32
    %scan3A_7 = arith.addi %scan3A_5, %scan3A_6 : i32
    %scan3A_8 = arith.constant 1 : i32
    scf.for %scan3A_43 = %scan3A_5 to %scan3A_7 step %scan3A_8  : i32 {
      %mul3A_44 = arith.constant 1 : i32
      %mul3A_45 = arith.muli %scan3A_43, %mul3A_44 : i32
      %add3A_46 = arith.constant 0 : i32
      %add3A_47 = arith.addi %add3A_46, %mul3A_45 : i32
      %broadcast_in_dim3A = arith.constant 0.000000e+00 : f32
      %broadcast_in_dim3A_48 = vector.broadcast %broadcast_in_dim3A : f32 to vector<16xf32>
      %mul3A_49 = arith.constant 16 : i32
      %mul3A_50 = arith.muli %add3A_47, %mul3A_49 : i32
      %swap3A_51 = arith.index_cast %mul3A_50 : i32 to index
      %swap3A_52 = tpu.vector_load %arg13[%swap3A_51] {strides = array<i32>} : memref<640xf32, #tpu.memory_space<vmem>>, vector<16xf32>,
      %swap3A_53 = vector.shape_cast %swap3A_52 : vector<16xf32> to vector<16xf32>
      %swap3A_54 = vector.shape_cast %broadcast_in_dim3A_48 : vector<16xf32> to vector<16xf32>
      tpu.vector_store %arg13[%swap3A_51], %swap3A_54 {strides = array<i32>} : memref<640xf32, #tpu.memory_space<vmem>>, vector<16xf32>,
    }
    %scan3A_9 = arith.constant 40 : i32
    %mul3A_10 = arith.constant 640 : i32
    %mul3A_11 = arith.muli %arg1, %mul3A_10 : i32
    "tpu.region"() ({
      %run_scoped3A = tpu.sem_alloc : memref<!tpu.dma_semaphore, #tpu.memory_space<semaphore_mem>>
      %dma_start3A = tpu.memref_slice %arg14[%mul3A_11] : memref<10240xf32, #tpu.memory_space<vmem_shared>> -> memref<640xf32, #tpu.memory_space<vmem_shared>>
      %dma_start3A_43 = tpu.memref_slice %arg14[%mul3A_11] : memref<10240xf32, #tpu.memory_space<vmem_shared>> -> memref<640xf32, #tpu.memory_space<vmem_shared>>
      tpu.enqueue_dma source(%arg13 : memref<640xf32, #tpu.memory_space<vmem>>) target(%dma_start3A_43 : memref<640xf32, #tpu.memory_space<vmem_shared>>) target_semaphore(%run_scoped3A : memref<!tpu.dma_semaphore, #tpu.memory_space<semaphore_mem>>)
      %dma_wait3A = tpu.memref_slice %arg14[%mul3A_11] : memref<10240xf32, #tpu.memory_space<vmem_shared>> -> memref<640xf32, #tpu.memory_space<vmem_shared>>
      %dma_wait3A_44 = tpu.memref_slice %arg14[%mul3A_11] : memref<10240xf32, #tpu.memory_space<vmem_shared>> -> memref<640xf32, #tpu.memory_space<vmem_shared>>
      tpu.wait_dma2 semaphore(%run_scoped3A : memref<!tpu.dma_semaphore, #tpu.memory_space<semaphore_mem>>) src(%arg13 : memref<640xf32, #tpu.memory_space<vmem>>) dst(%dma_wait3A_44 : memref<640xf32, #tpu.memory_space<vmem_shared>>)
      tpu.yield
    }) : () -> ()
    %mul3A_12 = arith.constant 10000 : i32
    %mul3A_13 = arith.muli %add3A, %mul3A_12 : i32
    "tpu.region"() ({
      %run_scoped3A = tpu.sem_alloc : memref<!tpu.dma_semaphore, #tpu.memory_space<semaphore_mem>>
      %dma_start3A = tpu.memref_slice %arg2[%mul3A_13] : memref<320000xi32, #tpu.memory_space<hbm>> -> memref<10000xi32, #tpu.memory_space<hbm>>
      %dma_start3A_43 = tpu.memref_slice %arg2[%mul3A_13] : memref<320000xi32, #tpu.memory_space<hbm>> -> memref<10000xi32, #tpu.memory_space<hbm>>
      tpu.enqueue_dma source(%dma_start3A_43 : memref<10000xi32, #tpu.memory_space<hbm>>) target(%arg4 : memref<10000xi32, #tpu.memory_space<vmem>>) target_semaphore(%run_scoped3A : memref<!tpu.dma_semaphore, #tpu.memory_space<semaphore_mem>>)
      %dma_wait3A = tpu.memref_slice %arg2[%mul3A_13] : memref<320000xi32, #tpu.memory_space<hbm>> -> memref<10000xi32, #tpu.memory_space<hbm>>
      %dma_wait3A_44 = tpu.memref_slice %arg2[%mul3A_13] : memref<320000xi32, #tpu.memory_space<hbm>> -> memref<10000xi32, #tpu.memory_space<hbm>>
      tpu.wait_dma2 semaphore(%run_scoped3A : memref<!tpu.dma_semaphore, #tpu.memory_space<semaphore_mem>>) src(%dma_wait3A_44 : memref<10000xi32, #tpu.memory_space<hbm>>) dst(%arg4 : memref<10000xi32, #tpu.memory_space<vmem>>)
      tpu.yield
    }) : () -> ()
    %barrier3A = arith.constant 0 : index
    tpu.barrier barrier_id(%barrier3A)
    %scan3A_14 = arith.constant 0 : i32
    %scan3A_15 = arith.constant 13 : i32
    %scan3A_16 = arith.addi %scan3A_14, %scan3A_15 : i32
    %scan3A_17 = arith.constant 1 : i32
    scf.for %scan3A_43 = %scan3A_14 to %scan3A_16 step %scan3A_17  : i32 {
      %mul3A_44 = arith.constant 1 : i32
      %mul3A_45 = arith.muli %scan3A_43, %mul3A_44 : i32
      %add3A_46 = arith.constant 0 : i32
      %add3A_47 = arith.addi %add3A_46, %mul3A_45 : i32
      %mul3A_48 = arith.constant 6 : i32
      %mul3A_49 = arith.muli %add3A_47, %mul3A_48 : i32
      %add3A_50 = arith.constant 0 : i32
      %add3A_51 = arith.addi %mul3A_49, %add3A_50 : i32
      %scan3A_52 = arith.constant 0 : i32
      %scan3A_53 = arith.constant 8 : i32
      %scan3A_54 = arith.addi %scan3A_52, %scan3A_53 : i32
      %scan3A_55 = arith.constant 1 : i32
      scf.for %scan3A_124 = %scan3A_52 to %scan3A_54 step %scan3A_55  : i32 {
        %mul3A_125 = arith.constant 1 : i32
        %mul3A_126 = arith.muli %scan3A_124, %mul3A_125 : i32
        %add3A_127 = arith.constant 0 : i32
        %add3A_128 = arith.addi %add3A_127, %mul3A_126 : i32
        %mul3A_129 = arith.constant 128 : i32
        %mul3A_130 = arith.muli %add3A_51, %mul3A_129 : i32
        %mul3A_131 = arith.constant 16 : i32
        %mul3A_132 = arith.muli %add3A_128, %mul3A_131 : i32
        %add3A_133 = arith.addi %mul3A_130, %mul3A_132 : i32
        %get3A_134 = arith.index_cast %add3A_133 : i32 to index
        %get3A_135 = tpu.vector_load %arg4[%get3A_134] {strides = array<i32>} : memref<10000xi32, #tpu.memory_space<vmem>>, vector<16xi32>,
        %get3A_136 = vector.shape_cast %get3A_135 : vector<16xi32> to vector<16xi32>
        %and3A = arith.constant 65535 : i32
        %and3A_137 = vector.broadcast %and3A : i32 to vector<16xi32>
        %and3A_138 = arith.andi %get3A_136, %and3A_137 : vector<16xi32>
        %mul3A_139 = arith.constant 16 : i32
        %mul3A_140 = arith.muli %add3A_128, %mul3A_139 : i32
        %swap3A_141 = arith.index_cast %mul3A_140 : i32 to index
        %swap3A_142 = tpu.vector_load %arg11[%swap3A_141] {strides = array<i32>} : memref<128xi32, #tpu.memory_space<vmem>>, vector<16xi32>,
        %swap3A_143 = vector.shape_cast %swap3A_142 : vector<16xi32> to vector<16xi32>
        %swap3A_144 = vector.shape_cast %and3A_138 : vector<16xi32> to vector<16xi32>
        tpu.vector_store %arg11[%swap3A_141], %swap3A_144 {strides = array<i32>} : memref<128xi32, #tpu.memory_space<vmem>>, vector<16xi32>,
        %shift_right_arithmetic3A_145 = arith.constant 16 : i32
        %shift_right_arithmetic3A_146 = vector.broadcast %shift_right_arithmetic3A_145 : i32 to vector<16xi32>
        %shift_right_arithmetic3A_147 = arith.shrsi %get3A_136, %shift_right_arithmetic3A_146 : vector<16xi32>
        %mul3A_148 = arith.constant 16 : i32
        %mul3A_149 = arith.muli %add3A_128, %mul3A_148 : i32
        %swap3A_150 = arith.index_cast %mul3A_149 : i32 to index
        %swap3A_151 = tpu.vector_load %arg5[%swap3A_150] {strides = array<i32>} : memref<128xi32, #tpu.memory_space<vmem>>, vector<16xi32>,
        %swap3A_152 = vector.shape_cast %swap3A_151 : vector<16xi32> to vector<16xi32>
        %swap3A_153 = vector.shape_cast %shift_right_arithmetic3A_147 : vector<16xi32> to vector<16xi32>
        tpu.vector_store %arg5[%swap3A_150], %swap3A_153 {strides = array<i32>} : memref<128xi32, #tpu.memory_space<vmem>>, vector<16xi32>,
      }
      %scan3A_56 = arith.constant 8 : i32
      %dma_start3A = arith.constant 0 : i32
      %dma_start3A_57 = tpu.memref_slice %arg14[%dma_start3A] : memref<10240xf32, #tpu.memory_space<vmem_shared>> -> memref<10240xf32, #tpu.memory_space<vmem_shared>>
      tpu.enqueue_indirect_dma source(%arg12 : memref<128xf32, #tpu.memory_space<vmem>>) target(%dma_start3A_57 : memref<10240xf32, #tpu.memory_space<vmem_shared>>) offsets(%arg5 : memref<128xi32, #tpu.memory_space<vmem>>) semaphore(%arg15 : memref<!tpu.dma_semaphore, #tpu.memory_space<semaphore_mem>>) {add = true}
      %mul3A_58 = arith.constant 6 : i32
      %mul3A_59 = arith.muli %add3A_47, %mul3A_58 : i32
      %add3A_60 = arith.constant 1 : i32
      %add3A_61 = arith.addi %mul3A_59, %add3A_60 : i32
      %scan3A_62 = arith.constant 0 : i32
      %scan3A_63 = arith.constant 8 : i32
      %scan3A_64 = arith.addi %scan3A_62, %scan3A_63 : i32
      %scan3A_65 = arith.constant 1 : i32
      scf.for %scan3A_124 = %scan3A_62 to %scan3A_64 step %scan3A_65  : i32 {
        %mul3A_125 = arith.constant 1 : i32
        %mul3A_126 = arith.muli %scan3A_124, %mul3A_125 : i32
        %add3A_127 = arith.constant 0 : i32
        %add3A_128 = arith.addi %add3A_127, %mul3A_126 : i32
        %mul3A_129 = arith.constant 128 : i32
        %mul3A_130 = arith.muli %add3A_61, %mul3A_129 : i32
        %mul3A_131 = arith.constant 16 : i32
        %mul3A_132 = arith.muli %add3A_128, %mul3A_131 : i32
        %add3A_133 = arith.addi %mul3A_130, %mul3A_132 : i32
        %get3A_134 = arith.index_cast %add3A_133 : i32 to index
        %get3A_135 = tpu.vector_load %arg4[%get3A_134] {strides = array<i32>} : memref<10000xi32, #tpu.memory_space<vmem>>, vector<16xi32>,
        %get3A_136 = vector.shape_cast %get3A_135 : vector<16xi32> to vector<16xi32>
        %and3A = arith.constant 65535 : i32
        %and3A_137 = vector.broadcast %and3A : i32 to vector<16xi32>
        %and3A_138 = arith.andi %get3A_136, %and3A_137 : vector<16xi32>
        %mul3A_139 = arith.constant 16 : i32
        %mul3A_140 = arith.muli %add3A_128, %mul3A_139 : i32
        %swap3A_141 = arith.index_cast %mul3A_140 : i32 to index
        %swap3A_142 = tpu.vector_load %arg11[%swap3A_141] {strides = array<i32>} : memref<128xi32, #tpu.memory_space<vmem>>, vector<16xi32>,
        %swap3A_143 = vector.shape_cast %swap3A_142 : vector<16xi32> to vector<16xi32>
        %swap3A_144 = vector.shape_cast %and3A_138 : vector<16xi32> to vector<16xi32>
        tpu.vector_store %arg11[%swap3A_141], %swap3A_144 {strides = array<i32>} : memref<128xi32, #tpu.memory_space<vmem>>, vector<16xi32>,
        %shift_right_arithmetic3A_145 = arith.constant 16 : i32
        %shift_right_arithmetic3A_146 = vector.broadcast %shift_right_arithmetic3A_145 : i32 to vector<16xi32>
        %shift_right_arithmetic3A_147 = arith.shrsi %get3A_136, %shift_right_arithmetic3A_146 : vector<16xi32>
        %mul3A_148 = arith.constant 16 : i32
        %mul3A_149 = arith.muli %add3A_128, %mul3A_148 : i32
        %swap3A_150 = arith.index_cast %mul3A_149 : i32 to index
        %swap3A_151 = tpu.vector_load %arg6[%swap3A_150] {strides = array<i32>} : memref<128xi32, #tpu.memory_space<vmem>>, vector<16xi32>,
        %swap3A_152 = vector.shape_cast %swap3A_151 : vector<16xi32> to vector<16xi32>
        %swap3A_153 = vector.shape_cast %shift_right_arithmetic3A_147 : vector<16xi32> to vector<16xi32>
        tpu.vector_store %arg6[%swap3A_150], %swap3A_153 {strides = array<i32>} : memref<128xi32, #tpu.memory_space<vmem>>, vector<16xi32>,
      }
      %scan3A_66 = arith.constant 8 : i32
      %dma_start3A_67 = arith.constant 0 : i32
      %dma_start3A_68 = tpu.memref_slice %arg14[%dma_start3A_67] : memref<10240xf32, #tpu.memory_space<vmem_shared>> -> memref<10240xf32, #tpu.memory_space<vmem_shared>>
      tpu.enqueue_indirect_dma source(%arg12 : memref<128xf32, #tpu.memory_space<vmem>>) target(%dma_start3A_68 : memref<10240xf32, #tpu.memory_space<vmem_shared>>) offsets(%arg6 : memref<128xi32, #tpu.memory_space<vmem>>) semaphore(%arg15 : memref<!tpu.dma_semaphore, #tpu.memory_space<semaphore_mem>>) {add = true}
      %mul3A_69 = arith.constant 6 : i32
      %mul3A_70 = arith.muli %add3A_47, %mul3A_69 : i32
      %add3A_71 = arith.constant 2 : i32
      %add3A_72 = arith.addi %mul3A_70, %add3A_71 : i32
      %scan3A_73 = arith.constant 0 : i32
      %scan3A_74 = arith.constant 8 : i32
      %scan3A_75 = arith.addi %scan3A_73, %scan3A_74 : i32
      %scan3A_76 = arith.constant 1 : i32
      scf.for %scan3A_124 = %scan3A_73 to %scan3A_75 step %scan3A_76  : i32 {
        %mul3A_125 = arith.constant 1 : i32
        %mul3A_126 = arith.muli %scan3A_124, %mul3A_125 : i32
        %add3A_127 = arith.constant 0 : i32
        %add3A_128 = arith.addi %add3A_127, %mul3A_126 : i32
        %mul3A_129 = arith.constant 128 : i32
        %mul3A_130 = arith.muli %add3A_72, %mul3A_129 : i32
        %mul3A_131 = arith.constant 16 : i32
        %mul3A_132 = arith.muli %add3A_128, %mul3A_131 : i32
        %add3A_133 = arith.addi %mul3A_130, %mul3A_132 : i32
        %get3A_134 = arith.index_cast %add3A_133 : i32 to index
        %get3A_135 = tpu.vector_load %arg4[%get3A_134] {strides = array<i32>} : memref<10000xi32, #tpu.memory_space<vmem>>, vector<16xi32>,
        %get3A_136 = vector.shape_cast %get3A_135 : vector<16xi32> to vector<16xi32>
        %and3A = arith.constant 65535 : i32
        %and3A_137 = vector.broadcast %and3A : i32 to vector<16xi32>
        %and3A_138 = arith.andi %get3A_136, %and3A_137 : vector<16xi32>
        %mul3A_139 = arith.constant 16 : i32
        %mul3A_140 = arith.muli %add3A_128, %mul3A_139 : i32
        %swap3A_141 = arith.index_cast %mul3A_140 : i32 to index
        %swap3A_142 = tpu.vector_load %arg11[%swap3A_141] {strides = array<i32>} : memref<128xi32, #tpu.memory_space<vmem>>, vector<16xi32>,
        %swap3A_143 = vector.shape_cast %swap3A_142 : vector<16xi32> to vector<16xi32>
        %swap3A_144 = vector.shape_cast %and3A_138 : vector<16xi32> to vector<16xi32>
        tpu.vector_store %arg11[%swap3A_141], %swap3A_144 {strides = array<i32>} : memref<128xi32, #tpu.memory_space<vmem>>, vector<16xi32>,
        %shift_right_arithmetic3A_145 = arith.constant 16 : i32
        %shift_right_arithmetic3A_146 = vector.broadcast %shift_right_arithmetic3A_145 : i32 to vector<16xi32>
        %shift_right_arithmetic3A_147 = arith.shrsi %get3A_136, %shift_right_arithmetic3A_146 : vector<16xi32>
        %mul3A_148 = arith.constant 16 : i32
        %mul3A_149 = arith.muli %add3A_128, %mul3A_148 : i32
        %swap3A_150 = arith.index_cast %mul3A_149 : i32 to index
        %swap3A_151 = tpu.vector_load %arg7[%swap3A_150] {strides = array<i32>} : memref<128xi32, #tpu.memory_space<vmem>>, vector<16xi32>,
        %swap3A_152 = vector.shape_cast %swap3A_151 : vector<16xi32> to vector<16xi32>
        %swap3A_153 = vector.shape_cast %shift_right_arithmetic3A_147 : vector<16xi32> to vector<16xi32>
        tpu.vector_store %arg7[%swap3A_150], %swap3A_153 {strides = array<i32>} : memref<128xi32, #tpu.memory_space<vmem>>, vector<16xi32>,
      }
      %scan3A_77 = arith.constant 8 : i32
      %dma_start3A_78 = arith.constant 0 : i32
      %dma_start3A_79 = tpu.memref_slice %arg14[%dma_start3A_78] : memref<10240xf32, #tpu.memory_space<vmem_shared>> -> memref<10240xf32, #tpu.memory_space<vmem_shared>>
      tpu.enqueue_indirect_dma source(%arg12 : memref<128xf32, #tpu.memory_space<vmem>>) target(%dma_start3A_79 : memref<10240xf32, #tpu.memory_space<vmem_shared>>) offsets(%arg7 : memref<128xi32, #tpu.memory_space<vmem>>) semaphore(%arg15 : memref<!tpu.dma_semaphore, #tpu.memory_space<semaphore_mem>>) {add = true}
      %mul3A_80 = arith.constant 6 : i32
      %mul3A_81 = arith.muli %add3A_47, %mul3A_80 : i32
      %add3A_82 = arith.constant 3 : i32
      %add3A_83 = arith.addi %mul3A_81, %add3A_82 : i32
      %scan3A_84 = arith.constant 0 : i32
      %scan3A_85 = arith.constant 8 : i32
      %scan3A_86 = arith.addi %scan3A_84, %scan3A_85 : i32
      %scan3A_87 = arith.constant 1 : i32
      scf.for %scan3A_124 = %scan3A_84 to %scan3A_86 step %scan3A_87  : i32 {
        %mul3A_125 = arith.constant 1 : i32
        %mul3A_126 = arith.muli %scan3A_124, %mul3A_125 : i32
        %add3A_127 = arith.constant 0 : i32
        %add3A_128 = arith.addi %add3A_127, %mul3A_126 : i32
        %mul3A_129 = arith.constant 128 : i32
        %mul3A_130 = arith.muli %add3A_83, %mul3A_129 : i32
        %mul3A_131 = arith.constant 16 : i32
        %mul3A_132 = arith.muli %add3A_128, %mul3A_131 : i32
        %add3A_133 = arith.addi %mul3A_130, %mul3A_132 : i32
        %get3A_134 = arith.index_cast %add3A_133 : i32 to index
        %get3A_135 = tpu.vector_load %arg4[%get3A_134] {strides = array<i32>} : memref<10000xi32, #tpu.memory_space<vmem>>, vector<16xi32>,
        %get3A_136 = vector.shape_cast %get3A_135 : vector<16xi32> to vector<16xi32>
        %and3A = arith.constant 65535 : i32
        %and3A_137 = vector.broadcast %and3A : i32 to vector<16xi32>
        %and3A_138 = arith.andi %get3A_136, %and3A_137 : vector<16xi32>
        %mul3A_139 = arith.constant 16 : i32
        %mul3A_140 = arith.muli %add3A_128, %mul3A_139 : i32
        %swap3A_141 = arith.index_cast %mul3A_140 : i32 to index
        %swap3A_142 = tpu.vector_load %arg11[%swap3A_141] {strides = array<i32>} : memref<128xi32, #tpu.memory_space<vmem>>, vector<16xi32>,
        %swap3A_143 = vector.shape_cast %swap3A_142 : vector<16xi32> to vector<16xi32>
        %swap3A_144 = vector.shape_cast %and3A_138 : vector<16xi32> to vector<16xi32>
        tpu.vector_store %arg11[%swap3A_141], %swap3A_144 {strides = array<i32>} : memref<128xi32, #tpu.memory_space<vmem>>, vector<16xi32>,
        %shift_right_arithmetic3A_145 = arith.constant 16 : i32
        %shift_right_arithmetic3A_146 = vector.broadcast %shift_right_arithmetic3A_145 : i32 to vector<16xi32>
        %shift_right_arithmetic3A_147 = arith.shrsi %get3A_136, %shift_right_arithmetic3A_146 : vector<16xi32>
        %mul3A_148 = arith.constant 16 : i32
        %mul3A_149 = arith.muli %add3A_128, %mul3A_148 : i32
        %swap3A_150 = arith.index_cast %mul3A_149 : i32 to index
        %swap3A_151 = tpu.vector_load %arg8[%swap3A_150] {strides = array<i32>} : memref<128xi32, #tpu.memory_space<vmem>>, vector<16xi32>,
        %swap3A_152 = vector.shape_cast %swap3A_151 : vector<16xi32> to vector<16xi32>
        %swap3A_153 = vector.shape_cast %shift_right_arithmetic3A_147 : vector<16xi32> to vector<16xi32>
        tpu.vector_store %arg8[%swap3A_150], %swap3A_153 {strides = array<i32>} : memref<128xi32, #tpu.memory_space<vmem>>, vector<16xi32>,
      }
      %scan3A_88 = arith.constant 8 : i32
      %dma_start3A_89 = arith.constant 0 : i32
      %dma_start3A_90 = tpu.memref_slice %arg14[%dma_start3A_89] : memref<10240xf32, #tpu.memory_space<vmem_shared>> -> memref<10240xf32, #tpu.memory_space<vmem_shared>>
      tpu.enqueue_indirect_dma source(%arg12 : memref<128xf32, #tpu.memory_space<vmem>>) target(%dma_start3A_90 : memref<10240xf32, #tpu.memory_space<vmem_shared>>) offsets(%arg8 : memref<128xi32, #tpu.memory_space<vmem>>) semaphore(%arg15 : memref<!tpu.dma_semaphore, #tpu.memory_space<semaphore_mem>>) {add = true}
      %mul3A_91 = arith.constant 6 : i32
      %mul3A_92 = arith.muli %add3A_47, %mul3A_91 : i32
      %add3A_93 = arith.constant 4 : i32
      %add3A_94 = arith.addi %mul3A_92, %add3A_93 : i32
      %scan3A_95 = arith.constant 0 : i32
      %scan3A_96 = arith.constant 8 : i32
      %scan3A_97 = arith.addi %scan3A_95, %scan3A_96 : i32
      %scan3A_98 = arith.constant 1 : i32
      scf.for %scan3A_124 = %scan3A_95 to %scan3A_97 step %scan3A_98  : i32 {
        %mul3A_125 = arith.constant 1 : i32
        %mul3A_126 = arith.muli %scan3A_124, %mul3A_125 : i32
        %add3A_127 = arith.constant 0 : i32
        %add3A_128 = arith.addi %add3A_127, %mul3A_126 : i32
        %mul3A_129 = arith.constant 128 : i32
        %mul3A_130 = arith.muli %add3A_94, %mul3A_129 : i32
        %mul3A_131 = arith.constant 16 : i32
        %mul3A_132 = arith.muli %add3A_128, %mul3A_131 : i32
        %add3A_133 = arith.addi %mul3A_130, %mul3A_132 : i32
        %get3A_134 = arith.index_cast %add3A_133 : i32 to index
        %get3A_135 = tpu.vector_load %arg4[%get3A_134] {strides = array<i32>} : memref<10000xi32, #tpu.memory_space<vmem>>, vector<16xi32>,
        %get3A_136 = vector.shape_cast %get3A_135 : vector<16xi32> to vector<16xi32>
        %and3A = arith.constant 65535 : i32
        %and3A_137 = vector.broadcast %and3A : i32 to vector<16xi32>
        %and3A_138 = arith.andi %get3A_136, %and3A_137 : vector<16xi32>
        %mul3A_139 = arith.constant 16 : i32
        %mul3A_140 = arith.muli %add3A_128, %mul3A_139 : i32
        %swap3A_141 = arith.index_cast %mul3A_140 : i32 to index
        %swap3A_142 = tpu.vector_load %arg11[%swap3A_141] {strides = array<i32>} : memref<128xi32, #tpu.memory_space<vmem>>, vector<16xi32>,
        %swap3A_143 = vector.shape_cast %swap3A_142 : vector<16xi32> to vector<16xi32>
        %swap3A_144 = vector.shape_cast %and3A_138 : vector<16xi32> to vector<16xi32>
        tpu.vector_store %arg11[%swap3A_141], %swap3A_144 {strides = array<i32>} : memref<128xi32, #tpu.memory_space<vmem>>, vector<16xi32>,
        %shift_right_arithmetic3A_145 = arith.constant 16 : i32
        %shift_right_arithmetic3A_146 = vector.broadcast %shift_right_arithmetic3A_145 : i32 to vector<16xi32>
        %shift_right_arithmetic3A_147 = arith.shrsi %get3A_136, %shift_right_arithmetic3A_146 : vector<16xi32>
        %mul3A_148 = arith.constant 16 : i32
        %mul3A_149 = arith.muli %add3A_128, %mul3A_148 : i32
        %swap3A_150 = arith.index_cast %mul3A_149 : i32 to index
        %swap3A_151 = tpu.vector_load %arg9[%swap3A_150] {strides = array<i32>} : memref<128xi32, #tpu.memory_space<vmem>>, vector<16xi32>,
        %swap3A_152 = vector.shape_cast %swap3A_151 : vector<16xi32> to vector<16xi32>
        %swap3A_153 = vector.shape_cast %shift_right_arithmetic3A_147 : vector<16xi32> to vector<16xi32>
        tpu.vector_store %arg9[%swap3A_150], %swap3A_153 {strides = array<i32>} : memref<128xi32, #tpu.memory_space<vmem>>, vector<16xi32>,
      }
      %scan3A_99 = arith.constant 8 : i32
      %dma_start3A_100 = arith.constant 0 : i32
      %dma_start3A_101 = tpu.memref_slice %arg14[%dma_start3A_100] : memref<10240xf32, #tpu.memory_space<vmem_shared>> -> memref<10240xf32, #tpu.memory_space<vmem_shared>>
      tpu.enqueue_indirect_dma source(%arg12 : memref<128xf32, #tpu.memory_space<vmem>>) target(%dma_start3A_101 : memref<10240xf32, #tpu.memory_space<vmem_shared>>) offsets(%arg9 : memref<128xi32, #tpu.memory_space<vmem>>) semaphore(%arg15 : memref<!tpu.dma_semaphore, #tpu.memory_space<semaphore_mem>>) {add = true}
      %mul3A_102 = arith.constant 6 : i32
      %mul3A_103 = arith.muli %add3A_47, %mul3A_102 : i32
      %add3A_104 = arith.constant 5 : i32
      %add3A_105 = arith.addi %mul3A_103, %add3A_104 : i32
      %scan3A_106 = arith.constant 0 : i32
      %scan3A_107 = arith.constant 8 : i32
      %scan3A_108 = arith.addi %scan3A_106, %scan3A_107 : i32
      %scan3A_109 = arith.constant 1 : i32
      scf.for %scan3A_124 = %scan3A_106 to %scan3A_108 step %scan3A_109  : i32 {
        %mul3A_125 = arith.constant 1 : i32
        %mul3A_126 = arith.muli %scan3A_124, %mul3A_125 : i32
        %add3A_127 = arith.constant 0 : i32
        %add3A_128 = arith.addi %add3A_127, %mul3A_126 : i32
        %mul3A_129 = arith.constant 128 : i32
        %mul3A_130 = arith.muli %add3A_105, %mul3A_129 : i32
        %mul3A_131 = arith.constant 16 : i32
        %mul3A_132 = arith.muli %add3A_128, %mul3A_131 : i32
        %add3A_133 = arith.addi %mul3A_130, %mul3A_132 : i32
        %get3A_134 = arith.index_cast %add3A_133 : i32 to index
        %get3A_135 = tpu.vector_load %arg4[%get3A_134] {strides = array<i32>} : memref<10000xi32, #tpu.memory_space<vmem>>, vector<16xi32>,
        %get3A_136 = vector.shape_cast %get3A_135 : vector<16xi32> to vector<16xi32>
        %and3A = arith.constant 65535 : i32
        %and3A_137 = vector.broadcast %and3A : i32 to vector<16xi32>
        %and3A_138 = arith.andi %get3A_136, %and3A_137 : vector<16xi32>
        %mul3A_139 = arith.constant 16 : i32
        %mul3A_140 = arith.muli %add3A_128, %mul3A_139 : i32
        %swap3A_141 = arith.index_cast %mul3A_140 : i32 to index
        %swap3A_142 = tpu.vector_load %arg11[%swap3A_141] {strides = array<i32>} : memref<128xi32, #tpu.memory_space<vmem>>, vector<16xi32>,
        %swap3A_143 = vector.shape_cast %swap3A_142 : vector<16xi32> to vector<16xi32>
        %swap3A_144 = vector.shape_cast %and3A_138 : vector<16xi32> to vector<16xi32>
        tpu.vector_store %arg11[%swap3A_141], %swap3A_144 {strides = array<i32>} : memref<128xi32, #tpu.memory_space<vmem>>, vector<16xi32>,
        %shift_right_arithmetic3A_145 = arith.constant 16 : i32
        %shift_right_arithmetic3A_146 = vector.broadcast %shift_right_arithmetic3A_145 : i32 to vector<16xi32>
        %shift_right_arithmetic3A_147 = arith.shrsi %get3A_136, %shift_right_arithmetic3A_146 : vector<16xi32>
        %mul3A_148 = arith.constant 16 : i32
        %mul3A_149 = arith.muli %add3A_128, %mul3A_148 : i32
        %swap3A_150 = arith.index_cast %mul3A_149 : i32 to index
        %swap3A_151 = tpu.vector_load %arg10[%swap3A_150] {strides = array<i32>} : memref<128xi32, #tpu.memory_space<vmem>>, vector<16xi32>,
        %swap3A_152 = vector.shape_cast %swap3A_151 : vector<16xi32> to vector<16xi32>
        %swap3A_153 = vector.shape_cast %shift_right_arithmetic3A_147 : vector<16xi32> to vector<16xi32>
        tpu.vector_store %arg10[%swap3A_150], %swap3A_153 {strides = array<i32>} : memref<128xi32, #tpu.memory_space<vmem>>, vector<16xi32>,
      }
      %scan3A_110 = arith.constant 8 : i32
      %dma_start3A_111 = arith.constant 0 : i32
      %dma_start3A_112 = tpu.memref_slice %arg14[%dma_start3A_111] : memref<10240xf32, #tpu.memory_space<vmem_shared>> -> memref<10240xf32, #tpu.memory_space<vmem_shared>>
      tpu.enqueue_indirect_dma source(%arg12 : memref<128xf32, #tpu.memory_space<vmem>>) target(%dma_start3A_112 : memref<10240xf32, #tpu.memory_space<vmem_shared>>) offsets(%arg10 : memref<128xi32, #tpu.memory_space<vmem>>) semaphore(%arg15 : memref<!tpu.dma_semaphore, #tpu.memory_space<semaphore_mem>>) {add = true}
      %dma_wait3A = arith.constant 0 : i32
      %dma_wait3A_113 = tpu.memref_slice %arg14[%dma_wait3A] : memref<10240xf32, #tpu.memory_space<vmem_shared>> -> memref<10240xf32, #tpu.memory_space<vmem_shared>>
      tpu.wait_indirect_dma semaphore(%arg15 : memref<!tpu.dma_semaphore, #tpu.memory_space<semaphore_mem>>) src(%arg12 : memref<128xf32, #tpu.memory_space<vmem>>) dst(%dma_wait3A_113 : memref<10240xf32, #tpu.memory_space<vmem_shared>>)
      %dma_wait3A_114 = arith.constant 0 : i32
      %dma_wait3A_115 = tpu.memref_slice %arg14[%dma_wait3A_114] : memref<10240xf32, #tpu.memory_space<vmem_shared>> -> memref<10240xf32, #tpu.memory_space<vmem_shared>>
      tpu.wait_indirect_dma semaphore(%arg15 : memref<!tpu.dma_semaphore, #tpu.memory_space<semaphore_mem>>) src(%arg12 : memref<128xf32, #tpu.memory_space<vmem>>) dst(%dma_wait3A_115 : memref<10240xf32, #tpu.memory_space<vmem_shared>>)
      %dma_wait3A_116 = arith.constant 0 : i32
      %dma_wait3A_117 = tpu.memref_slice %arg14[%dma_wait3A_116] : memref<10240xf32, #tpu.memory_space<vmem_shared>> -> memref<10240xf32, #tpu.memory_space<vmem_shared>>
      tpu.wait_indirect_dma semaphore(%arg15 : memref<!tpu.dma_semaphore, #tpu.memory_space<semaphore_mem>>) src(%arg12 : memref<128xf32, #tpu.memory_space<vmem>>) dst(%dma_wait3A_117 : memref<10240xf32, #tpu.memory_space<vmem_shared>>)
      %dma_wait3A_118 = arith.constant 0 : i32
      %dma_wait3A_119 = tpu.memref_slice %arg14[%dma_wait3A_118] : memref<10240xf32, #tpu.memory_space<vmem_shared>> -> memref<10240xf32, #tpu.memory_space<vmem_shared>>
      tpu.wait_indirect_dma semaphore(%arg15 : memref<!tpu.dma_semaphore, #tpu.memory_space<semaphore_mem>>) src(%arg12 : memref<128xf32, #tpu.memory_space<vmem>>) dst(%dma_wait3A_119 : memref<10240xf32, #tpu.memory_space<vmem_shared>>)
      %dma_wait3A_120 = arith.constant 0 : i32
      %dma_wait3A_121 = tpu.memref_slice %arg14[%dma_wait3A_120] : memref<10240xf32, #tpu.memory_space<vmem_shared>> -> memref<10240xf32, #tpu.memory_space<vmem_shared>>
      tpu.wait_indirect_dma semaphore(%arg15 : memref<!tpu.dma_semaphore, #tpu.memory_space<semaphore_mem>>) src(%arg12 : memref<128xf32, #tpu.memory_space<vmem>>) dst(%dma_wait3A_121 : memref<10240xf32, #tpu.memory_space<vmem_shared>>)
      %dma_wait3A_122 = arith.constant 0 : i32
      %dma_wait3A_123 = tpu.memref_slice %arg14[%dma_wait3A_122] : memref<10240xf32, #tpu.memory_space<vmem_shared>> -> memref<10240xf32, #tpu.memory_space<vmem_shared>>
      tpu.wait_indirect_dma semaphore(%arg15 : memref<!tpu.dma_semaphore, #tpu.memory_space<semaphore_mem>>) src(%arg12 : memref<128xf32, #tpu.memory_space<vmem>>) dst(%dma_wait3A_123 : memref<10240xf32, #tpu.memory_space<vmem_shared>>)
    }
    %scan3A_18 = arith.constant 13 : i32
    %scan3A_19 = arith.constant 0 : i32
    %mul3A_20 = arith.constant 1 : i32
    %mul3A_21 = arith.muli %scan3A_19, %mul3A_20 : i32
    %add3A_22 = arith.constant 0 : i32
    %add3A_23 = arith.addi %add3A_22, %mul3A_21 : i32
    %mul3A_24 = arith.constant 16 : i32
    %mul3A_25 = arith.muli %add3A_23, %mul3A_24 : i32
    %add3A_26 = arith.constant 9984 : i32
    %add3A_27 = arith.addi %add3A_26, %mul3A_25 : i32
    %get3A = arith.index_cast %add3A_27 : i32 to index
    %get3A_28 = tpu.vector_load %arg4[%get3A] {strides = array<i32>} : memref<10000xi32, #tpu.memory_space<vmem>>, vector<16xi32>,
    %get3A_29 = vector.shape_cast %get3A_28 : vector<16xi32> to vector<16xi32>
    %shift_right_arithmetic3A = arith.constant 16 : i32
    %shift_right_arithmetic3A_30 = vector.broadcast %shift_right_arithmetic3A : i32 to vector<16xi32>
    %shift_right_arithmetic3A_31 = arith.shrsi %get3A_29, %shift_right_arithmetic3A_30 : vector<16xi32>
    %mul3A_32 = arith.constant 16 : i32
    %mul3A_33 = arith.muli %add3A_23, %mul3A_32 : i32
    %swap3A = arith.index_cast %mul3A_33 : i32 to index
    %swap3A_34 = tpu.vector_load %arg5[%swap3A] {strides = array<i32>} : memref<128xi32, #tpu.memory_space<vmem>>, vector<16xi32>,
    %swap3A_35 = vector.shape_cast %swap3A_34 : vector<16xi32> to vector<16xi32>
    %swap3A_36 = vector.shape_cast %shift_right_arithmetic3A_31 : vector<16xi32> to vector<16xi32>
    tpu.vector_store %arg5[%swap3A], %swap3A_36 {strides = array<i32>} : memref<128xi32, #tpu.memory_space<vmem>>, vector<16xi32>,
    %scan3A_37 = arith.constant 1 : i32
    "tpu.region"() ({
      %run_scoped3A = tpu.sem_alloc : memref<!tpu.dma_semaphore, #tpu.memory_space<semaphore_mem>>
      %dma_start3A = arith.constant 0 : i32
      %dma_start3A_43 = tpu.memref_slice %arg12[%dma_start3A] : memref<128xf32, #tpu.memory_space<vmem>> -> memref<16xf32, #tpu.memory_space<vmem>>
      %dma_start3A_44 = arith.constant 0 : i32
      %dma_start3A_45 = tpu.memref_slice %arg5[%dma_start3A_44] : memref<128xi32, #tpu.memory_space<vmem>> -> memref<16xi32, #tpu.memory_space<vmem>>
      %dma_start3A_46 = arith.constant 0 : i32
      %dma_start3A_47 = tpu.memref_slice %arg14[%dma_start3A_46] : memref<10240xf32, #tpu.memory_space<vmem_shared>> -> memref<10240xf32, #tpu.memory_space<vmem_shared>>
      tpu.enqueue_indirect_dma source(%dma_start3A_43 : memref<16xf32, #tpu.memory_space<vmem>>) target(%dma_start3A_47 : memref<10240xf32, #tpu.memory_space<vmem_shared>>) offsets(%dma_start3A_45 : memref<16xi32, #tpu.memory_space<vmem>>) semaphore(%run_scoped3A : memref<!tpu.dma_semaphore, #tpu.memory_space<semaphore_mem>>) {add = true}
      %dma_wait3A = arith.constant 0 : i32
      %dma_wait3A_48 = tpu.memref_slice %arg12[%dma_wait3A] : memref<128xf32, #tpu.memory_space<vmem>> -> memref<16xf32, #tpu.memory_space<vmem>>
      %dma_wait3A_49 = arith.constant 0 : i32
      %dma_wait3A_50 = tpu.memref_slice %arg5[%dma_wait3A_49] : memref<128xi32, #tpu.memory_space<vmem>> -> memref<16xi32, #tpu.memory_space<vmem>>
      %dma_wait3A_51 = arith.constant 0 : i32
      %dma_wait3A_52 = tpu.memref_slice %arg14[%dma_wait3A_51] : memref<10240xf32, #tpu.memory_space<vmem_shared>> -> memref<10240xf32, #tpu.memory_space<vmem_shared>>
      tpu.wait_indirect_dma semaphore(%run_scoped3A : memref<!tpu.dma_semaphore, #tpu.memory_space<semaphore_mem>>) src(%dma_wait3A_48 : memref<16xf32, #tpu.memory_space<vmem>>) dst(%dma_wait3A_52 : memref<10240xf32, #tpu.memory_space<vmem_shared>>)
      tpu.yield
    }) : () -> ()
    %barrier3A_38 = arith.constant 0 : index
    tpu.barrier barrier_id(%barrier3A_38)
    %mul3A_39 = arith.constant 640 : i32
    %mul3A_40 = arith.muli %arg1, %mul3A_39 : i32
    %mul3A_41 = arith.constant 640 : i32
    %mul3A_42 = arith.muli %arg1, %mul3A_41 : i32
    "tpu.region"() ({
      %run_scoped3A = tpu.sem_alloc : memref<!tpu.dma_semaphore, #tpu.memory_space<semaphore_mem>>
      %dma_start3A = tpu.memref_slice %arg3[%arg0, %mul3A_42] : memref<2x10240xf32, #tpu.memory_space<hbm>> -> memref<1x640xf32, #tpu.memory_space<hbm>>
      %dma_start3A_43 = tpu.memref_squeeze %dma_start3A : memref<1x640xf32, #tpu.memory_space<hbm>> -> memref<640xf32, #tpu.memory_space<hbm>>
      %dma_start3A_44 = tpu.memref_slice %arg14[%mul3A_40] : memref<10240xf32, #tpu.memory_space<vmem_shared>> -> memref<640xf32, #tpu.memory_space<vmem_shared>>
      tpu.enqueue_dma source(%dma_start3A_44 : memref<640xf32, #tpu.memory_space<vmem_shared>>) target(%dma_start3A_43 : memref<640xf32, #tpu.memory_space<hbm>>) target_semaphore(%run_scoped3A : memref<!tpu.dma_semaphore, #tpu.memory_space<semaphore_mem>>)
      %dma_wait3A = tpu.memref_slice %arg3[%arg0, %mul3A_42] : memref<2x10240xf32, #tpu.memory_space<hbm>> -> memref<1x640xf32, #tpu.memory_space<hbm>>
      %dma_wait3A_45 = tpu.memref_squeeze %dma_wait3A : memref<1x640xf32, #tpu.memory_space<hbm>> -> memref<640xf32, #tpu.memory_space<hbm>>
      %dma_wait3A_46 = tpu.memref_slice %arg14[%mul3A_40] : memref<10240xf32, #tpu.memory_space<vmem_shared>> -> memref<640xf32, #tpu.memory_space<vmem_shared>>
      tpu.wait_dma2 semaphore(%run_scoped3A : memref<!tpu.dma_semaphore, #tpu.memory_space<semaphore_mem>>) src(%dma_wait3A_46 : memref<640xf32, #tpu.memory_space<vmem_shared>>) dst(%dma_wait3A_45 : memref<640xf32, #tpu.memory_space<hbm>>)
      tpu.yield
    }) : () -> ()
    return
  }
}

#map = affine_map<(d0, d1) -> (0, 0)>
#map1 = affine_map<(d0, d1) -> (0)>
#map2 = affine_map<(d0, d1) -> (0, 0, 0)>
module attributes {stable_mosaic.version = 14 : i64} {
  func.func @agg_kernel(%arg0: i32, %arg1: i32, %arg2: memref<10000x64xf32, #tpu.memory_space<hbm>>, %arg3: memref<320000xi32, #tpu.memory_space<hbm>>, %arg4: memref<2x10240x64xf32, #tpu.memory_space<hbm>>, %arg5: memref<10000xi32, #tpu.memory_space<vmem>>, %arg6: memref<64xi32, #tpu.memory_space<vmem>>, %arg7: memref<64xi32, #tpu.memory_space<vmem>>, %arg8: memref<64xi32, #tpu.memory_space<vmem>>, %arg9: memref<64xi32, #tpu.memory_space<vmem>>, %arg10: memref<64xi32, #tpu.memory_space<vmem>>, %arg11: memref<64xi32, #tpu.memory_space<vmem>>, %arg12: memref<64xi32, #tpu.memory_space<vmem>>, %arg13: memref<64xi32, #tpu.memory_space<vmem>>, %arg14: memref<64x64xf32, #tpu.memory_space<vmem>>, %arg15: memref<64x64xf32, #tpu.memory_space<vmem>>, %arg16: memref<64x64xf32, #tpu.memory_space<vmem>>, %arg17: memref<64x64xf32, #tpu.memory_space<vmem>>, %arg18: memref<16xi32, #tpu.memory_space<vmem>>, %arg19: memref<16xi32, #tpu.memory_space<vmem>>, %arg20: memref<16x64xf32, #tpu.memory_space<vmem>>, %arg21: memref<10240x64xf32, #tpu.memory_space<vmem_shared>>, %arg22: memref<!tpu.dma_semaphore, #tpu.memory_space<semaphore_mem>>, %arg23: memref<!tpu.dma_semaphore, #tpu.memory_space<semaphore_mem>>, %arg24: memref<!tpu.dma_semaphore, #tpu.memory_space<semaphore_mem>>, %arg25: memref<!tpu.dma_semaphore, #tpu.memory_space<semaphore_mem>>) attributes {dimension_semantics = [#tpu.dimension_semantics<core_parallel>, #tpu.dimension_semantics<subcore_parallel>], iteration_bounds = array<i64: 2, 16>, scalar_prefetch = 0 : i64, scratch_operands = 21 : i64, tpu.core_type = #tpu.core_type<sc_vector_subcore>, window_params = [{transform_indices = #map}, {transform_indices = #map1}, {transform_indices = #map2}]} {
    %mul3A = arith.constant 16 : i32
    %mul3A_0 = arith.muli %arg0, %mul3A : i32
    %add3A = arith.addi %mul3A_0, %arg1 : i32
    %mul3A_1 = arith.constant 10000 : i32
    %mul3A_2 = arith.muli %add3A, %mul3A_1 : i32
    %dma_start3A = tpu.memref_slice %arg3[%mul3A_2] : memref<320000xi32, #tpu.memory_space<hbm>> -> memref<10000xi32, #tpu.memory_space<hbm>>
    %dma_start3A_3 = tpu.memref_slice %arg3[%mul3A_2] : memref<320000xi32, #tpu.memory_space<hbm>> -> memref<10000xi32, #tpu.memory_space<hbm>>
    tpu.enqueue_dma source(%dma_start3A_3 : memref<10000xi32, #tpu.memory_space<hbm>>) target(%arg5 : memref<10000xi32, #tpu.memory_space<vmem>>) target_semaphore(%arg22 : memref<!tpu.dma_semaphore, #tpu.memory_space<semaphore_mem>>)
    %scan3A = arith.constant 0 : i32
    %scan3A_4 = arith.constant 64 : i32
    %scan3A_5 = arith.addi %scan3A, %scan3A_4 : i32
    %scan3A_6 = arith.constant 1 : i32
    scf.for %scan3A_91 = %scan3A to %scan3A_5 step %scan3A_6  : i32 {
      %mul3A_92 = arith.constant 1 : i32
      %mul3A_93 = arith.muli %scan3A_91, %mul3A_92 : i32
      %add3A_94 = arith.constant 0 : i32
      %add3A_95 = arith.addi %add3A_94, %mul3A_93 : i32
      %broadcast_in_dim3A = arith.constant 0.000000e+00 : f32
      %broadcast_in_dim3A_96 = vector.broadcast %broadcast_in_dim3A : f32 to vector<1x16xf32>
      %swap3A_97 = arith.index_cast %add3A_95 : i32 to index
      %swap3A_98 = arith.constant 0 : index
      %swap3A_99 = tpu.vector_load %arg14[%swap3A_97, %swap3A_98] {strides = array<i32>} : memref<64x64xf32, #tpu.memory_space<vmem>>, vector<1x16xf32>,
      %swap3A_100 = vector.shape_cast %swap3A_99 : vector<1x16xf32> to vector<1x16xf32>
      %swap3A_101 = vector.shape_cast %broadcast_in_dim3A_96 : vector<1x16xf32> to vector<1x16xf32>
      tpu.vector_store %arg14[%swap3A_97, %swap3A_98], %swap3A_101 {strides = array<i32>} : memref<64x64xf32, #tpu.memory_space<vmem>>, vector<1x16xf32>,
      %broadcast_in_dim3A_102 = arith.constant 0.000000e+00 : f32
      %broadcast_in_dim3A_103 = vector.broadcast %broadcast_in_dim3A_102 : f32 to vector<1x16xf32>
      %swap3A_104 = arith.index_cast %add3A_95 : i32 to index
      %swap3A_105 = arith.constant 16 : index
      %swap3A_106 = tpu.vector_load %arg14[%swap3A_104, %swap3A_105] {strides = array<i32>} : memref<64x64xf32, #tpu.memory_space<vmem>>, vector<1x16xf32>,
      %swap3A_107 = vector.shape_cast %swap3A_106 : vector<1x16xf32> to vector<1x16xf32>
      %swap3A_108 = vector.shape_cast %broadcast_in_dim3A_103 : vector<1x16xf32> to vector<1x16xf32>
      tpu.vector_store %arg14[%swap3A_104, %swap3A_105], %swap3A_108 {strides = array<i32>} : memref<64x64xf32, #tpu.memory_space<vmem>>, vector<1x16xf32>,
      %broadcast_in_dim3A_109 = arith.constant 0.000000e+00 : f32
      %broadcast_in_dim3A_110 = vector.broadcast %broadcast_in_dim3A_109 : f32 to vector<1x16xf32>
      %swap3A_111 = arith.index_cast %add3A_95 : i32 to index
      %swap3A_112 = arith.constant 32 : index
      %swap3A_113 = tpu.vector_load %arg14[%swap3A_111, %swap3A_112] {strides = array<i32>} : memref<64x64xf32, #tpu.memory_space<vmem>>, vector<1x16xf32>,
      %swap3A_114 = vector.shape_cast %swap3A_113 : vector<1x16xf32> to vector<1x16xf32>
      %swap3A_115 = vector.shape_cast %broadcast_in_dim3A_110 : vector<1x16xf32> to vector<1x16xf32>
      tpu.vector_store %arg14[%swap3A_111, %swap3A_112], %swap3A_115 {strides = array<i32>} : memref<64x64xf32, #tpu.memory_space<vmem>>, vector<1x16xf32>,
      %broadcast_in_dim3A_116 = arith.constant 0.000000e+00 : f32
      %broadcast_in_dim3A_117 = vector.broadcast %broadcast_in_dim3A_116 : f32 to vector<1x16xf32>
      %swap3A_118 = arith.index_cast %add3A_95 : i32 to index
      %swap3A_119 = arith.constant 48 : index
      %swap3A_120 = tpu.vector_load %arg14[%swap3A_118, %swap3A_119] {strides = array<i32>} : memref<64x64xf32, #tpu.memory_space<vmem>>, vector<1x16xf32>,
      %swap3A_121 = vector.shape_cast %swap3A_120 : vector<1x16xf32> to vector<1x16xf32>
      %swap3A_122 = vector.shape_cast %broadcast_in_dim3A_117 : vector<1x16xf32> to vector<1x16xf32>
      tpu.vector_store %arg14[%swap3A_118, %swap3A_119], %swap3A_122 {strides = array<i32>} : memref<64x64xf32, #tpu.memory_space<vmem>>, vector<1x16xf32>,
    }
    %scan3A_7 = arith.constant 64 : i32
    %scan3A_8 = arith.constant 0 : i32
    %scan3A_9 = arith.constant 10 : i32
    %scan3A_10 = arith.addi %scan3A_8, %scan3A_9 : i32
    %scan3A_11 = arith.constant 1 : i32
    scf.for %scan3A_91 = %scan3A_8 to %scan3A_10 step %scan3A_11  : i32 {
      %mul3A_92 = arith.constant 1 : i32
      %mul3A_93 = arith.muli %scan3A_91, %mul3A_92 : i32
      %add3A_94 = arith.constant 0 : i32
      %add3A_95 = arith.addi %add3A_94, %mul3A_93 : i32
      %mul3A_96 = arith.constant 640 : i32
      %mul3A_97 = arith.muli %arg1, %mul3A_96 : i32
      %mul3A_98 = arith.constant 64 : i32
      %mul3A_99 = arith.muli %add3A_95, %mul3A_98 : i32
      %add3A_100 = arith.addi %mul3A_97, %mul3A_99 : i32
      "tpu.region"() ({
        %run_scoped3A = tpu.sem_alloc : memref<!tpu.dma_semaphore, #tpu.memory_space<semaphore_mem>>
        %dma_start3A_101 = arith.constant 0 : i32
        %dma_start3A_102 = tpu.memref_slice %arg21[%add3A_100, %dma_start3A_101] : memref<10240x64xf32, #tpu.memory_space<vmem_shared>> -> memref<64x64xf32, #tpu.memory_space<vmem_shared>>
        %dma_start3A_103 = arith.constant 0 : i32
        %dma_start3A_104 = tpu.memref_slice %arg21[%add3A_100, %dma_start3A_103] : memref<10240x64xf32, #tpu.memory_space<vmem_shared>> -> memref<64x64xf32, #tpu.memory_space<vmem_shared>>
        tpu.enqueue_dma source(%arg14 : memref<64x64xf32, #tpu.memory_space<vmem>>) target(%dma_start3A_104 : memref<64x64xf32, #tpu.memory_space<vmem_shared>>) target_semaphore(%run_scoped3A : memref<!tpu.dma_semaphore, #tpu.memory_space<semaphore_mem>>)
        %dma_wait3A_105 = arith.constant 0 : i32
        %dma_wait3A_106 = tpu.memref_slice %arg21[%add3A_100, %dma_wait3A_105] : memref<10240x64xf32, #tpu.memory_space<vmem_shared>> -> memref<64x64xf32, #tpu.memory_space<vmem_shared>>
        %dma_wait3A_107 = arith.constant 0 : i32
        %dma_wait3A_108 = tpu.memref_slice %arg21[%add3A_100, %dma_wait3A_107] : memref<10240x64xf32, #tpu.memory_space<vmem_shared>> -> memref<64x64xf32, #tpu.memory_space<vmem_shared>>
        tpu.wait_dma2 semaphore(%run_scoped3A : memref<!tpu.dma_semaphore, #tpu.memory_space<semaphore_mem>>) src(%arg14 : memref<64x64xf32, #tpu.memory_space<vmem>>) dst(%dma_wait3A_108 : memref<64x64xf32, #tpu.memory_space<vmem_shared>>)
        tpu.yield
      }) : () -> ()
    }
    %scan3A_12 = arith.constant 10 : i32
    %mul3A_13 = arith.constant 10000 : i32
    %mul3A_14 = arith.muli %add3A, %mul3A_13 : i32
    %dma_wait3A = tpu.memref_slice %arg3[%mul3A_14] : memref<320000xi32, #tpu.memory_space<hbm>> -> memref<10000xi32, #tpu.memory_space<hbm>>
    %dma_wait3A_15 = tpu.memref_slice %arg3[%mul3A_14] : memref<320000xi32, #tpu.memory_space<hbm>> -> memref<10000xi32, #tpu.memory_space<hbm>>
    tpu.wait_dma2 semaphore(%arg22 : memref<!tpu.dma_semaphore, #tpu.memory_space<semaphore_mem>>) src(%dma_wait3A_15 : memref<10000xi32, #tpu.memory_space<hbm>>) dst(%arg5 : memref<10000xi32, #tpu.memory_space<vmem>>)
    %barrier3A = arith.constant 0 : index
    tpu.barrier barrier_id(%barrier3A)
    %scan3A_16 = arith.constant 0 : i32
    %scan3A_17 = arith.constant 4 : i32
    %scan3A_18 = arith.addi %scan3A_16, %scan3A_17 : i32
    %scan3A_19 = arith.constant 1 : i32
    scf.for %scan3A_91 = %scan3A_16 to %scan3A_18 step %scan3A_19  : i32 {
      %mul3A_92 = arith.constant 1 : i32
      %mul3A_93 = arith.muli %scan3A_91, %mul3A_92 : i32
      %add3A_94 = arith.constant 0 : i32
      %add3A_95 = arith.addi %add3A_94, %mul3A_93 : i32
      %mul3A_96 = arith.constant 16 : i32
      %mul3A_97 = arith.muli %add3A_95, %mul3A_96 : i32
      %add3A_98 = arith.constant 0 : i32
      %add3A_99 = arith.addi %add3A_98, %mul3A_97 : i32
      %get3A_100 = arith.index_cast %add3A_99 : i32 to index
      %get3A_101 = tpu.vector_load %arg5[%get3A_100] {strides = array<i32>} : memref<10000xi32, #tpu.memory_space<vmem>>, vector<16xi32>,
      %get3A_102 = vector.shape_cast %get3A_101 : vector<16xi32> to vector<16xi32>
      %and3A_103 = arith.constant 65535 : i32
      %and3A_104 = vector.broadcast %and3A_103 : i32 to vector<16xi32>
      %and3A_105 = arith.andi %get3A_102, %and3A_104 : vector<16xi32>
      %mul3A_106 = arith.constant 16 : i32
      %mul3A_107 = arith.muli %add3A_95, %mul3A_106 : i32
      %swap3A_108 = arith.index_cast %mul3A_107 : i32 to index
      %swap3A_109 = tpu.vector_load %arg6[%swap3A_108] {strides = array<i32>} : memref<64xi32, #tpu.memory_space<vmem>>, vector<16xi32>,
      %swap3A_110 = vector.shape_cast %swap3A_109 : vector<16xi32> to vector<16xi32>
      %swap3A_111 = vector.shape_cast %and3A_105 : vector<16xi32> to vector<16xi32>
      tpu.vector_store %arg6[%swap3A_108], %swap3A_111 {strides = array<i32>} : memref<64xi32, #tpu.memory_space<vmem>>, vector<16xi32>,
      %shift_right_arithmetic3A_112 = arith.constant 16 : i32
      %shift_right_arithmetic3A_113 = vector.broadcast %shift_right_arithmetic3A_112 : i32 to vector<16xi32>
      %shift_right_arithmetic3A_114 = arith.shrsi %get3A_102, %shift_right_arithmetic3A_113 : vector<16xi32>
      %mul3A_115 = arith.constant 16 : i32
      %mul3A_116 = arith.muli %add3A_95, %mul3A_115 : i32
      %swap3A_117 = arith.index_cast %mul3A_116 : i32 to index
      %swap3A_118 = tpu.vector_load %arg10[%swap3A_117] {strides = array<i32>} : memref<64xi32, #tpu.memory_space<vmem>>, vector<16xi32>,
      %swap3A_119 = vector.shape_cast %swap3A_118 : vector<16xi32> to vector<16xi32>
      %swap3A_120 = vector.shape_cast %shift_right_arithmetic3A_114 : vector<16xi32> to vector<16xi32>
      tpu.vector_store %arg10[%swap3A_117], %swap3A_120 {strides = array<i32>} : memref<64xi32, #tpu.memory_space<vmem>>, vector<16xi32>,
    }
    %scan3A_20 = arith.constant 4 : i32
    %dma_start3A_21 = arith.constant 0 : i32
    %dma_start3A_22 = arith.constant 0 : i32
    %dma_start3A_23 = tpu.memref_slice %arg2[%dma_start3A_21, %dma_start3A_22] : memref<10000x64xf32, #tpu.memory_space<hbm>> -> memref<10000x64xf32, #tpu.memory_space<hbm>>
    tpu.enqueue_indirect_dma source(%dma_start3A_23 : memref<10000x64xf32, #tpu.memory_space<hbm>>) target(%arg14 : memref<64x64xf32, #tpu.memory_space<vmem>>) offsets(%arg6 : memref<64xi32, #tpu.memory_space<vmem>>) semaphore(%arg22 : memref<!tpu.dma_semaphore, #tpu.memory_space<semaphore_mem>>)
    %scan3A_24 = arith.constant 0 : i32
    %scan3A_25 = arith.constant 4 : i32
    %scan3A_26 = arith.addi %scan3A_24, %scan3A_25 : i32
    %scan3A_27 = arith.constant 1 : i32
    scf.for %scan3A_91 = %scan3A_24 to %scan3A_26 step %scan3A_27  : i32 {
      %mul3A_92 = arith.constant 1 : i32
      %mul3A_93 = arith.muli %scan3A_91, %mul3A_92 : i32
      %add3A_94 = arith.constant 0 : i32
      %add3A_95 = arith.addi %add3A_94, %mul3A_93 : i32
      %mul3A_96 = arith.constant 16 : i32
      %mul3A_97 = arith.muli %add3A_95, %mul3A_96 : i32
      %add3A_98 = arith.constant 64 : i32
      %add3A_99 = arith.addi %add3A_98, %mul3A_97 : i32
      %get3A_100 = arith.index_cast %add3A_99 : i32 to index
      %get3A_101 = tpu.vector_load %arg5[%get3A_100] {strides = array<i32>} : memref<10000xi32, #tpu.memory_space<vmem>>, vector<16xi32>,
      %get3A_102 = vector.shape_cast %get3A_101 : vector<16xi32> to vector<16xi32>
      %and3A_103 = arith.constant 65535 : i32
      %and3A_104 = vector.broadcast %and3A_103 : i32 to vector<16xi32>
      %and3A_105 = arith.andi %get3A_102, %and3A_104 : vector<16xi32>
      %mul3A_106 = arith.constant 16 : i32
      %mul3A_107 = arith.muli %add3A_95, %mul3A_106 : i32
      %swap3A_108 = arith.index_cast %mul3A_107 : i32 to index
      %swap3A_109 = tpu.vector_load %arg7[%swap3A_108] {strides = array<i32>} : memref<64xi32, #tpu.memory_space<vmem>>, vector<16xi32>,
      %swap3A_110 = vector.shape_cast %swap3A_109 : vector<16xi32> to vector<16xi32>
      %swap3A_111 = vector.shape_cast %and3A_105 : vector<16xi32> to vector<16xi32>
      tpu.vector_store %arg7[%swap3A_108], %swap3A_111 {strides = array<i32>} : memref<64xi32, #tpu.memory_space<vmem>>, vector<16xi32>,
      %shift_right_arithmetic3A_112 = arith.constant 16 : i32
      %shift_right_arithmetic3A_113 = vector.broadcast %shift_right_arithmetic3A_112 : i32 to vector<16xi32>
      %shift_right_arithmetic3A_114 = arith.shrsi %get3A_102, %shift_right_arithmetic3A_113 : vector<16xi32>
      %mul3A_115 = arith.constant 16 : i32
      %mul3A_116 = arith.muli %add3A_95, %mul3A_115 : i32
      %swap3A_117 = arith.index_cast %mul3A_116 : i32 to index
      %swap3A_118 = tpu.vector_load %arg11[%swap3A_117] {strides = array<i32>} : memref<64xi32, #tpu.memory_space<vmem>>, vector<16xi32>,
      %swap3A_119 = vector.shape_cast %swap3A_118 : vector<16xi32> to vector<16xi32>
      %swap3A_120 = vector.shape_cast %shift_right_arithmetic3A_114 : vector<16xi32> to vector<16xi32>
      tpu.vector_store %arg11[%swap3A_117], %swap3A_120 {strides = array<i32>} : memref<64xi32, #tpu.memory_space<vmem>>, vector<16xi32>,
    }
    %scan3A_28 = arith.constant 4 : i32
    %dma_start3A_29 = arith.constant 0 : i32
    %dma_start3A_30 = arith.constant 0 : i32
    %dma_start3A_31 = tpu.memref_slice %arg2[%dma_start3A_29, %dma_start3A_30] : memref<10000x64xf32, #tpu.memory_space<hbm>> -> memref<10000x64xf32, #tpu.memory_space<hbm>>
    tpu.enqueue_indirect_dma source(%dma_start3A_31 : memref<10000x64xf32, #tpu.memory_space<hbm>>) target(%arg15 : memref<64x64xf32, #tpu.memory_space<vmem>>) offsets(%arg7 : memref<64xi32, #tpu.memory_space<vmem>>) semaphore(%arg23 : memref<!tpu.dma_semaphore, #tpu.memory_space<semaphore_mem>>)
    %scan3A_32 = arith.constant 0 : i32
    %scan3A_33 = arith.constant 4 : i32
    %scan3A_34 = arith.addi %scan3A_32, %scan3A_33 : i32
    %scan3A_35 = arith.constant 1 : i32
    scf.for %scan3A_91 = %scan3A_32 to %scan3A_34 step %scan3A_35  : i32 {
      %mul3A_92 = arith.constant 1 : i32
      %mul3A_93 = arith.muli %scan3A_91, %mul3A_92 : i32
      %add3A_94 = arith.constant 0 : i32
      %add3A_95 = arith.addi %add3A_94, %mul3A_93 : i32
      %mul3A_96 = arith.constant 16 : i32
      %mul3A_97 = arith.muli %add3A_95, %mul3A_96 : i32
      %add3A_98 = arith.constant 128 : i32
      %add3A_99 = arith.addi %add3A_98, %mul3A_97 : i32
      %get3A_100 = arith.index_cast %add3A_99 : i32 to index
      %get3A_101 = tpu.vector_load %arg5[%get3A_100] {strides = array<i32>} : memref<10000xi32, #tpu.memory_space<vmem>>, vector<16xi32>,
      %get3A_102 = vector.shape_cast %get3A_101 : vector<16xi32> to vector<16xi32>
      %and3A_103 = arith.constant 65535 : i32
      %and3A_104 = vector.broadcast %and3A_103 : i32 to vector<16xi32>
      %and3A_105 = arith.andi %get3A_102, %and3A_104 : vector<16xi32>
      %mul3A_106 = arith.constant 16 : i32
      %mul3A_107 = arith.muli %add3A_95, %mul3A_106 : i32
      %swap3A_108 = arith.index_cast %mul3A_107 : i32 to index
      %swap3A_109 = tpu.vector_load %arg8[%swap3A_108] {strides = array<i32>} : memref<64xi32, #tpu.memory_space<vmem>>, vector<16xi32>,
      %swap3A_110 = vector.shape_cast %swap3A_109 : vector<16xi32> to vector<16xi32>
      %swap3A_111 = vector.shape_cast %and3A_105 : vector<16xi32> to vector<16xi32>
      tpu.vector_store %arg8[%swap3A_108], %swap3A_111 {strides = array<i32>} : memref<64xi32, #tpu.memory_space<vmem>>, vector<16xi32>,
      %shift_right_arithmetic3A_112 = arith.constant 16 : i32
      %shift_right_arithmetic3A_113 = vector.broadcast %shift_right_arithmetic3A_112 : i32 to vector<16xi32>
      %shift_right_arithmetic3A_114 = arith.shrsi %get3A_102, %shift_right_arithmetic3A_113 : vector<16xi32>
      %mul3A_115 = arith.constant 16 : i32
      %mul3A_116 = arith.muli %add3A_95, %mul3A_115 : i32
      %swap3A_117 = arith.index_cast %mul3A_116 : i32 to index
      %swap3A_118 = tpu.vector_load %arg12[%swap3A_117] {strides = array<i32>} : memref<64xi32, #tpu.memory_space<vmem>>, vector<16xi32>,
      %swap3A_119 = vector.shape_cast %swap3A_118 : vector<16xi32> to vector<16xi32>
      %swap3A_120 = vector.shape_cast %shift_right_arithmetic3A_114 : vector<16xi32> to vector<16xi32>
      tpu.vector_store %arg12[%swap3A_117], %swap3A_120 {strides = array<i32>} : memref<64xi32, #tpu.memory_space<vmem>>, vector<16xi32>,
    }
    %scan3A_36 = arith.constant 4 : i32
    %dma_start3A_37 = arith.constant 0 : i32
    %dma_start3A_38 = arith.constant 0 : i32
    %dma_start3A_39 = tpu.memref_slice %arg2[%dma_start3A_37, %dma_start3A_38] : memref<10000x64xf32, #tpu.memory_space<hbm>> -> memref<10000x64xf32, #tpu.memory_space<hbm>>
    tpu.enqueue_indirect_dma source(%dma_start3A_39 : memref<10000x64xf32, #tpu.memory_space<hbm>>) target(%arg16 : memref<64x64xf32, #tpu.memory_space<vmem>>) offsets(%arg8 : memref<64xi32, #tpu.memory_space<vmem>>) semaphore(%arg24 : memref<!tpu.dma_semaphore, #tpu.memory_space<semaphore_mem>>)
    %scan3A_40 = arith.constant 0 : i32
    %scan3A_41 = arith.constant 4 : i32
    %scan3A_42 = arith.addi %scan3A_40, %scan3A_41 : i32
    %scan3A_43 = arith.constant 1 : i32
    scf.for %scan3A_91 = %scan3A_40 to %scan3A_42 step %scan3A_43  : i32 {
      %mul3A_92 = arith.constant 1 : i32
      %mul3A_93 = arith.muli %scan3A_91, %mul3A_92 : i32
      %add3A_94 = arith.constant 0 : i32
      %add3A_95 = arith.addi %add3A_94, %mul3A_93 : i32
      %mul3A_96 = arith.constant 16 : i32
      %mul3A_97 = arith.muli %add3A_95, %mul3A_96 : i32
      %add3A_98 = arith.constant 192 : i32
      %add3A_99 = arith.addi %add3A_98, %mul3A_97 : i32
      %get3A_100 = arith.index_cast %add3A_99 : i32 to index
      %get3A_101 = tpu.vector_load %arg5[%get3A_100] {strides = array<i32>} : memref<10000xi32, #tpu.memory_space<vmem>>, vector<16xi32>,
      %get3A_102 = vector.shape_cast %get3A_101 : vector<16xi32> to vector<16xi32>
      %and3A_103 = arith.constant 65535 : i32
      %and3A_104 = vector.broadcast %and3A_103 : i32 to vector<16xi32>
      %and3A_105 = arith.andi %get3A_102, %and3A_104 : vector<16xi32>
      %mul3A_106 = arith.constant 16 : i32
      %mul3A_107 = arith.muli %add3A_95, %mul3A_106 : i32
      %swap3A_108 = arith.index_cast %mul3A_107 : i32 to index
      %swap3A_109 = tpu.vector_load %arg9[%swap3A_108] {strides = array<i32>} : memref<64xi32, #tpu.memory_space<vmem>>, vector<16xi32>,
      %swap3A_110 = vector.shape_cast %swap3A_109 : vector<16xi32> to vector<16xi32>
      %swap3A_111 = vector.shape_cast %and3A_105 : vector<16xi32> to vector<16xi32>
      tpu.vector_store %arg9[%swap3A_108], %swap3A_111 {strides = array<i32>} : memref<64xi32, #tpu.memory_space<vmem>>, vector<16xi32>,
      %shift_right_arithmetic3A_112 = arith.constant 16 : i32
      %shift_right_arithmetic3A_113 = vector.broadcast %shift_right_arithmetic3A_112 : i32 to vector<16xi32>
      %shift_right_arithmetic3A_114 = arith.shrsi %get3A_102, %shift_right_arithmetic3A_113 : vector<16xi32>
      %mul3A_115 = arith.constant 16 : i32
      %mul3A_116 = arith.muli %add3A_95, %mul3A_115 : i32
      %swap3A_117 = arith.index_cast %mul3A_116 : i32 to index
      %swap3A_118 = tpu.vector_load %arg13[%swap3A_117] {strides = array<i32>} : memref<64xi32, #tpu.memory_space<vmem>>, vector<16xi32>,
      %swap3A_119 = vector.shape_cast %swap3A_118 : vector<16xi32> to vector<16xi32>
      %swap3A_120 = vector.shape_cast %shift_right_arithmetic3A_114 : vector<16xi32> to vector<16xi32>
      tpu.vector_store %arg13[%swap3A_117], %swap3A_120 {strides = array<i32>} : memref<64xi32, #tpu.memory_space<vmem>>, vector<16xi32>,
    }
    %scan3A_44 = arith.constant 4 : i32
    %dma_start3A_45 = arith.constant 0 : i32
    %dma_start3A_46 = arith.constant 0 : i32
    %dma_start3A_47 = tpu.memref_slice %arg2[%dma_start3A_45, %dma_start3A_46] : memref<10000x64xf32, #tpu.memory_space<hbm>> -> memref<10000x64xf32, #tpu.memory_space<hbm>>
    tpu.enqueue_indirect_dma source(%dma_start3A_47 : memref<10000x64xf32, #tpu.memory_space<hbm>>) target(%arg17 : memref<64x64xf32, #tpu.memory_space<vmem>>) offsets(%arg9 : memref<64xi32, #tpu.memory_space<vmem>>) semaphore(%arg25 : memref<!tpu.dma_semaphore, #tpu.memory_space<semaphore_mem>>)
    %scan3A_48 = arith.constant 0 : i32
    %scan3A_49 = arith.constant 39 : i32
    %scan3A_50 = arith.addi %scan3A_48, %scan3A_49 : i32
    %scan3A_51 = arith.constant 1 : i32
    scf.for %scan3A_91 = %scan3A_48 to %scan3A_50 step %scan3A_51  : i32 {
      %mul3A_92 = arith.constant 1 : i32
      %mul3A_93 = arith.muli %scan3A_91, %mul3A_92 : i32
      %add3A_94 = arith.constant 0 : i32
      %add3A_95 = arith.addi %add3A_94, %mul3A_93 : i32
      %mul3A_96 = arith.constant 4 : i32
      %mul3A_97 = arith.muli %add3A_95, %mul3A_96 : i32
      %dma_wait3A_98 = arith.constant 0 : i32
      %dma_wait3A_99 = arith.constant 0 : i32
      %dma_wait3A_100 = tpu.memref_slice %arg2[%dma_wait3A_98, %dma_wait3A_99] : memref<10000x64xf32, #tpu.memory_space<hbm>> -> memref<10000x64xf32, #tpu.memory_space<hbm>>
      tpu.wait_indirect_dma semaphore(%arg22 : memref<!tpu.dma_semaphore, #tpu.memory_space<semaphore_mem>>) src(%dma_wait3A_100 : memref<10000x64xf32, #tpu.memory_space<hbm>>) dst(%arg14 : memref<64x64xf32, #tpu.memory_space<vmem>>)
      "tpu.region"() ({
        %run_scoped3A = tpu.sem_alloc : memref<!tpu.dma_semaphore, #tpu.memory_space<semaphore_mem>>
        %dma_start3A_143 = arith.constant 0 : i32
        %dma_start3A_144 = arith.constant 0 : i32
        %dma_start3A_145 = tpu.memref_slice %arg21[%dma_start3A_143, %dma_start3A_144] : memref<10240x64xf32, #tpu.memory_space<vmem_shared>> -> memref<10240x64xf32, #tpu.memory_space<vmem_shared>>
        tpu.enqueue_indirect_dma source(%arg14 : memref<64x64xf32, #tpu.memory_space<vmem>>) target(%dma_start3A_145 : memref<10240x64xf32, #tpu.memory_space<vmem_shared>>) offsets(%arg10 : memref<64xi32, #tpu.memory_space<vmem>>) semaphore(%run_scoped3A : memref<!tpu.dma_semaphore, #tpu.memory_space<semaphore_mem>>) {add = true}
        %dma_wait3A_146 = arith.constant 0 : i32
        %dma_wait3A_147 = arith.constant 0 : i32
        %dma_wait3A_148 = tpu.memref_slice %arg21[%dma_wait3A_146, %dma_wait3A_147] : memref<10240x64xf32, #tpu.memory_space<vmem_shared>> -> memref<10240x64xf32, #tpu.memory_space<vmem_shared>>
        tpu.wait_indirect_dma semaphore(%run_scoped3A : memref<!tpu.dma_semaphore, #tpu.memory_space<semaphore_mem>>) src(%arg14 : memref<64x64xf32, #tpu.memory_space<vmem>>) dst(%dma_wait3A_148 : memref<10240x64xf32, #tpu.memory_space<vmem_shared>>)
        tpu.yield
      }) : () -> ()
      %add3A_101 = arith.constant 0 : i32
      %add3A_102 = arith.addi %mul3A_97, %add3A_101 : i32
      %add3A_103 = arith.constant 4 : i32
      %add3A_104 = arith.addi %add3A_102, %add3A_103 : i32
      %lt3A = arith.constant 156 : i32
      %lt3A_105 = arith.cmpi slt, %add3A_104, %lt3A : i32
      %convert_element_type3A = arith.extui %lt3A_105 : i1 to i32
      %cond3A = arith.constant 0 : i32
      %cond3A_106 = arith.cmpi ne, %convert_element_type3A, %cond3A : i32
      scf.if %cond3A_106 {
        %add3A_143 = arith.constant 0 : i32
        %add3A_144 = arith.addi %mul3A_97, %add3A_143 : i32
        %add3A_145 = arith.constant 4 : i32
        %add3A_146 = arith.addi %add3A_144, %add3A_145 : i32
        %scan3A_147 = arith.constant 0 : i32
        %scan3A_148 = arith.constant 4 : i32
        %scan3A_149 = arith.addi %scan3A_147, %scan3A_148 : i32
        %scan3A_150 = arith.constant 1 : i32
        scf.for %scan3A_155 = %scan3A_147 to %scan3A_149 step %scan3A_150  : i32 {
          %mul3A_156 = arith.constant 1 : i32
          %mul3A_157 = arith.muli %scan3A_155, %mul3A_156 : i32
          %add3A_158 = arith.constant 0 : i32
          %add3A_159 = arith.addi %add3A_158, %mul3A_157 : i32
          %mul3A_160 = arith.constant 64 : i32
          %mul3A_161 = arith.muli %add3A_146, %mul3A_160 : i32
          %mul3A_162 = arith.constant 16 : i32
          %mul3A_163 = arith.muli %add3A_159, %mul3A_162 : i32
          %add3A_164 = arith.addi %mul3A_161, %mul3A_163 : i32
          %get3A_165 = arith.index_cast %add3A_164 : i32 to index
          %get3A_166 = tpu.vector_load %arg5[%get3A_165] {strides = array<i32>} : memref<10000xi32, #tpu.memory_space<vmem>>, vector<16xi32>,
          %get3A_167 = vector.shape_cast %get3A_166 : vector<16xi32> to vector<16xi32>
          %and3A_168 = arith.constant 65535 : i32
          %and3A_169 = vector.broadcast %and3A_168 : i32 to vector<16xi32>
          %and3A_170 = arith.andi %get3A_167, %and3A_169 : vector<16xi32>
          %mul3A_171 = arith.constant 16 : i32
          %mul3A_172 = arith.muli %add3A_159, %mul3A_171 : i32
          %swap3A_173 = arith.index_cast %mul3A_172 : i32 to index
          %swap3A_174 = tpu.vector_load %arg6[%swap3A_173] {strides = array<i32>} : memref<64xi32, #tpu.memory_space<vmem>>, vector<16xi32>,
          %swap3A_175 = vector.shape_cast %swap3A_174 : vector<16xi32> to vector<16xi32>
          %swap3A_176 = vector.shape_cast %and3A_170 : vector<16xi32> to vector<16xi32>
          tpu.vector_store %arg6[%swap3A_173], %swap3A_176 {strides = array<i32>} : memref<64xi32, #tpu.memory_space<vmem>>, vector<16xi32>,
          %shift_right_arithmetic3A_177 = arith.constant 16 : i32
          %shift_right_arithmetic3A_178 = vector.broadcast %shift_right_arithmetic3A_177 : i32 to vector<16xi32>
          %shift_right_arithmetic3A_179 = arith.shrsi %get3A_167, %shift_right_arithmetic3A_178 : vector<16xi32>
          %mul3A_180 = arith.constant 16 : i32
          %mul3A_181 = arith.muli %add3A_159, %mul3A_180 : i32
          %swap3A_182 = arith.index_cast %mul3A_181 : i32 to index
          %swap3A_183 = tpu.vector_load %arg10[%swap3A_182] {strides = array<i32>} : memref<64xi32, #tpu.memory_space<vmem>>, vector<16xi32>,
          %swap3A_184 = vector.shape_cast %swap3A_183 : vector<16xi32> to vector<16xi32>
          %swap3A_185 = vector.shape_cast %shift_right_arithmetic3A_179 : vector<16xi32> to vector<16xi32>
          tpu.vector_store %arg10[%swap3A_182], %swap3A_185 {strides = array<i32>} : memref<64xi32, #tpu.memory_space<vmem>>, vector<16xi32>,
        }
        %scan3A_151 = arith.constant 4 : i32
        %dma_start3A_152 = arith.constant 0 : i32
        %dma_start3A_153 = arith.constant 0 : i32
        %dma_start3A_154 = tpu.memref_slice %arg2[%dma_start3A_152, %dma_start3A_153] : memref<10000x64xf32, #tpu.memory_space<hbm>> -> memref<10000x64xf32, #tpu.memory_space<hbm>>
        tpu.enqueue_indirect_dma source(%dma_start3A_154 : memref<10000x64xf32, #tpu.memory_space<hbm>>) target(%arg14 : memref<64x64xf32, #tpu.memory_space<vmem>>) offsets(%arg6 : memref<64xi32, #tpu.memory_space<vmem>>) semaphore(%arg22 : memref<!tpu.dma_semaphore, #tpu.memory_space<semaphore_mem>>)
      } else {
      }
      %dma_wait3A_107 = arith.constant 0 : i32
      %dma_wait3A_108 = arith.constant 0 : i32
      %dma_wait3A_109 = tpu.memref_slice %arg2[%dma_wait3A_107, %dma_wait3A_108] : memref<10000x64xf32, #tpu.memory_space<hbm>> -> memref<10000x64xf32, #tpu.memory_space<hbm>>
      tpu.wait_indirect_dma semaphore(%arg23 : memref<!tpu.dma_semaphore, #tpu.memory_space<semaphore_mem>>) src(%dma_wait3A_109 : memref<10000x64xf32, #tpu.memory_space<hbm>>) dst(%arg15 : memref<64x64xf32, #tpu.memory_space<vmem>>)
      "tpu.region"() ({
        %run_scoped3A = tpu.sem_alloc : memref<!tpu.dma_semaphore, #tpu.memory_space<semaphore_mem>>
        %dma_start3A_143 = arith.constant 0 : i32
        %dma_start3A_144 = arith.constant 0 : i32
        %dma_start3A_145 = tpu.memref_slice %arg21[%dma_start3A_143, %dma_start3A_144] : memref<10240x64xf32, #tpu.memory_space<vmem_shared>> -> memref<10240x64xf32, #tpu.memory_space<vmem_shared>>
        tpu.enqueue_indirect_dma source(%arg15 : memref<64x64xf32, #tpu.memory_space<vmem>>) target(%dma_start3A_145 : memref<10240x64xf32, #tpu.memory_space<vmem_shared>>) offsets(%arg11 : memref<64xi32, #tpu.memory_space<vmem>>) semaphore(%run_scoped3A : memref<!tpu.dma_semaphore, #tpu.memory_space<semaphore_mem>>) {add = true}
        %dma_wait3A_146 = arith.constant 0 : i32
        %dma_wait3A_147 = arith.constant 0 : i32
        %dma_wait3A_148 = tpu.memref_slice %arg21[%dma_wait3A_146, %dma_wait3A_147] : memref<10240x64xf32, #tpu.memory_space<vmem_shared>> -> memref<10240x64xf32, #tpu.memory_space<vmem_shared>>
        tpu.wait_indirect_dma semaphore(%run_scoped3A : memref<!tpu.dma_semaphore, #tpu.memory_space<semaphore_mem>>) src(%arg15 : memref<64x64xf32, #tpu.memory_space<vmem>>) dst(%dma_wait3A_148 : memref<10240x64xf32, #tpu.memory_space<vmem_shared>>)
        tpu.yield
      }) : () -> ()
      %add3A_110 = arith.constant 1 : i32
      %add3A_111 = arith.addi %mul3A_97, %add3A_110 : i32
      %add3A_112 = arith.constant 4 : i32
      %add3A_113 = arith.addi %add3A_111, %add3A_112 : i32
      %lt3A_114 = arith.constant 156 : i32
      %lt3A_115 = arith.cmpi slt, %add3A_113, %lt3A_114 : i32
      %convert_element_type3A_116 = arith.extui %lt3A_115 : i1 to i32
      %cond3A_117 = arith.constant 0 : i32
      %cond3A_118 = arith.cmpi ne, %convert_element_type3A_116, %cond3A_117 : i32
      scf.if %cond3A_118 {
        %add3A_143 = arith.constant 1 : i32
        %add3A_144 = arith.addi %mul3A_97, %add3A_143 : i32
        %add3A_145 = arith.constant 4 : i32
        %add3A_146 = arith.addi %add3A_144, %add3A_145 : i32
        %scan3A_147 = arith.constant 0 : i32
        %scan3A_148 = arith.constant 4 : i32
        %scan3A_149 = arith.addi %scan3A_147, %scan3A_148 : i32
        %scan3A_150 = arith.constant 1 : i32
        scf.for %scan3A_155 = %scan3A_147 to %scan3A_149 step %scan3A_150  : i32 {
          %mul3A_156 = arith.constant 1 : i32
          %mul3A_157 = arith.muli %scan3A_155, %mul3A_156 : i32
          %add3A_158 = arith.constant 0 : i32
          %add3A_159 = arith.addi %add3A_158, %mul3A_157 : i32
          %mul3A_160 = arith.constant 64 : i32
          %mul3A_161 = arith.muli %add3A_146, %mul3A_160 : i32
          %mul3A_162 = arith.constant 16 : i32
          %mul3A_163 = arith.muli %add3A_159, %mul3A_162 : i32
          %add3A_164 = arith.addi %mul3A_161, %mul3A_163 : i32
          %get3A_165 = arith.index_cast %add3A_164 : i32 to index
          %get3A_166 = tpu.vector_load %arg5[%get3A_165] {strides = array<i32>} : memref<10000xi32, #tpu.memory_space<vmem>>, vector<16xi32>,
          %get3A_167 = vector.shape_cast %get3A_166 : vector<16xi32> to vector<16xi32>
          %and3A_168 = arith.constant 65535 : i32
          %and3A_169 = vector.broadcast %and3A_168 : i32 to vector<16xi32>
          %and3A_170 = arith.andi %get3A_167, %and3A_169 : vector<16xi32>
          %mul3A_171 = arith.constant 16 : i32
          %mul3A_172 = arith.muli %add3A_159, %mul3A_171 : i32
          %swap3A_173 = arith.index_cast %mul3A_172 : i32 to index
          %swap3A_174 = tpu.vector_load %arg7[%swap3A_173] {strides = array<i32>} : memref<64xi32, #tpu.memory_space<vmem>>, vector<16xi32>,
          %swap3A_175 = vector.shape_cast %swap3A_174 : vector<16xi32> to vector<16xi32>
          %swap3A_176 = vector.shape_cast %and3A_170 : vector<16xi32> to vector<16xi32>
          tpu.vector_store %arg7[%swap3A_173], %swap3A_176 {strides = array<i32>} : memref<64xi32, #tpu.memory_space<vmem>>, vector<16xi32>,
          %shift_right_arithmetic3A_177 = arith.constant 16 : i32
          %shift_right_arithmetic3A_178 = vector.broadcast %shift_right_arithmetic3A_177 : i32 to vector<16xi32>
          %shift_right_arithmetic3A_179 = arith.shrsi %get3A_167, %shift_right_arithmetic3A_178 : vector<16xi32>
          %mul3A_180 = arith.constant 16 : i32
          %mul3A_181 = arith.muli %add3A_159, %mul3A_180 : i32
          %swap3A_182 = arith.index_cast %mul3A_181 : i32 to index
          %swap3A_183 = tpu.vector_load %arg11[%swap3A_182] {strides = array<i32>} : memref<64xi32, #tpu.memory_space<vmem>>, vector<16xi32>,
          %swap3A_184 = vector.shape_cast %swap3A_183 : vector<16xi32> to vector<16xi32>
          %swap3A_185 = vector.shape_cast %shift_right_arithmetic3A_179 : vector<16xi32> to vector<16xi32>
          tpu.vector_store %arg11[%swap3A_182], %swap3A_185 {strides = array<i32>} : memref<64xi32, #tpu.memory_space<vmem>>, vector<16xi32>,
        }
        %scan3A_151 = arith.constant 4 : i32
        %dma_start3A_152 = arith.constant 0 : i32
        %dma_start3A_153 = arith.constant 0 : i32
        %dma_start3A_154 = tpu.memref_slice %arg2[%dma_start3A_152, %dma_start3A_153] : memref<10000x64xf32, #tpu.memory_space<hbm>> -> memref<10000x64xf32, #tpu.memory_space<hbm>>
        tpu.enqueue_indirect_dma source(%dma_start3A_154 : memref<10000x64xf32, #tpu.memory_space<hbm>>) target(%arg15 : memref<64x64xf32, #tpu.memory_space<vmem>>) offsets(%arg7 : memref<64xi32, #tpu.memory_space<vmem>>) semaphore(%arg23 : memref<!tpu.dma_semaphore, #tpu.memory_space<semaphore_mem>>)
      } else {
      }
      %dma_wait3A_119 = arith.constant 0 : i32
      %dma_wait3A_120 = arith.constant 0 : i32
      %dma_wait3A_121 = tpu.memref_slice %arg2[%dma_wait3A_119, %dma_wait3A_120] : memref<10000x64xf32, #tpu.memory_space<hbm>> -> memref<10000x64xf32, #tpu.memory_space<hbm>>
      tpu.wait_indirect_dma semaphore(%arg24 : memref<!tpu.dma_semaphore, #tpu.memory_space<semaphore_mem>>) src(%dma_wait3A_121 : memref<10000x64xf32, #tpu.memory_space<hbm>>) dst(%arg16 : memref<64x64xf32, #tpu.memory_space<vmem>>)
      "tpu.region"() ({
        %run_scoped3A = tpu.sem_alloc : memref<!tpu.dma_semaphore, #tpu.memory_space<semaphore_mem>>
        %dma_start3A_143 = arith.constant 0 : i32
        %dma_start3A_144 = arith.constant 0 : i32
        %dma_start3A_145 = tpu.memref_slice %arg21[%dma_start3A_143, %dma_start3A_144] : memref<10240x64xf32, #tpu.memory_space<vmem_shared>> -> memref<10240x64xf32, #tpu.memory_space<vmem_shared>>
        tpu.enqueue_indirect_dma source(%arg16 : memref<64x64xf32, #tpu.memory_space<vmem>>) target(%dma_start3A_145 : memref<10240x64xf32, #tpu.memory_space<vmem_shared>>) offsets(%arg12 : memref<64xi32, #tpu.memory_space<vmem>>) semaphore(%run_scoped3A : memref<!tpu.dma_semaphore, #tpu.memory_space<semaphore_mem>>) {add = true}
        %dma_wait3A_146 = arith.constant 0 : i32
        %dma_wait3A_147 = arith.constant 0 : i32
        %dma_wait3A_148 = tpu.memref_slice %arg21[%dma_wait3A_146, %dma_wait3A_147] : memref<10240x64xf32, #tpu.memory_space<vmem_shared>> -> memref<10240x64xf32, #tpu.memory_space<vmem_shared>>
        tpu.wait_indirect_dma semaphore(%run_scoped3A : memref<!tpu.dma_semaphore, #tpu.memory_space<semaphore_mem>>) src(%arg16 : memref<64x64xf32, #tpu.memory_space<vmem>>) dst(%dma_wait3A_148 : memref<10240x64xf32, #tpu.memory_space<vmem_shared>>)
        tpu.yield
      }) : () -> ()
      %add3A_122 = arith.constant 2 : i32
      %add3A_123 = arith.addi %mul3A_97, %add3A_122 : i32
      %add3A_124 = arith.constant 4 : i32
      %add3A_125 = arith.addi %add3A_123, %add3A_124 : i32
      %lt3A_126 = arith.constant 156 : i32
      %lt3A_127 = arith.cmpi slt, %add3A_125, %lt3A_126 : i32
      %convert_element_type3A_128 = arith.extui %lt3A_127 : i1 to i32
      %cond3A_129 = arith.constant 0 : i32
      %cond3A_130 = arith.cmpi ne, %convert_element_type3A_128, %cond3A_129 : i32
      scf.if %cond3A_130 {
        %add3A_143 = arith.constant 2 : i32
        %add3A_144 = arith.addi %mul3A_97, %add3A_143 : i32
        %add3A_145 = arith.constant 4 : i32
        %add3A_146 = arith.addi %add3A_144, %add3A_145 : i32
        %scan3A_147 = arith.constant 0 : i32
        %scan3A_148 = arith.constant 4 : i32
        %scan3A_149 = arith.addi %scan3A_147, %scan3A_148 : i32
        %scan3A_150 = arith.constant 1 : i32
        scf.for %scan3A_155 = %scan3A_147 to %scan3A_149 step %scan3A_150  : i32 {
          %mul3A_156 = arith.constant 1 : i32
          %mul3A_157 = arith.muli %scan3A_155, %mul3A_156 : i32
          %add3A_158 = arith.constant 0 : i32
          %add3A_159 = arith.addi %add3A_158, %mul3A_157 : i32
          %mul3A_160 = arith.constant 64 : i32
          %mul3A_161 = arith.muli %add3A_146, %mul3A_160 : i32
          %mul3A_162 = arith.constant 16 : i32
          %mul3A_163 = arith.muli %add3A_159, %mul3A_162 : i32
          %add3A_164 = arith.addi %mul3A_161, %mul3A_163 : i32
          %get3A_165 = arith.index_cast %add3A_164 : i32 to index
          %get3A_166 = tpu.vector_load %arg5[%get3A_165] {strides = array<i32>} : memref<10000xi32, #tpu.memory_space<vmem>>, vector<16xi32>,
          %get3A_167 = vector.shape_cast %get3A_166 : vector<16xi32> to vector<16xi32>
          %and3A_168 = arith.constant 65535 : i32
          %and3A_169 = vector.broadcast %and3A_168 : i32 to vector<16xi32>
          %and3A_170 = arith.andi %get3A_167, %and3A_169 : vector<16xi32>
          %mul3A_171 = arith.constant 16 : i32
          %mul3A_172 = arith.muli %add3A_159, %mul3A_171 : i32
          %swap3A_173 = arith.index_cast %mul3A_172 : i32 to index
          %swap3A_174 = tpu.vector_load %arg8[%swap3A_173] {strides = array<i32>} : memref<64xi32, #tpu.memory_space<vmem>>, vector<16xi32>,
          %swap3A_175 = vector.shape_cast %swap3A_174 : vector<16xi32> to vector<16xi32>
          %swap3A_176 = vector.shape_cast %and3A_170 : vector<16xi32> to vector<16xi32>
          tpu.vector_store %arg8[%swap3A_173], %swap3A_176 {strides = array<i32>} : memref<64xi32, #tpu.memory_space<vmem>>, vector<16xi32>,
          %shift_right_arithmetic3A_177 = arith.constant 16 : i32
          %shift_right_arithmetic3A_178 = vector.broadcast %shift_right_arithmetic3A_177 : i32 to vector<16xi32>
          %shift_right_arithmetic3A_179 = arith.shrsi %get3A_167, %shift_right_arithmetic3A_178 : vector<16xi32>
          %mul3A_180 = arith.constant 16 : i32
          %mul3A_181 = arith.muli %add3A_159, %mul3A_180 : i32
          %swap3A_182 = arith.index_cast %mul3A_181 : i32 to index
          %swap3A_183 = tpu.vector_load %arg12[%swap3A_182] {strides = array<i32>} : memref<64xi32, #tpu.memory_space<vmem>>, vector<16xi32>,
          %swap3A_184 = vector.shape_cast %swap3A_183 : vector<16xi32> to vector<16xi32>
          %swap3A_185 = vector.shape_cast %shift_right_arithmetic3A_179 : vector<16xi32> to vector<16xi32>
          tpu.vector_store %arg12[%swap3A_182], %swap3A_185 {strides = array<i32>} : memref<64xi32, #tpu.memory_space<vmem>>, vector<16xi32>,
        }
        %scan3A_151 = arith.constant 4 : i32
        %dma_start3A_152 = arith.constant 0 : i32
        %dma_start3A_153 = arith.constant 0 : i32
        %dma_start3A_154 = tpu.memref_slice %arg2[%dma_start3A_152, %dma_start3A_153] : memref<10000x64xf32, #tpu.memory_space<hbm>> -> memref<10000x64xf32, #tpu.memory_space<hbm>>
        tpu.enqueue_indirect_dma source(%dma_start3A_154 : memref<10000x64xf32, #tpu.memory_space<hbm>>) target(%arg16 : memref<64x64xf32, #tpu.memory_space<vmem>>) offsets(%arg8 : memref<64xi32, #tpu.memory_space<vmem>>) semaphore(%arg24 : memref<!tpu.dma_semaphore, #tpu.memory_space<semaphore_mem>>)
      } else {
      }
      %dma_wait3A_131 = arith.constant 0 : i32
      %dma_wait3A_132 = arith.constant 0 : i32
      %dma_wait3A_133 = tpu.memref_slice %arg2[%dma_wait3A_131, %dma_wait3A_132] : memref<10000x64xf32, #tpu.memory_space<hbm>> -> memref<10000x64xf32, #tpu.memory_space<hbm>>
      tpu.wait_indirect_dma semaphore(%arg25 : memref<!tpu.dma_semaphore, #tpu.memory_space<semaphore_mem>>) src(%dma_wait3A_133 : memref<10000x64xf32, #tpu.memory_space<hbm>>) dst(%arg17 : memref<64x64xf32, #tpu.memory_space<vmem>>)
      "tpu.region"() ({
        %run_scoped3A = tpu.sem_alloc : memref<!tpu.dma_semaphore, #tpu.memory_space<semaphore_mem>>
        %dma_start3A_143 = arith.constant 0 : i32
        %dma_start3A_144 = arith.constant 0 : i32
        %dma_start3A_145 = tpu.memref_slice %arg21[%dma_start3A_143, %dma_start3A_144] : memref<10240x64xf32, #tpu.memory_space<vmem_shared>> -> memref<10240x64xf32, #tpu.memory_space<vmem_shared>>
        tpu.enqueue_indirect_dma source(%arg17 : memref<64x64xf32, #tpu.memory_space<vmem>>) target(%dma_start3A_145 : memref<10240x64xf32, #tpu.memory_space<vmem_shared>>) offsets(%arg13 : memref<64xi32, #tpu.memory_space<vmem>>) semaphore(%run_scoped3A : memref<!tpu.dma_semaphore, #tpu.memory_space<semaphore_mem>>) {add = true}
        %dma_wait3A_146 = arith.constant 0 : i32
        %dma_wait3A_147 = arith.constant 0 : i32
        %dma_wait3A_148 = tpu.memref_slice %arg21[%dma_wait3A_146, %dma_wait3A_147] : memref<10240x64xf32, #tpu.memory_space<vmem_shared>> -> memref<10240x64xf32, #tpu.memory_space<vmem_shared>>
        tpu.wait_indirect_dma semaphore(%run_scoped3A : memref<!tpu.dma_semaphore, #tpu.memory_space<semaphore_mem>>) src(%arg17 : memref<64x64xf32, #tpu.memory_space<vmem>>) dst(%dma_wait3A_148 : memref<10240x64xf32, #tpu.memory_space<vmem_shared>>)
        tpu.yield
      }) : () -> ()
      %add3A_134 = arith.constant 3 : i32
      %add3A_135 = arith.addi %mul3A_97, %add3A_134 : i32
      %add3A_136 = arith.constant 4 : i32
      %add3A_137 = arith.addi %add3A_135, %add3A_136 : i32
      %lt3A_138 = arith.constant 156 : i32
      %lt3A_139 = arith.cmpi slt, %add3A_137, %lt3A_138 : i32
      %convert_element_type3A_140 = arith.extui %lt3A_139 : i1 to i32
      %cond3A_141 = arith.constant 0 : i32
      %cond3A_142 = arith.cmpi ne, %convert_element_type3A_140, %cond3A_141 : i32
      scf.if %cond3A_142 {
        %add3A_143 = arith.constant 3 : i32
        %add3A_144 = arith.addi %mul3A_97, %add3A_143 : i32
        %add3A_145 = arith.constant 4 : i32
        %add3A_146 = arith.addi %add3A_144, %add3A_145 : i32
        %scan3A_147 = arith.constant 0 : i32
        %scan3A_148 = arith.constant 4 : i32
        %scan3A_149 = arith.addi %scan3A_147, %scan3A_148 : i32
        %scan3A_150 = arith.constant 1 : i32
        scf.for %scan3A_155 = %scan3A_147 to %scan3A_149 step %scan3A_150  : i32 {
          %mul3A_156 = arith.constant 1 : i32
          %mul3A_157 = arith.muli %scan3A_155, %mul3A_156 : i32
          %add3A_158 = arith.constant 0 : i32
          %add3A_159 = arith.addi %add3A_158, %mul3A_157 : i32
          %mul3A_160 = arith.constant 64 : i32
          %mul3A_161 = arith.muli %add3A_146, %mul3A_160 : i32
          %mul3A_162 = arith.constant 16 : i32
          %mul3A_163 = arith.muli %add3A_159, %mul3A_162 : i32
          %add3A_164 = arith.addi %mul3A_161, %mul3A_163 : i32
          %get3A_165 = arith.index_cast %add3A_164 : i32 to index
          %get3A_166 = tpu.vector_load %arg5[%get3A_165] {strides = array<i32>} : memref<10000xi32, #tpu.memory_space<vmem>>, vector<16xi32>,
          %get3A_167 = vector.shape_cast %get3A_166 : vector<16xi32> to vector<16xi32>
          %and3A_168 = arith.constant 65535 : i32
          %and3A_169 = vector.broadcast %and3A_168 : i32 to vector<16xi32>
          %and3A_170 = arith.andi %get3A_167, %and3A_169 : vector<16xi32>
          %mul3A_171 = arith.constant 16 : i32
          %mul3A_172 = arith.muli %add3A_159, %mul3A_171 : i32
          %swap3A_173 = arith.index_cast %mul3A_172 : i32 to index
          %swap3A_174 = tpu.vector_load %arg9[%swap3A_173] {strides = array<i32>} : memref<64xi32, #tpu.memory_space<vmem>>, vector<16xi32>,
          %swap3A_175 = vector.shape_cast %swap3A_174 : vector<16xi32> to vector<16xi32>
          %swap3A_176 = vector.shape_cast %and3A_170 : vector<16xi32> to vector<16xi32>
          tpu.vector_store %arg9[%swap3A_173], %swap3A_176 {strides = array<i32>} : memref<64xi32, #tpu.memory_space<vmem>>, vector<16xi32>,
          %shift_right_arithmetic3A_177 = arith.constant 16 : i32
          %shift_right_arithmetic3A_178 = vector.broadcast %shift_right_arithmetic3A_177 : i32 to vector<16xi32>
          %shift_right_arithmetic3A_179 = arith.shrsi %get3A_167, %shift_right_arithmetic3A_178 : vector<16xi32>
          %mul3A_180 = arith.constant 16 : i32
          %mul3A_181 = arith.muli %add3A_159, %mul3A_180 : i32
          %swap3A_182 = arith.index_cast %mul3A_181 : i32 to index
          %swap3A_183 = tpu.vector_load %arg13[%swap3A_182] {strides = array<i32>} : memref<64xi32, #tpu.memory_space<vmem>>, vector<16xi32>,
          %swap3A_184 = vector.shape_cast %swap3A_183 : vector<16xi32> to vector<16xi32>
          %swap3A_185 = vector.shape_cast %shift_right_arithmetic3A_179 : vector<16xi32> to vector<16xi32>
          tpu.vector_store %arg13[%swap3A_182], %swap3A_185 {strides = array<i32>} : memref<64xi32, #tpu.memory_space<vmem>>, vector<16xi32>,
        }
        %scan3A_151 = arith.constant 4 : i32
        %dma_start3A_152 = arith.constant 0 : i32
        %dma_start3A_153 = arith.constant 0 : i32
        %dma_start3A_154 = tpu.memref_slice %arg2[%dma_start3A_152, %dma_start3A_153] : memref<10000x64xf32, #tpu.memory_space<hbm>> -> memref<10000x64xf32, #tpu.memory_space<hbm>>
        tpu.enqueue_indirect_dma source(%dma_start3A_154 : memref<10000x64xf32, #tpu.memory_space<hbm>>) target(%arg17 : memref<64x64xf32, #tpu.memory_space<vmem>>) offsets(%arg9 : memref<64xi32, #tpu.memory_space<vmem>>) semaphore(%arg25 : memref<!tpu.dma_semaphore, #tpu.memory_space<semaphore_mem>>)
      } else {
      }
    }
    %scan3A_52 = arith.constant 39 : i32
    %scan3A_53 = arith.constant 0 : i32
    %mul3A_54 = arith.constant 1 : i32
    %mul3A_55 = arith.muli %scan3A_53, %mul3A_54 : i32
    %add3A_56 = arith.constant 0 : i32
    %add3A_57 = arith.addi %add3A_56, %mul3A_55 : i32
    %mul3A_58 = arith.constant 16 : i32
    %mul3A_59 = arith.muli %add3A_57, %mul3A_58 : i32
    %add3A_60 = arith.constant 9984 : i32
    %add3A_61 = arith.addi %add3A_60, %mul3A_59 : i32
    %get3A = arith.index_cast %add3A_61 : i32 to index
    %get3A_62 = tpu.vector_load %arg5[%get3A] {strides = array<i32>} : memref<10000xi32, #tpu.memory_space<vmem>>, vector<16xi32>,
    %get3A_63 = vector.shape_cast %get3A_62 : vector<16xi32> to vector<16xi32>
    %and3A = arith.constant 65535 : i32
    %and3A_64 = vector.broadcast %and3A : i32 to vector<16xi32>
    %and3A_65 = arith.andi %get3A_63, %and3A_64 : vector<16xi32>
    %mul3A_66 = arith.constant 16 : i32
    %mul3A_67 = arith.muli %add3A_57, %mul3A_66 : i32
    %swap3A = arith.index_cast %mul3A_67 : i32 to index
    %swap3A_68 = tpu.vector_load %arg18[%swap3A] {strides = array<i32>} : memref<16xi32, #tpu.memory_space<vmem>>, vector<16xi32>,
    %swap3A_69 = vector.shape_cast %swap3A_68 : vector<16xi32> to vector<16xi32>
    %swap3A_70 = vector.shape_cast %and3A_65 : vector<16xi32> to vector<16xi32>
    tpu.vector_store %arg18[%swap3A], %swap3A_70 {strides = array<i32>} : memref<16xi32, #tpu.memory_space<vmem>>, vector<16xi32>,
    %shift_right_arithmetic3A = arith.constant 16 : i32
    %shift_right_arithmetic3A_71 = vector.broadcast %shift_right_arithmetic3A : i32 to vector<16xi32>
    %shift_right_arithmetic3A_72 = arith.shrsi %get3A_63, %shift_right_arithmetic3A_71 : vector<16xi32>
    %mul3A_73 = arith.constant 16 : i32
    %mul3A_74 = arith.muli %add3A_57, %mul3A_73 : i32
    %swap3A_75 = arith.index_cast %mul3A_74 : i32 to index
    %swap3A_76 = tpu.vector_load %arg19[%swap3A_75] {strides = array<i32>} : memref<16xi32, #tpu.memory_space<vmem>>, vector<16xi32>,
    %swap3A_77 = vector.shape_cast %swap3A_76 : vector<16xi32> to vector<16xi32>
    %swap3A_78 = vector.shape_cast %shift_right_arithmetic3A_72 : vector<16xi32> to vector<16xi32>
    tpu.vector_store %arg19[%swap3A_75], %swap3A_78 {strides = array<i32>} : memref<16xi32, #tpu.memory_space<vmem>>, vector<16xi32>,
    %scan3A_79 = arith.constant 1 : i32
    %dma_start3A_80 = arith.constant 0 : i32
    %dma_start3A_81 = arith.constant 0 : i32
    %dma_start3A_82 = tpu.memref_slice %arg2[%dma_start3A_80, %dma_start3A_81] : memref<10000x64xf32, #tpu.memory_space<hbm>> -> memref<10000x64xf32, #tpu.memory_space<hbm>>
    tpu.enqueue_indirect_dma source(%dma_start3A_82 : memref<10000x64xf32, #tpu.memory_space<hbm>>) target(%arg20 : memref<16x64xf32, #tpu.memory_space<vmem>>) offsets(%arg18 : memref<16xi32, #tpu.memory_space<vmem>>) semaphore(%arg22 : memref<!tpu.dma_semaphore, #tpu.memory_space<semaphore_mem>>)
    %dma_wait3A_83 = arith.constant 0 : i32
    %dma_wait3A_84 = arith.constant 0 : i32
    %dma_wait3A_85 = tpu.memref_slice %arg2[%dma_wait3A_83, %dma_wait3A_84] : memref<10000x64xf32, #tpu.memory_space<hbm>> -> memref<10000x64xf32, #tpu.memory_space<hbm>>
    tpu.wait_indirect_dma semaphore(%arg22 : memref<!tpu.dma_semaphore, #tpu.memory_space<semaphore_mem>>) src(%dma_wait3A_85 : memref<10000x64xf32, #tpu.memory_space<hbm>>) dst(%arg20 : memref<16x64xf32, #tpu.memory_space<vmem>>)
    "tpu.region"() ({
      %run_scoped3A = tpu.sem_alloc : memref<!tpu.dma_semaphore, #tpu.memory_space<semaphore_mem>>
      %dma_start3A_91 = arith.constant 0 : i32
      %dma_start3A_92 = arith.constant 0 : i32
      %dma_start3A_93 = tpu.memref_slice %arg21[%dma_start3A_91, %dma_start3A_92] : memref<10240x64xf32, #tpu.memory_space<vmem_shared>> -> memref<10240x64xf32, #tpu.memory_space<vmem_shared>>
      tpu.enqueue_indirect_dma source(%arg20 : memref<16x64xf32, #tpu.memory_space<vmem>>) target(%dma_start3A_93 : memref<10240x64xf32, #tpu.memory_space<vmem_shared>>) offsets(%arg19 : memref<16xi32, #tpu.memory_space<vmem>>) semaphore(%run_scoped3A : memref<!tpu.dma_semaphore, #tpu.memory_space<semaphore_mem>>) {add = true}
      %dma_wait3A_94 = arith.constant 0 : i32
      %dma_wait3A_95 = arith.constant 0 : i32
      %dma_wait3A_96 = tpu.memref_slice %arg21[%dma_wait3A_94, %dma_wait3A_95] : memref<10240x64xf32, #tpu.memory_space<vmem_shared>> -> memref<10240x64xf32, #tpu.memory_space<vmem_shared>>
      tpu.wait_indirect_dma semaphore(%run_scoped3A : memref<!tpu.dma_semaphore, #tpu.memory_space<semaphore_mem>>) src(%arg20 : memref<16x64xf32, #tpu.memory_space<vmem>>) dst(%dma_wait3A_96 : memref<10240x64xf32, #tpu.memory_space<vmem_shared>>)
      tpu.yield
    }) : () -> ()
    %barrier3A_86 = arith.constant 0 : index
    tpu.barrier barrier_id(%barrier3A_86)
    %mul3A_87 = arith.constant 640 : i32
    %mul3A_88 = arith.muli %arg1, %mul3A_87 : i32
    %mul3A_89 = arith.constant 640 : i32
    %mul3A_90 = arith.muli %arg1, %mul3A_89 : i32
    "tpu.region"() ({
      %run_scoped3A = tpu.sem_alloc : memref<!tpu.dma_semaphore, #tpu.memory_space<semaphore_mem>>
      %dma_start3A_91 = arith.constant 0 : i32
      %dma_start3A_92 = tpu.memref_slice %arg4[%arg0, %mul3A_90, %dma_start3A_91] : memref<2x10240x64xf32, #tpu.memory_space<hbm>> -> memref<1x640x64xf32, #tpu.memory_space<hbm>>
      %dma_start3A_93 = tpu.memref_squeeze %dma_start3A_92 : memref<1x640x64xf32, #tpu.memory_space<hbm>> -> memref<640x64xf32, #tpu.memory_space<hbm>>
      %dma_start3A_94 = arith.constant 0 : i32
      %dma_start3A_95 = tpu.memref_slice %arg21[%mul3A_88, %dma_start3A_94] : memref<10240x64xf32, #tpu.memory_space<vmem_shared>> -> memref<640x64xf32, #tpu.memory_space<vmem_shared>>
      tpu.enqueue_dma source(%dma_start3A_95 : memref<640x64xf32, #tpu.memory_space<vmem_shared>>) target(%dma_start3A_93 : memref<640x64xf32, #tpu.memory_space<hbm>>) target_semaphore(%run_scoped3A : memref<!tpu.dma_semaphore, #tpu.memory_space<semaphore_mem>>)
      %dma_wait3A_96 = arith.constant 0 : i32
      %dma_wait3A_97 = tpu.memref_slice %arg4[%arg0, %mul3A_90, %dma_wait3A_96] : memref<2x10240x64xf32, #tpu.memory_space<hbm>> -> memref<1x640x64xf32, #tpu.memory_space<hbm>>
      %dma_wait3A_98 = tpu.memref_squeeze %dma_wait3A_97 : memref<1x640x64xf32, #tpu.memory_space<hbm>> -> memref<640x64xf32, #tpu.memory_space<hbm>>
      %dma_wait3A_99 = arith.constant 0 : i32
      %dma_wait3A_100 = tpu.memref_slice %arg21[%mul3A_88, %dma_wait3A_99] : memref<10240x64xf32, #tpu.memory_space<vmem_shared>> -> memref<640x64xf32, #tpu.memory_space<vmem_shared>>
      tpu.wait_dma2 semaphore(%run_scoped3A : memref<!tpu.dma_semaphore, #tpu.memory_space<semaphore_mem>>) src(%dma_wait3A_100 : memref<640x64xf32, #tpu.memory_space<vmem_shared>>) dst(%dma_wait3A_98 : memref<640x64xf32, #tpu.memory_space<hbm>>)
      tpu.yield
    }) : () -> ()
    return
  }
}

#map = affine_map<(d0, d1) -> (0, 0)>
#map1 = affine_map<(d0, d1) -> (0)>
#map2 = affine_map<(d0, d1) -> (0, 0, 0)>
module attributes {stable_mosaic.version = 14 : i64} {
  func.func @agg_kernel(%arg0: i32, %arg1: i32, %arg2: memref<10000x128xf32, #tpu.memory_space<hbm>>, %arg3: memref<320000xi32, #tpu.memory_space<hbm>>, %arg4: memref<2x10240x128xf32, #tpu.memory_space<hbm>>, %arg5: memref<10000xi32, #tpu.memory_space<vmem>>, %arg6: memref<64xi32, #tpu.memory_space<vmem>>, %arg7: memref<64xi32, #tpu.memory_space<vmem>>, %arg8: memref<64xi32, #tpu.memory_space<vmem>>, %arg9: memref<64xi32, #tpu.memory_space<vmem>>, %arg10: memref<64xi32, #tpu.memory_space<vmem>>, %arg11: memref<64xi32, #tpu.memory_space<vmem>>, %arg12: memref<64xi32, #tpu.memory_space<vmem>>, %arg13: memref<64xi32, #tpu.memory_space<vmem>>, %arg14: memref<64x128xf32, #tpu.memory_space<vmem>>, %arg15: memref<64x128xf32, #tpu.memory_space<vmem>>, %arg16: memref<64x128xf32, #tpu.memory_space<vmem>>, %arg17: memref<64x128xf32, #tpu.memory_space<vmem>>, %arg18: memref<16xi32, #tpu.memory_space<vmem>>, %arg19: memref<16xi32, #tpu.memory_space<vmem>>, %arg20: memref<16x128xf32, #tpu.memory_space<vmem>>, %arg21: memref<10240x128xf32, #tpu.memory_space<vmem_shared>>, %arg22: memref<!tpu.dma_semaphore, #tpu.memory_space<semaphore_mem>>, %arg23: memref<!tpu.dma_semaphore, #tpu.memory_space<semaphore_mem>>, %arg24: memref<!tpu.dma_semaphore, #tpu.memory_space<semaphore_mem>>, %arg25: memref<!tpu.dma_semaphore, #tpu.memory_space<semaphore_mem>>) attributes {dimension_semantics = [#tpu.dimension_semantics<core_parallel>, #tpu.dimension_semantics<subcore_parallel>], iteration_bounds = array<i64: 2, 16>, scalar_prefetch = 0 : i64, scratch_operands = 21 : i64, tpu.core_type = #tpu.core_type<sc_vector_subcore>, window_params = [{transform_indices = #map}, {transform_indices = #map1}, {transform_indices = #map2}]} {
    %mul3A = arith.constant 16 : i32
    %mul3A_0 = arith.muli %arg0, %mul3A : i32
    %add3A = arith.addi %mul3A_0, %arg1 : i32
    %mul3A_1 = arith.constant 10000 : i32
    %mul3A_2 = arith.muli %add3A, %mul3A_1 : i32
    %dma_start3A = tpu.memref_slice %arg3[%mul3A_2] : memref<320000xi32, #tpu.memory_space<hbm>> -> memref<10000xi32, #tpu.memory_space<hbm>>
    %dma_start3A_3 = tpu.memref_slice %arg3[%mul3A_2] : memref<320000xi32, #tpu.memory_space<hbm>> -> memref<10000xi32, #tpu.memory_space<hbm>>
    tpu.enqueue_dma source(%dma_start3A_3 : memref<10000xi32, #tpu.memory_space<hbm>>) target(%arg5 : memref<10000xi32, #tpu.memory_space<vmem>>) target_semaphore(%arg22 : memref<!tpu.dma_semaphore, #tpu.memory_space<semaphore_mem>>)
    %scan3A = arith.constant 0 : i32
    %scan3A_4 = arith.constant 64 : i32
    %scan3A_5 = arith.addi %scan3A, %scan3A_4 : i32
    %scan3A_6 = arith.constant 1 : i32
    scf.for %scan3A_91 = %scan3A to %scan3A_5 step %scan3A_6  : i32 {
      %mul3A_92 = arith.constant 1 : i32
      %mul3A_93 = arith.muli %scan3A_91, %mul3A_92 : i32
      %add3A_94 = arith.constant 0 : i32
      %add3A_95 = arith.addi %add3A_94, %mul3A_93 : i32
      %broadcast_in_dim3A = arith.constant 0.000000e+00 : f32
      %broadcast_in_dim3A_96 = vector.broadcast %broadcast_in_dim3A : f32 to vector<1x16xf32>
      %swap3A_97 = arith.index_cast %add3A_95 : i32 to index
      %swap3A_98 = arith.constant 0 : index
      %swap3A_99 = tpu.vector_load %arg14[%swap3A_97, %swap3A_98] {strides = array<i32>} : memref<64x128xf32, #tpu.memory_space<vmem>>, vector<1x16xf32>,
      %swap3A_100 = vector.shape_cast %swap3A_99 : vector<1x16xf32> to vector<1x16xf32>
      %swap3A_101 = vector.shape_cast %broadcast_in_dim3A_96 : vector<1x16xf32> to vector<1x16xf32>
      tpu.vector_store %arg14[%swap3A_97, %swap3A_98], %swap3A_101 {strides = array<i32>} : memref<64x128xf32, #tpu.memory_space<vmem>>, vector<1x16xf32>,
      %broadcast_in_dim3A_102 = arith.constant 0.000000e+00 : f32
      %broadcast_in_dim3A_103 = vector.broadcast %broadcast_in_dim3A_102 : f32 to vector<1x16xf32>
      %swap3A_104 = arith.index_cast %add3A_95 : i32 to index
      %swap3A_105 = arith.constant 16 : index
      %swap3A_106 = tpu.vector_load %arg14[%swap3A_104, %swap3A_105] {strides = array<i32>} : memref<64x128xf32, #tpu.memory_space<vmem>>, vector<1x16xf32>,
      %swap3A_107 = vector.shape_cast %swap3A_106 : vector<1x16xf32> to vector<1x16xf32>
      %swap3A_108 = vector.shape_cast %broadcast_in_dim3A_103 : vector<1x16xf32> to vector<1x16xf32>
      tpu.vector_store %arg14[%swap3A_104, %swap3A_105], %swap3A_108 {strides = array<i32>} : memref<64x128xf32, #tpu.memory_space<vmem>>, vector<1x16xf32>,
      %broadcast_in_dim3A_109 = arith.constant 0.000000e+00 : f32
      %broadcast_in_dim3A_110 = vector.broadcast %broadcast_in_dim3A_109 : f32 to vector<1x16xf32>
      %swap3A_111 = arith.index_cast %add3A_95 : i32 to index
      %swap3A_112 = arith.constant 32 : index
      %swap3A_113 = tpu.vector_load %arg14[%swap3A_111, %swap3A_112] {strides = array<i32>} : memref<64x128xf32, #tpu.memory_space<vmem>>, vector<1x16xf32>,
      %swap3A_114 = vector.shape_cast %swap3A_113 : vector<1x16xf32> to vector<1x16xf32>
      %swap3A_115 = vector.shape_cast %broadcast_in_dim3A_110 : vector<1x16xf32> to vector<1x16xf32>
      tpu.vector_store %arg14[%swap3A_111, %swap3A_112], %swap3A_115 {strides = array<i32>} : memref<64x128xf32, #tpu.memory_space<vmem>>, vector<1x16xf32>,
      %broadcast_in_dim3A_116 = arith.constant 0.000000e+00 : f32
      %broadcast_in_dim3A_117 = vector.broadcast %broadcast_in_dim3A_116 : f32 to vector<1x16xf32>
      %swap3A_118 = arith.index_cast %add3A_95 : i32 to index
      %swap3A_119 = arith.constant 48 : index
      %swap3A_120 = tpu.vector_load %arg14[%swap3A_118, %swap3A_119] {strides = array<i32>} : memref<64x128xf32, #tpu.memory_space<vmem>>, vector<1x16xf32>,
      %swap3A_121 = vector.shape_cast %swap3A_120 : vector<1x16xf32> to vector<1x16xf32>
      %swap3A_122 = vector.shape_cast %broadcast_in_dim3A_117 : vector<1x16xf32> to vector<1x16xf32>
      tpu.vector_store %arg14[%swap3A_118, %swap3A_119], %swap3A_122 {strides = array<i32>} : memref<64x128xf32, #tpu.memory_space<vmem>>, vector<1x16xf32>,
      %broadcast_in_dim3A_123 = arith.constant 0.000000e+00 : f32
      %broadcast_in_dim3A_124 = vector.broadcast %broadcast_in_dim3A_123 : f32 to vector<1x16xf32>
      %swap3A_125 = arith.index_cast %add3A_95 : i32 to index
      %swap3A_126 = arith.constant 64 : index
      %swap3A_127 = tpu.vector_load %arg14[%swap3A_125, %swap3A_126] {strides = array<i32>} : memref<64x128xf32, #tpu.memory_space<vmem>>, vector<1x16xf32>,
      %swap3A_128 = vector.shape_cast %swap3A_127 : vector<1x16xf32> to vector<1x16xf32>
      %swap3A_129 = vector.shape_cast %broadcast_in_dim3A_124 : vector<1x16xf32> to vector<1x16xf32>
      tpu.vector_store %arg14[%swap3A_125, %swap3A_126], %swap3A_129 {strides = array<i32>} : memref<64x128xf32, #tpu.memory_space<vmem>>, vector<1x16xf32>,
      %broadcast_in_dim3A_130 = arith.constant 0.000000e+00 : f32
      %broadcast_in_dim3A_131 = vector.broadcast %broadcast_in_dim3A_130 : f32 to vector<1x16xf32>
      %swap3A_132 = arith.index_cast %add3A_95 : i32 to index
      %swap3A_133 = arith.constant 80 : index
      %swap3A_134 = tpu.vector_load %arg14[%swap3A_132, %swap3A_133] {strides = array<i32>} : memref<64x128xf32, #tpu.memory_space<vmem>>, vector<1x16xf32>,
      %swap3A_135 = vector.shape_cast %swap3A_134 : vector<1x16xf32> to vector<1x16xf32>
      %swap3A_136 = vector.shape_cast %broadcast_in_dim3A_131 : vector<1x16xf32> to vector<1x16xf32>
      tpu.vector_store %arg14[%swap3A_132, %swap3A_133], %swap3A_136 {strides = array<i32>} : memref<64x128xf32, #tpu.memory_space<vmem>>, vector<1x16xf32>,
      %broadcast_in_dim3A_137 = arith.constant 0.000000e+00 : f32
      %broadcast_in_dim3A_138 = vector.broadcast %broadcast_in_dim3A_137 : f32 to vector<1x16xf32>
      %swap3A_139 = arith.index_cast %add3A_95 : i32 to index
      %swap3A_140 = arith.constant 96 : index
      %swap3A_141 = tpu.vector_load %arg14[%swap3A_139, %swap3A_140] {strides = array<i32>} : memref<64x128xf32, #tpu.memory_space<vmem>>, vector<1x16xf32>,
      %swap3A_142 = vector.shape_cast %swap3A_141 : vector<1x16xf32> to vector<1x16xf32>
      %swap3A_143 = vector.shape_cast %broadcast_in_dim3A_138 : vector<1x16xf32> to vector<1x16xf32>
      tpu.vector_store %arg14[%swap3A_139, %swap3A_140], %swap3A_143 {strides = array<i32>} : memref<64x128xf32, #tpu.memory_space<vmem>>, vector<1x16xf32>,
      %broadcast_in_dim3A_144 = arith.constant 0.000000e+00 : f32
      %broadcast_in_dim3A_145 = vector.broadcast %broadcast_in_dim3A_144 : f32 to vector<1x16xf32>
      %swap3A_146 = arith.index_cast %add3A_95 : i32 to index
      %swap3A_147 = arith.constant 112 : index
      %swap3A_148 = tpu.vector_load %arg14[%swap3A_146, %swap3A_147] {strides = array<i32>} : memref<64x128xf32, #tpu.memory_space<vmem>>, vector<1x16xf32>,
      %swap3A_149 = vector.shape_cast %swap3A_148 : vector<1x16xf32> to vector<1x16xf32>
      %swap3A_150 = vector.shape_cast %broadcast_in_dim3A_145 : vector<1x16xf32> to vector<1x16xf32>
      tpu.vector_store %arg14[%swap3A_146, %swap3A_147], %swap3A_150 {strides = array<i32>} : memref<64x128xf32, #tpu.memory_space<vmem>>, vector<1x16xf32>,
    }
    %scan3A_7 = arith.constant 64 : i32
    %scan3A_8 = arith.constant 0 : i32
    %scan3A_9 = arith.constant 10 : i32
    %scan3A_10 = arith.addi %scan3A_8, %scan3A_9 : i32
    %scan3A_11 = arith.constant 1 : i32
    scf.for %scan3A_91 = %scan3A_8 to %scan3A_10 step %scan3A_11  : i32 {
      %mul3A_92 = arith.constant 1 : i32
      %mul3A_93 = arith.muli %scan3A_91, %mul3A_92 : i32
      %add3A_94 = arith.constant 0 : i32
      %add3A_95 = arith.addi %add3A_94, %mul3A_93 : i32
      %mul3A_96 = arith.constant 640 : i32
      %mul3A_97 = arith.muli %arg1, %mul3A_96 : i32
      %mul3A_98 = arith.constant 64 : i32
      %mul3A_99 = arith.muli %add3A_95, %mul3A_98 : i32
      %add3A_100 = arith.addi %mul3A_97, %mul3A_99 : i32
      "tpu.region"() ({
        %run_scoped3A = tpu.sem_alloc : memref<!tpu.dma_semaphore, #tpu.memory_space<semaphore_mem>>
        %dma_start3A_101 = arith.constant 0 : i32
        %dma_start3A_102 = tpu.memref_slice %arg21[%add3A_100, %dma_start3A_101] : memref<10240x128xf32, #tpu.memory_space<vmem_shared>> -> memref<64x128xf32, #tpu.memory_space<vmem_shared>>
        %dma_start3A_103 = arith.constant 0 : i32
        %dma_start3A_104 = tpu.memref_slice %arg21[%add3A_100, %dma_start3A_103] : memref<10240x128xf32, #tpu.memory_space<vmem_shared>> -> memref<64x128xf32, #tpu.memory_space<vmem_shared>>
        tpu.enqueue_dma source(%arg14 : memref<64x128xf32, #tpu.memory_space<vmem>>) target(%dma_start3A_104 : memref<64x128xf32, #tpu.memory_space<vmem_shared>>) target_semaphore(%run_scoped3A : memref<!tpu.dma_semaphore, #tpu.memory_space<semaphore_mem>>)
        %dma_wait3A_105 = arith.constant 0 : i32
        %dma_wait3A_106 = tpu.memref_slice %arg21[%add3A_100, %dma_wait3A_105] : memref<10240x128xf32, #tpu.memory_space<vmem_shared>> -> memref<64x128xf32, #tpu.memory_space<vmem_shared>>
        %dma_wait3A_107 = arith.constant 0 : i32
        %dma_wait3A_108 = tpu.memref_slice %arg21[%add3A_100, %dma_wait3A_107] : memref<10240x128xf32, #tpu.memory_space<vmem_shared>> -> memref<64x128xf32, #tpu.memory_space<vmem_shared>>
        tpu.wait_dma2 semaphore(%run_scoped3A : memref<!tpu.dma_semaphore, #tpu.memory_space<semaphore_mem>>) src(%arg14 : memref<64x128xf32, #tpu.memory_space<vmem>>) dst(%dma_wait3A_108 : memref<64x128xf32, #tpu.memory_space<vmem_shared>>)
        tpu.yield
      }) : () -> ()
    }
    %scan3A_12 = arith.constant 10 : i32
    %mul3A_13 = arith.constant 10000 : i32
    %mul3A_14 = arith.muli %add3A, %mul3A_13 : i32
    %dma_wait3A = tpu.memref_slice %arg3[%mul3A_14] : memref<320000xi32, #tpu.memory_space<hbm>> -> memref<10000xi32, #tpu.memory_space<hbm>>
    %dma_wait3A_15 = tpu.memref_slice %arg3[%mul3A_14] : memref<320000xi32, #tpu.memory_space<hbm>> -> memref<10000xi32, #tpu.memory_space<hbm>>
    tpu.wait_dma2 semaphore(%arg22 : memref<!tpu.dma_semaphore, #tpu.memory_space<semaphore_mem>>) src(%dma_wait3A_15 : memref<10000xi32, #tpu.memory_space<hbm>>) dst(%arg5 : memref<10000xi32, #tpu.memory_space<vmem>>)
    %barrier3A = arith.constant 0 : index
    tpu.barrier barrier_id(%barrier3A)
    %scan3A_16 = arith.constant 0 : i32
    %scan3A_17 = arith.constant 4 : i32
    %scan3A_18 = arith.addi %scan3A_16, %scan3A_17 : i32
    %scan3A_19 = arith.constant 1 : i32
    scf.for %scan3A_91 = %scan3A_16 to %scan3A_18 step %scan3A_19  : i32 {
      %mul3A_92 = arith.constant 1 : i32
      %mul3A_93 = arith.muli %scan3A_91, %mul3A_92 : i32
      %add3A_94 = arith.constant 0 : i32
      %add3A_95 = arith.addi %add3A_94, %mul3A_93 : i32
      %mul3A_96 = arith.constant 16 : i32
      %mul3A_97 = arith.muli %add3A_95, %mul3A_96 : i32
      %add3A_98 = arith.constant 0 : i32
      %add3A_99 = arith.addi %add3A_98, %mul3A_97 : i32
      %get3A_100 = arith.index_cast %add3A_99 : i32 to index
      %get3A_101 = tpu.vector_load %arg5[%get3A_100] {strides = array<i32>} : memref<10000xi32, #tpu.memory_space<vmem>>, vector<16xi32>,
      %get3A_102 = vector.shape_cast %get3A_101 : vector<16xi32> to vector<16xi32>
      %and3A_103 = arith.constant 65535 : i32
      %and3A_104 = vector.broadcast %and3A_103 : i32 to vector<16xi32>
      %and3A_105 = arith.andi %get3A_102, %and3A_104 : vector<16xi32>
      %mul3A_106 = arith.constant 16 : i32
      %mul3A_107 = arith.muli %add3A_95, %mul3A_106 : i32
      %swap3A_108 = arith.index_cast %mul3A_107 : i32 to index
      %swap3A_109 = tpu.vector_load %arg6[%swap3A_108] {strides = array<i32>} : memref<64xi32, #tpu.memory_space<vmem>>, vector<16xi32>,
      %swap3A_110 = vector.shape_cast %swap3A_109 : vector<16xi32> to vector<16xi32>
      %swap3A_111 = vector.shape_cast %and3A_105 : vector<16xi32> to vector<16xi32>
      tpu.vector_store %arg6[%swap3A_108], %swap3A_111 {strides = array<i32>} : memref<64xi32, #tpu.memory_space<vmem>>, vector<16xi32>,
      %shift_right_arithmetic3A_112 = arith.constant 16 : i32
      %shift_right_arithmetic3A_113 = vector.broadcast %shift_right_arithmetic3A_112 : i32 to vector<16xi32>
      %shift_right_arithmetic3A_114 = arith.shrsi %get3A_102, %shift_right_arithmetic3A_113 : vector<16xi32>
      %mul3A_115 = arith.constant 16 : i32
      %mul3A_116 = arith.muli %add3A_95, %mul3A_115 : i32
      %swap3A_117 = arith.index_cast %mul3A_116 : i32 to index
      %swap3A_118 = tpu.vector_load %arg10[%swap3A_117] {strides = array<i32>} : memref<64xi32, #tpu.memory_space<vmem>>, vector<16xi32>,
      %swap3A_119 = vector.shape_cast %swap3A_118 : vector<16xi32> to vector<16xi32>
      %swap3A_120 = vector.shape_cast %shift_right_arithmetic3A_114 : vector<16xi32> to vector<16xi32>
      tpu.vector_store %arg10[%swap3A_117], %swap3A_120 {strides = array<i32>} : memref<64xi32, #tpu.memory_space<vmem>>, vector<16xi32>,
    }
    %scan3A_20 = arith.constant 4 : i32
    %dma_start3A_21 = arith.constant 0 : i32
    %dma_start3A_22 = arith.constant 0 : i32
    %dma_start3A_23 = tpu.memref_slice %arg2[%dma_start3A_21, %dma_start3A_22] : memref<10000x128xf32, #tpu.memory_space<hbm>> -> memref<10000x128xf32, #tpu.memory_space<hbm>>
    tpu.enqueue_indirect_dma source(%dma_start3A_23 : memref<10000x128xf32, #tpu.memory_space<hbm>>) target(%arg14 : memref<64x128xf32, #tpu.memory_space<vmem>>) offsets(%arg6 : memref<64xi32, #tpu.memory_space<vmem>>) semaphore(%arg22 : memref<!tpu.dma_semaphore, #tpu.memory_space<semaphore_mem>>)
    %scan3A_24 = arith.constant 0 : i32
    %scan3A_25 = arith.constant 4 : i32
    %scan3A_26 = arith.addi %scan3A_24, %scan3A_25 : i32
    %scan3A_27 = arith.constant 1 : i32
    scf.for %scan3A_91 = %scan3A_24 to %scan3A_26 step %scan3A_27  : i32 {
      %mul3A_92 = arith.constant 1 : i32
      %mul3A_93 = arith.muli %scan3A_91, %mul3A_92 : i32
      %add3A_94 = arith.constant 0 : i32
      %add3A_95 = arith.addi %add3A_94, %mul3A_93 : i32
      %mul3A_96 = arith.constant 16 : i32
      %mul3A_97 = arith.muli %add3A_95, %mul3A_96 : i32
      %add3A_98 = arith.constant 64 : i32
      %add3A_99 = arith.addi %add3A_98, %mul3A_97 : i32
      %get3A_100 = arith.index_cast %add3A_99 : i32 to index
      %get3A_101 = tpu.vector_load %arg5[%get3A_100] {strides = array<i32>} : memref<10000xi32, #tpu.memory_space<vmem>>, vector<16xi32>,
      %get3A_102 = vector.shape_cast %get3A_101 : vector<16xi32> to vector<16xi32>
      %and3A_103 = arith.constant 65535 : i32
      %and3A_104 = vector.broadcast %and3A_103 : i32 to vector<16xi32>
      %and3A_105 = arith.andi %get3A_102, %and3A_104 : vector<16xi32>
      %mul3A_106 = arith.constant 16 : i32
      %mul3A_107 = arith.muli %add3A_95, %mul3A_106 : i32
      %swap3A_108 = arith.index_cast %mul3A_107 : i32 to index
      %swap3A_109 = tpu.vector_load %arg7[%swap3A_108] {strides = array<i32>} : memref<64xi32, #tpu.memory_space<vmem>>, vector<16xi32>,
      %swap3A_110 = vector.shape_cast %swap3A_109 : vector<16xi32> to vector<16xi32>
      %swap3A_111 = vector.shape_cast %and3A_105 : vector<16xi32> to vector<16xi32>
      tpu.vector_store %arg7[%swap3A_108], %swap3A_111 {strides = array<i32>} : memref<64xi32, #tpu.memory_space<vmem>>, vector<16xi32>,
      %shift_right_arithmetic3A_112 = arith.constant 16 : i32
      %shift_right_arithmetic3A_113 = vector.broadcast %shift_right_arithmetic3A_112 : i32 to vector<16xi32>
      %shift_right_arithmetic3A_114 = arith.shrsi %get3A_102, %shift_right_arithmetic3A_113 : vector<16xi32>
      %mul3A_115 = arith.constant 16 : i32
      %mul3A_116 = arith.muli %add3A_95, %mul3A_115 : i32
      %swap3A_117 = arith.index_cast %mul3A_116 : i32 to index
      %swap3A_118 = tpu.vector_load %arg11[%swap3A_117] {strides = array<i32>} : memref<64xi32, #tpu.memory_space<vmem>>, vector<16xi32>,
      %swap3A_119 = vector.shape_cast %swap3A_118 : vector<16xi32> to vector<16xi32>
      %swap3A_120 = vector.shape_cast %shift_right_arithmetic3A_114 : vector<16xi32> to vector<16xi32>
      tpu.vector_store %arg11[%swap3A_117], %swap3A_120 {strides = array<i32>} : memref<64xi32, #tpu.memory_space<vmem>>, vector<16xi32>,
    }
    %scan3A_28 = arith.constant 4 : i32
    %dma_start3A_29 = arith.constant 0 : i32
    %dma_start3A_30 = arith.constant 0 : i32
    %dma_start3A_31 = tpu.memref_slice %arg2[%dma_start3A_29, %dma_start3A_30] : memref<10000x128xf32, #tpu.memory_space<hbm>> -> memref<10000x128xf32, #tpu.memory_space<hbm>>
    tpu.enqueue_indirect_dma source(%dma_start3A_31 : memref<10000x128xf32, #tpu.memory_space<hbm>>) target(%arg15 : memref<64x128xf32, #tpu.memory_space<vmem>>) offsets(%arg7 : memref<64xi32, #tpu.memory_space<vmem>>) semaphore(%arg23 : memref<!tpu.dma_semaphore, #tpu.memory_space<semaphore_mem>>)
    %scan3A_32 = arith.constant 0 : i32
    %scan3A_33 = arith.constant 4 : i32
    %scan3A_34 = arith.addi %scan3A_32, %scan3A_33 : i32
    %scan3A_35 = arith.constant 1 : i32
    scf.for %scan3A_91 = %scan3A_32 to %scan3A_34 step %scan3A_35  : i32 {
      %mul3A_92 = arith.constant 1 : i32
      %mul3A_93 = arith.muli %scan3A_91, %mul3A_92 : i32
      %add3A_94 = arith.constant 0 : i32
      %add3A_95 = arith.addi %add3A_94, %mul3A_93 : i32
      %mul3A_96 = arith.constant 16 : i32
      %mul3A_97 = arith.muli %add3A_95, %mul3A_96 : i32
      %add3A_98 = arith.constant 128 : i32
      %add3A_99 = arith.addi %add3A_98, %mul3A_97 : i32
      %get3A_100 = arith.index_cast %add3A_99 : i32 to index
      %get3A_101 = tpu.vector_load %arg5[%get3A_100] {strides = array<i32>} : memref<10000xi32, #tpu.memory_space<vmem>>, vector<16xi32>,
      %get3A_102 = vector.shape_cast %get3A_101 : vector<16xi32> to vector<16xi32>
      %and3A_103 = arith.constant 65535 : i32
      %and3A_104 = vector.broadcast %and3A_103 : i32 to vector<16xi32>
      %and3A_105 = arith.andi %get3A_102, %and3A_104 : vector<16xi32>
      %mul3A_106 = arith.constant 16 : i32
      %mul3A_107 = arith.muli %add3A_95, %mul3A_106 : i32
      %swap3A_108 = arith.index_cast %mul3A_107 : i32 to index
      %swap3A_109 = tpu.vector_load %arg8[%swap3A_108] {strides = array<i32>} : memref<64xi32, #tpu.memory_space<vmem>>, vector<16xi32>,
      %swap3A_110 = vector.shape_cast %swap3A_109 : vector<16xi32> to vector<16xi32>
      %swap3A_111 = vector.shape_cast %and3A_105 : vector<16xi32> to vector<16xi32>
      tpu.vector_store %arg8[%swap3A_108], %swap3A_111 {strides = array<i32>} : memref<64xi32, #tpu.memory_space<vmem>>, vector<16xi32>,
      %shift_right_arithmetic3A_112 = arith.constant 16 : i32
      %shift_right_arithmetic3A_113 = vector.broadcast %shift_right_arithmetic3A_112 : i32 to vector<16xi32>
      %shift_right_arithmetic3A_114 = arith.shrsi %get3A_102, %shift_right_arithmetic3A_113 : vector<16xi32>
      %mul3A_115 = arith.constant 16 : i32
      %mul3A_116 = arith.muli %add3A_95, %mul3A_115 : i32
      %swap3A_117 = arith.index_cast %mul3A_116 : i32 to index
      %swap3A_118 = tpu.vector_load %arg12[%swap3A_117] {strides = array<i32>} : memref<64xi32, #tpu.memory_space<vmem>>, vector<16xi32>,
      %swap3A_119 = vector.shape_cast %swap3A_118 : vector<16xi32> to vector<16xi32>
      %swap3A_120 = vector.shape_cast %shift_right_arithmetic3A_114 : vector<16xi32> to vector<16xi32>
      tpu.vector_store %arg12[%swap3A_117], %swap3A_120 {strides = array<i32>} : memref<64xi32, #tpu.memory_space<vmem>>, vector<16xi32>,
    }
    %scan3A_36 = arith.constant 4 : i32
    %dma_start3A_37 = arith.constant 0 : i32
    %dma_start3A_38 = arith.constant 0 : i32
    %dma_start3A_39 = tpu.memref_slice %arg2[%dma_start3A_37, %dma_start3A_38] : memref<10000x128xf32, #tpu.memory_space<hbm>> -> memref<10000x128xf32, #tpu.memory_space<hbm>>
    tpu.enqueue_indirect_dma source(%dma_start3A_39 : memref<10000x128xf32, #tpu.memory_space<hbm>>) target(%arg16 : memref<64x128xf32, #tpu.memory_space<vmem>>) offsets(%arg8 : memref<64xi32, #tpu.memory_space<vmem>>) semaphore(%arg24 : memref<!tpu.dma_semaphore, #tpu.memory_space<semaphore_mem>>)
    %scan3A_40 = arith.constant 0 : i32
    %scan3A_41 = arith.constant 4 : i32
    %scan3A_42 = arith.addi %scan3A_40, %scan3A_41 : i32
    %scan3A_43 = arith.constant 1 : i32
    scf.for %scan3A_91 = %scan3A_40 to %scan3A_42 step %scan3A_43  : i32 {
      %mul3A_92 = arith.constant 1 : i32
      %mul3A_93 = arith.muli %scan3A_91, %mul3A_92 : i32
      %add3A_94 = arith.constant 0 : i32
      %add3A_95 = arith.addi %add3A_94, %mul3A_93 : i32
      %mul3A_96 = arith.constant 16 : i32
      %mul3A_97 = arith.muli %add3A_95, %mul3A_96 : i32
      %add3A_98 = arith.constant 192 : i32
      %add3A_99 = arith.addi %add3A_98, %mul3A_97 : i32
      %get3A_100 = arith.index_cast %add3A_99 : i32 to index
      %get3A_101 = tpu.vector_load %arg5[%get3A_100] {strides = array<i32>} : memref<10000xi32, #tpu.memory_space<vmem>>, vector<16xi32>,
      %get3A_102 = vector.shape_cast %get3A_101 : vector<16xi32> to vector<16xi32>
      %and3A_103 = arith.constant 65535 : i32
      %and3A_104 = vector.broadcast %and3A_103 : i32 to vector<16xi32>
      %and3A_105 = arith.andi %get3A_102, %and3A_104 : vector<16xi32>
      %mul3A_106 = arith.constant 16 : i32
      %mul3A_107 = arith.muli %add3A_95, %mul3A_106 : i32
      %swap3A_108 = arith.index_cast %mul3A_107 : i32 to index
      %swap3A_109 = tpu.vector_load %arg9[%swap3A_108] {strides = array<i32>} : memref<64xi32, #tpu.memory_space<vmem>>, vector<16xi32>,
      %swap3A_110 = vector.shape_cast %swap3A_109 : vector<16xi32> to vector<16xi32>
      %swap3A_111 = vector.shape_cast %and3A_105 : vector<16xi32> to vector<16xi32>
      tpu.vector_store %arg9[%swap3A_108], %swap3A_111 {strides = array<i32>} : memref<64xi32, #tpu.memory_space<vmem>>, vector<16xi32>,
      %shift_right_arithmetic3A_112 = arith.constant 16 : i32
      %shift_right_arithmetic3A_113 = vector.broadcast %shift_right_arithmetic3A_112 : i32 to vector<16xi32>
      %shift_right_arithmetic3A_114 = arith.shrsi %get3A_102, %shift_right_arithmetic3A_113 : vector<16xi32>
      %mul3A_115 = arith.constant 16 : i32
      %mul3A_116 = arith.muli %add3A_95, %mul3A_115 : i32
      %swap3A_117 = arith.index_cast %mul3A_116 : i32 to index
      %swap3A_118 = tpu.vector_load %arg13[%swap3A_117] {strides = array<i32>} : memref<64xi32, #tpu.memory_space<vmem>>, vector<16xi32>,
      %swap3A_119 = vector.shape_cast %swap3A_118 : vector<16xi32> to vector<16xi32>
      %swap3A_120 = vector.shape_cast %shift_right_arithmetic3A_114 : vector<16xi32> to vector<16xi32>
      tpu.vector_store %arg13[%swap3A_117], %swap3A_120 {strides = array<i32>} : memref<64xi32, #tpu.memory_space<vmem>>, vector<16xi32>,
    }
    %scan3A_44 = arith.constant 4 : i32
    %dma_start3A_45 = arith.constant 0 : i32
    %dma_start3A_46 = arith.constant 0 : i32
    %dma_start3A_47 = tpu.memref_slice %arg2[%dma_start3A_45, %dma_start3A_46] : memref<10000x128xf32, #tpu.memory_space<hbm>> -> memref<10000x128xf32, #tpu.memory_space<hbm>>
    tpu.enqueue_indirect_dma source(%dma_start3A_47 : memref<10000x128xf32, #tpu.memory_space<hbm>>) target(%arg17 : memref<64x128xf32, #tpu.memory_space<vmem>>) offsets(%arg9 : memref<64xi32, #tpu.memory_space<vmem>>) semaphore(%arg25 : memref<!tpu.dma_semaphore, #tpu.memory_space<semaphore_mem>>)
    %scan3A_48 = arith.constant 0 : i32
    %scan3A_49 = arith.constant 39 : i32
    %scan3A_50 = arith.addi %scan3A_48, %scan3A_49 : i32
    %scan3A_51 = arith.constant 1 : i32
    scf.for %scan3A_91 = %scan3A_48 to %scan3A_50 step %scan3A_51  : i32 {
      %mul3A_92 = arith.constant 1 : i32
      %mul3A_93 = arith.muli %scan3A_91, %mul3A_92 : i32
      %add3A_94 = arith.constant 0 : i32
      %add3A_95 = arith.addi %add3A_94, %mul3A_93 : i32
      %mul3A_96 = arith.constant 4 : i32
      %mul3A_97 = arith.muli %add3A_95, %mul3A_96 : i32
      %dma_wait3A_98 = arith.constant 0 : i32
      %dma_wait3A_99 = arith.constant 0 : i32
      %dma_wait3A_100 = tpu.memref_slice %arg2[%dma_wait3A_98, %dma_wait3A_99] : memref<10000x128xf32, #tpu.memory_space<hbm>> -> memref<10000x128xf32, #tpu.memory_space<hbm>>
      tpu.wait_indirect_dma semaphore(%arg22 : memref<!tpu.dma_semaphore, #tpu.memory_space<semaphore_mem>>) src(%dma_wait3A_100 : memref<10000x128xf32, #tpu.memory_space<hbm>>) dst(%arg14 : memref<64x128xf32, #tpu.memory_space<vmem>>)
      "tpu.region"() ({
        %run_scoped3A = tpu.sem_alloc : memref<!tpu.dma_semaphore, #tpu.memory_space<semaphore_mem>>
        %dma_start3A_143 = arith.constant 0 : i32
        %dma_start3A_144 = arith.constant 0 : i32
        %dma_start3A_145 = tpu.memref_slice %arg21[%dma_start3A_143, %dma_start3A_144] : memref<10240x128xf32, #tpu.memory_space<vmem_shared>> -> memref<10240x128xf32, #tpu.memory_space<vmem_shared>>
        tpu.enqueue_indirect_dma source(%arg14 : memref<64x128xf32, #tpu.memory_space<vmem>>) target(%dma_start3A_145 : memref<10240x128xf32, #tpu.memory_space<vmem_shared>>) offsets(%arg10 : memref<64xi32, #tpu.memory_space<vmem>>) semaphore(%run_scoped3A : memref<!tpu.dma_semaphore, #tpu.memory_space<semaphore_mem>>) {add = true}
        %dma_wait3A_146 = arith.constant 0 : i32
        %dma_wait3A_147 = arith.constant 0 : i32
        %dma_wait3A_148 = tpu.memref_slice %arg21[%dma_wait3A_146, %dma_wait3A_147] : memref<10240x128xf32, #tpu.memory_space<vmem_shared>> -> memref<10240x128xf32, #tpu.memory_space<vmem_shared>>
        tpu.wait_indirect_dma semaphore(%run_scoped3A : memref<!tpu.dma_semaphore, #tpu.memory_space<semaphore_mem>>) src(%arg14 : memref<64x128xf32, #tpu.memory_space<vmem>>) dst(%dma_wait3A_148 : memref<10240x128xf32, #tpu.memory_space<vmem_shared>>)
        tpu.yield
      }) : () -> ()
      %add3A_101 = arith.constant 0 : i32
      %add3A_102 = arith.addi %mul3A_97, %add3A_101 : i32
      %add3A_103 = arith.constant 4 : i32
      %add3A_104 = arith.addi %add3A_102, %add3A_103 : i32
      %lt3A = arith.constant 156 : i32
      %lt3A_105 = arith.cmpi slt, %add3A_104, %lt3A : i32
      %convert_element_type3A = arith.extui %lt3A_105 : i1 to i32
      %cond3A = arith.constant 0 : i32
      %cond3A_106 = arith.cmpi ne, %convert_element_type3A, %cond3A : i32
      scf.if %cond3A_106 {
        %add3A_143 = arith.constant 0 : i32
        %add3A_144 = arith.addi %mul3A_97, %add3A_143 : i32
        %add3A_145 = arith.constant 4 : i32
        %add3A_146 = arith.addi %add3A_144, %add3A_145 : i32
        %scan3A_147 = arith.constant 0 : i32
        %scan3A_148 = arith.constant 4 : i32
        %scan3A_149 = arith.addi %scan3A_147, %scan3A_148 : i32
        %scan3A_150 = arith.constant 1 : i32
        scf.for %scan3A_155 = %scan3A_147 to %scan3A_149 step %scan3A_150  : i32 {
          %mul3A_156 = arith.constant 1 : i32
          %mul3A_157 = arith.muli %scan3A_155, %mul3A_156 : i32
          %add3A_158 = arith.constant 0 : i32
          %add3A_159 = arith.addi %add3A_158, %mul3A_157 : i32
          %mul3A_160 = arith.constant 64 : i32
          %mul3A_161 = arith.muli %add3A_146, %mul3A_160 : i32
          %mul3A_162 = arith.constant 16 : i32
          %mul3A_163 = arith.muli %add3A_159, %mul3A_162 : i32
          %add3A_164 = arith.addi %mul3A_161, %mul3A_163 : i32
          %get3A_165 = arith.index_cast %add3A_164 : i32 to index
          %get3A_166 = tpu.vector_load %arg5[%get3A_165] {strides = array<i32>} : memref<10000xi32, #tpu.memory_space<vmem>>, vector<16xi32>,
          %get3A_167 = vector.shape_cast %get3A_166 : vector<16xi32> to vector<16xi32>
          %and3A_168 = arith.constant 65535 : i32
          %and3A_169 = vector.broadcast %and3A_168 : i32 to vector<16xi32>
          %and3A_170 = arith.andi %get3A_167, %and3A_169 : vector<16xi32>
          %mul3A_171 = arith.constant 16 : i32
          %mul3A_172 = arith.muli %add3A_159, %mul3A_171 : i32
          %swap3A_173 = arith.index_cast %mul3A_172 : i32 to index
          %swap3A_174 = tpu.vector_load %arg6[%swap3A_173] {strides = array<i32>} : memref<64xi32, #tpu.memory_space<vmem>>, vector<16xi32>,
          %swap3A_175 = vector.shape_cast %swap3A_174 : vector<16xi32> to vector<16xi32>
          %swap3A_176 = vector.shape_cast %and3A_170 : vector<16xi32> to vector<16xi32>
          tpu.vector_store %arg6[%swap3A_173], %swap3A_176 {strides = array<i32>} : memref<64xi32, #tpu.memory_space<vmem>>, vector<16xi32>,
          %shift_right_arithmetic3A_177 = arith.constant 16 : i32
          %shift_right_arithmetic3A_178 = vector.broadcast %shift_right_arithmetic3A_177 : i32 to vector<16xi32>
          %shift_right_arithmetic3A_179 = arith.shrsi %get3A_167, %shift_right_arithmetic3A_178 : vector<16xi32>
          %mul3A_180 = arith.constant 16 : i32
          %mul3A_181 = arith.muli %add3A_159, %mul3A_180 : i32
          %swap3A_182 = arith.index_cast %mul3A_181 : i32 to index
          %swap3A_183 = tpu.vector_load %arg10[%swap3A_182] {strides = array<i32>} : memref<64xi32, #tpu.memory_space<vmem>>, vector<16xi32>,
          %swap3A_184 = vector.shape_cast %swap3A_183 : vector<16xi32> to vector<16xi32>
          %swap3A_185 = vector.shape_cast %shift_right_arithmetic3A_179 : vector<16xi32> to vector<16xi32>
          tpu.vector_store %arg10[%swap3A_182], %swap3A_185 {strides = array<i32>} : memref<64xi32, #tpu.memory_space<vmem>>, vector<16xi32>,
        }
        %scan3A_151 = arith.constant 4 : i32
        %dma_start3A_152 = arith.constant 0 : i32
        %dma_start3A_153 = arith.constant 0 : i32
        %dma_start3A_154 = tpu.memref_slice %arg2[%dma_start3A_152, %dma_start3A_153] : memref<10000x128xf32, #tpu.memory_space<hbm>> -> memref<10000x128xf32, #tpu.memory_space<hbm>>
        tpu.enqueue_indirect_dma source(%dma_start3A_154 : memref<10000x128xf32, #tpu.memory_space<hbm>>) target(%arg14 : memref<64x128xf32, #tpu.memory_space<vmem>>) offsets(%arg6 : memref<64xi32, #tpu.memory_space<vmem>>) semaphore(%arg22 : memref<!tpu.dma_semaphore, #tpu.memory_space<semaphore_mem>>)
      } else {
      }
      %dma_wait3A_107 = arith.constant 0 : i32
      %dma_wait3A_108 = arith.constant 0 : i32
      %dma_wait3A_109 = tpu.memref_slice %arg2[%dma_wait3A_107, %dma_wait3A_108] : memref<10000x128xf32, #tpu.memory_space<hbm>> -> memref<10000x128xf32, #tpu.memory_space<hbm>>
      tpu.wait_indirect_dma semaphore(%arg23 : memref<!tpu.dma_semaphore, #tpu.memory_space<semaphore_mem>>) src(%dma_wait3A_109 : memref<10000x128xf32, #tpu.memory_space<hbm>>) dst(%arg15 : memref<64x128xf32, #tpu.memory_space<vmem>>)
      "tpu.region"() ({
        %run_scoped3A = tpu.sem_alloc : memref<!tpu.dma_semaphore, #tpu.memory_space<semaphore_mem>>
        %dma_start3A_143 = arith.constant 0 : i32
        %dma_start3A_144 = arith.constant 0 : i32
        %dma_start3A_145 = tpu.memref_slice %arg21[%dma_start3A_143, %dma_start3A_144] : memref<10240x128xf32, #tpu.memory_space<vmem_shared>> -> memref<10240x128xf32, #tpu.memory_space<vmem_shared>>
        tpu.enqueue_indirect_dma source(%arg15 : memref<64x128xf32, #tpu.memory_space<vmem>>) target(%dma_start3A_145 : memref<10240x128xf32, #tpu.memory_space<vmem_shared>>) offsets(%arg11 : memref<64xi32, #tpu.memory_space<vmem>>) semaphore(%run_scoped3A : memref<!tpu.dma_semaphore, #tpu.memory_space<semaphore_mem>>) {add = true}
        %dma_wait3A_146 = arith.constant 0 : i32
        %dma_wait3A_147 = arith.constant 0 : i32
        %dma_wait3A_148 = tpu.memref_slice %arg21[%dma_wait3A_146, %dma_wait3A_147] : memref<10240x128xf32, #tpu.memory_space<vmem_shared>> -> memref<10240x128xf32, #tpu.memory_space<vmem_shared>>
        tpu.wait_indirect_dma semaphore(%run_scoped3A : memref<!tpu.dma_semaphore, #tpu.memory_space<semaphore_mem>>) src(%arg15 : memref<64x128xf32, #tpu.memory_space<vmem>>) dst(%dma_wait3A_148 : memref<10240x128xf32, #tpu.memory_space<vmem_shared>>)
        tpu.yield
      }) : () -> ()
      %add3A_110 = arith.constant 1 : i32
      %add3A_111 = arith.addi %mul3A_97, %add3A_110 : i32
      %add3A_112 = arith.constant 4 : i32
      %add3A_113 = arith.addi %add3A_111, %add3A_112 : i32
      %lt3A_114 = arith.constant 156 : i32
      %lt3A_115 = arith.cmpi slt, %add3A_113, %lt3A_114 : i32
      %convert_element_type3A_116 = arith.extui %lt3A_115 : i1 to i32
      %cond3A_117 = arith.constant 0 : i32
      %cond3A_118 = arith.cmpi ne, %convert_element_type3A_116, %cond3A_117 : i32
      scf.if %cond3A_118 {
        %add3A_143 = arith.constant 1 : i32
        %add3A_144 = arith.addi %mul3A_97, %add3A_143 : i32
        %add3A_145 = arith.constant 4 : i32
        %add3A_146 = arith.addi %add3A_144, %add3A_145 : i32
        %scan3A_147 = arith.constant 0 : i32
        %scan3A_148 = arith.constant 4 : i32
        %scan3A_149 = arith.addi %scan3A_147, %scan3A_148 : i32
        %scan3A_150 = arith.constant 1 : i32
        scf.for %scan3A_155 = %scan3A_147 to %scan3A_149 step %scan3A_150  : i32 {
          %mul3A_156 = arith.constant 1 : i32
          %mul3A_157 = arith.muli %scan3A_155, %mul3A_156 : i32
          %add3A_158 = arith.constant 0 : i32
          %add3A_159 = arith.addi %add3A_158, %mul3A_157 : i32
          %mul3A_160 = arith.constant 64 : i32
          %mul3A_161 = arith.muli %add3A_146, %mul3A_160 : i32
          %mul3A_162 = arith.constant 16 : i32
          %mul3A_163 = arith.muli %add3A_159, %mul3A_162 : i32
          %add3A_164 = arith.addi %mul3A_161, %mul3A_163 : i32
          %get3A_165 = arith.index_cast %add3A_164 : i32 to index
          %get3A_166 = tpu.vector_load %arg5[%get3A_165] {strides = array<i32>} : memref<10000xi32, #tpu.memory_space<vmem>>, vector<16xi32>,
          %get3A_167 = vector.shape_cast %get3A_166 : vector<16xi32> to vector<16xi32>
          %and3A_168 = arith.constant 65535 : i32
          %and3A_169 = vector.broadcast %and3A_168 : i32 to vector<16xi32>
          %and3A_170 = arith.andi %get3A_167, %and3A_169 : vector<16xi32>
          %mul3A_171 = arith.constant 16 : i32
          %mul3A_172 = arith.muli %add3A_159, %mul3A_171 : i32
          %swap3A_173 = arith.index_cast %mul3A_172 : i32 to index
          %swap3A_174 = tpu.vector_load %arg7[%swap3A_173] {strides = array<i32>} : memref<64xi32, #tpu.memory_space<vmem>>, vector<16xi32>,
          %swap3A_175 = vector.shape_cast %swap3A_174 : vector<16xi32> to vector<16xi32>
          %swap3A_176 = vector.shape_cast %and3A_170 : vector<16xi32> to vector<16xi32>
          tpu.vector_store %arg7[%swap3A_173], %swap3A_176 {strides = array<i32>} : memref<64xi32, #tpu.memory_space<vmem>>, vector<16xi32>,
          %shift_right_arithmetic3A_177 = arith.constant 16 : i32
          %shift_right_arithmetic3A_178 = vector.broadcast %shift_right_arithmetic3A_177 : i32 to vector<16xi32>
          %shift_right_arithmetic3A_179 = arith.shrsi %get3A_167, %shift_right_arithmetic3A_178 : vector<16xi32>
          %mul3A_180 = arith.constant 16 : i32
          %mul3A_181 = arith.muli %add3A_159, %mul3A_180 : i32
          %swap3A_182 = arith.index_cast %mul3A_181 : i32 to index
          %swap3A_183 = tpu.vector_load %arg11[%swap3A_182] {strides = array<i32>} : memref<64xi32, #tpu.memory_space<vmem>>, vector<16xi32>,
          %swap3A_184 = vector.shape_cast %swap3A_183 : vector<16xi32> to vector<16xi32>
          %swap3A_185 = vector.shape_cast %shift_right_arithmetic3A_179 : vector<16xi32> to vector<16xi32>
          tpu.vector_store %arg11[%swap3A_182], %swap3A_185 {strides = array<i32>} : memref<64xi32, #tpu.memory_space<vmem>>, vector<16xi32>,
        }
        %scan3A_151 = arith.constant 4 : i32
        %dma_start3A_152 = arith.constant 0 : i32
        %dma_start3A_153 = arith.constant 0 : i32
        %dma_start3A_154 = tpu.memref_slice %arg2[%dma_start3A_152, %dma_start3A_153] : memref<10000x128xf32, #tpu.memory_space<hbm>> -> memref<10000x128xf32, #tpu.memory_space<hbm>>
        tpu.enqueue_indirect_dma source(%dma_start3A_154 : memref<10000x128xf32, #tpu.memory_space<hbm>>) target(%arg15 : memref<64x128xf32, #tpu.memory_space<vmem>>) offsets(%arg7 : memref<64xi32, #tpu.memory_space<vmem>>) semaphore(%arg23 : memref<!tpu.dma_semaphore, #tpu.memory_space<semaphore_mem>>)
      } else {
      }
      %dma_wait3A_119 = arith.constant 0 : i32
      %dma_wait3A_120 = arith.constant 0 : i32
      %dma_wait3A_121 = tpu.memref_slice %arg2[%dma_wait3A_119, %dma_wait3A_120] : memref<10000x128xf32, #tpu.memory_space<hbm>> -> memref<10000x128xf32, #tpu.memory_space<hbm>>
      tpu.wait_indirect_dma semaphore(%arg24 : memref<!tpu.dma_semaphore, #tpu.memory_space<semaphore_mem>>) src(%dma_wait3A_121 : memref<10000x128xf32, #tpu.memory_space<hbm>>) dst(%arg16 : memref<64x128xf32, #tpu.memory_space<vmem>>)
      "tpu.region"() ({
        %run_scoped3A = tpu.sem_alloc : memref<!tpu.dma_semaphore, #tpu.memory_space<semaphore_mem>>
        %dma_start3A_143 = arith.constant 0 : i32
        %dma_start3A_144 = arith.constant 0 : i32
        %dma_start3A_145 = tpu.memref_slice %arg21[%dma_start3A_143, %dma_start3A_144] : memref<10240x128xf32, #tpu.memory_space<vmem_shared>> -> memref<10240x128xf32, #tpu.memory_space<vmem_shared>>
        tpu.enqueue_indirect_dma source(%arg16 : memref<64x128xf32, #tpu.memory_space<vmem>>) target(%dma_start3A_145 : memref<10240x128xf32, #tpu.memory_space<vmem_shared>>) offsets(%arg12 : memref<64xi32, #tpu.memory_space<vmem>>) semaphore(%run_scoped3A : memref<!tpu.dma_semaphore, #tpu.memory_space<semaphore_mem>>) {add = true}
        %dma_wait3A_146 = arith.constant 0 : i32
        %dma_wait3A_147 = arith.constant 0 : i32
        %dma_wait3A_148 = tpu.memref_slice %arg21[%dma_wait3A_146, %dma_wait3A_147] : memref<10240x128xf32, #tpu.memory_space<vmem_shared>> -> memref<10240x128xf32, #tpu.memory_space<vmem_shared>>
        tpu.wait_indirect_dma semaphore(%run_scoped3A : memref<!tpu.dma_semaphore, #tpu.memory_space<semaphore_mem>>) src(%arg16 : memref<64x128xf32, #tpu.memory_space<vmem>>) dst(%dma_wait3A_148 : memref<10240x128xf32, #tpu.memory_space<vmem_shared>>)
        tpu.yield
      }) : () -> ()
      %add3A_122 = arith.constant 2 : i32
      %add3A_123 = arith.addi %mul3A_97, %add3A_122 : i32
      %add3A_124 = arith.constant 4 : i32
      %add3A_125 = arith.addi %add3A_123, %add3A_124 : i32
      %lt3A_126 = arith.constant 156 : i32
      %lt3A_127 = arith.cmpi slt, %add3A_125, %lt3A_126 : i32
      %convert_element_type3A_128 = arith.extui %lt3A_127 : i1 to i32
      %cond3A_129 = arith.constant 0 : i32
      %cond3A_130 = arith.cmpi ne, %convert_element_type3A_128, %cond3A_129 : i32
      scf.if %cond3A_130 {
        %add3A_143 = arith.constant 2 : i32
        %add3A_144 = arith.addi %mul3A_97, %add3A_143 : i32
        %add3A_145 = arith.constant 4 : i32
        %add3A_146 = arith.addi %add3A_144, %add3A_145 : i32
        %scan3A_147 = arith.constant 0 : i32
        %scan3A_148 = arith.constant 4 : i32
        %scan3A_149 = arith.addi %scan3A_147, %scan3A_148 : i32
        %scan3A_150 = arith.constant 1 : i32
        scf.for %scan3A_155 = %scan3A_147 to %scan3A_149 step %scan3A_150  : i32 {
          %mul3A_156 = arith.constant 1 : i32
          %mul3A_157 = arith.muli %scan3A_155, %mul3A_156 : i32
          %add3A_158 = arith.constant 0 : i32
          %add3A_159 = arith.addi %add3A_158, %mul3A_157 : i32
          %mul3A_160 = arith.constant 64 : i32
          %mul3A_161 = arith.muli %add3A_146, %mul3A_160 : i32
          %mul3A_162 = arith.constant 16 : i32
          %mul3A_163 = arith.muli %add3A_159, %mul3A_162 : i32
          %add3A_164 = arith.addi %mul3A_161, %mul3A_163 : i32
          %get3A_165 = arith.index_cast %add3A_164 : i32 to index
          %get3A_166 = tpu.vector_load %arg5[%get3A_165] {strides = array<i32>} : memref<10000xi32, #tpu.memory_space<vmem>>, vector<16xi32>,
          %get3A_167 = vector.shape_cast %get3A_166 : vector<16xi32> to vector<16xi32>
          %and3A_168 = arith.constant 65535 : i32
          %and3A_169 = vector.broadcast %and3A_168 : i32 to vector<16xi32>
          %and3A_170 = arith.andi %get3A_167, %and3A_169 : vector<16xi32>
          %mul3A_171 = arith.constant 16 : i32
          %mul3A_172 = arith.muli %add3A_159, %mul3A_171 : i32
          %swap3A_173 = arith.index_cast %mul3A_172 : i32 to index
          %swap3A_174 = tpu.vector_load %arg8[%swap3A_173] {strides = array<i32>} : memref<64xi32, #tpu.memory_space<vmem>>, vector<16xi32>,
          %swap3A_175 = vector.shape_cast %swap3A_174 : vector<16xi32> to vector<16xi32>
          %swap3A_176 = vector.shape_cast %and3A_170 : vector<16xi32> to vector<16xi32>
          tpu.vector_store %arg8[%swap3A_173], %swap3A_176 {strides = array<i32>} : memref<64xi32, #tpu.memory_space<vmem>>, vector<16xi32>,
          %shift_right_arithmetic3A_177 = arith.constant 16 : i32
          %shift_right_arithmetic3A_178 = vector.broadcast %shift_right_arithmetic3A_177 : i32 to vector<16xi32>
          %shift_right_arithmetic3A_179 = arith.shrsi %get3A_167, %shift_right_arithmetic3A_178 : vector<16xi32>
          %mul3A_180 = arith.constant 16 : i32
          %mul3A_181 = arith.muli %add3A_159, %mul3A_180 : i32
          %swap3A_182 = arith.index_cast %mul3A_181 : i32 to index
          %swap3A_183 = tpu.vector_load %arg12[%swap3A_182] {strides = array<i32>} : memref<64xi32, #tpu.memory_space<vmem>>, vector<16xi32>,
          %swap3A_184 = vector.shape_cast %swap3A_183 : vector<16xi32> to vector<16xi32>
          %swap3A_185 = vector.shape_cast %shift_right_arithmetic3A_179 : vector<16xi32> to vector<16xi32>
          tpu.vector_store %arg12[%swap3A_182], %swap3A_185 {strides = array<i32>} : memref<64xi32, #tpu.memory_space<vmem>>, vector<16xi32>,
        }
        %scan3A_151 = arith.constant 4 : i32
        %dma_start3A_152 = arith.constant 0 : i32
        %dma_start3A_153 = arith.constant 0 : i32
        %dma_start3A_154 = tpu.memref_slice %arg2[%dma_start3A_152, %dma_start3A_153] : memref<10000x128xf32, #tpu.memory_space<hbm>> -> memref<10000x128xf32, #tpu.memory_space<hbm>>
        tpu.enqueue_indirect_dma source(%dma_start3A_154 : memref<10000x128xf32, #tpu.memory_space<hbm>>) target(%arg16 : memref<64x128xf32, #tpu.memory_space<vmem>>) offsets(%arg8 : memref<64xi32, #tpu.memory_space<vmem>>) semaphore(%arg24 : memref<!tpu.dma_semaphore, #tpu.memory_space<semaphore_mem>>)
      } else {
      }
      %dma_wait3A_131 = arith.constant 0 : i32
      %dma_wait3A_132 = arith.constant 0 : i32
      %dma_wait3A_133 = tpu.memref_slice %arg2[%dma_wait3A_131, %dma_wait3A_132] : memref<10000x128xf32, #tpu.memory_space<hbm>> -> memref<10000x128xf32, #tpu.memory_space<hbm>>
      tpu.wait_indirect_dma semaphore(%arg25 : memref<!tpu.dma_semaphore, #tpu.memory_space<semaphore_mem>>) src(%dma_wait3A_133 : memref<10000x128xf32, #tpu.memory_space<hbm>>) dst(%arg17 : memref<64x128xf32, #tpu.memory_space<vmem>>)
      "tpu.region"() ({
        %run_scoped3A = tpu.sem_alloc : memref<!tpu.dma_semaphore, #tpu.memory_space<semaphore_mem>>
        %dma_start3A_143 = arith.constant 0 : i32
        %dma_start3A_144 = arith.constant 0 : i32
        %dma_start3A_145 = tpu.memref_slice %arg21[%dma_start3A_143, %dma_start3A_144] : memref<10240x128xf32, #tpu.memory_space<vmem_shared>> -> memref<10240x128xf32, #tpu.memory_space<vmem_shared>>
        tpu.enqueue_indirect_dma source(%arg17 : memref<64x128xf32, #tpu.memory_space<vmem>>) target(%dma_start3A_145 : memref<10240x128xf32, #tpu.memory_space<vmem_shared>>) offsets(%arg13 : memref<64xi32, #tpu.memory_space<vmem>>) semaphore(%run_scoped3A : memref<!tpu.dma_semaphore, #tpu.memory_space<semaphore_mem>>) {add = true}
        %dma_wait3A_146 = arith.constant 0 : i32
        %dma_wait3A_147 = arith.constant 0 : i32
        %dma_wait3A_148 = tpu.memref_slice %arg21[%dma_wait3A_146, %dma_wait3A_147] : memref<10240x128xf32, #tpu.memory_space<vmem_shared>> -> memref<10240x128xf32, #tpu.memory_space<vmem_shared>>
        tpu.wait_indirect_dma semaphore(%run_scoped3A : memref<!tpu.dma_semaphore, #tpu.memory_space<semaphore_mem>>) src(%arg17 : memref<64x128xf32, #tpu.memory_space<vmem>>) dst(%dma_wait3A_148 : memref<10240x128xf32, #tpu.memory_space<vmem_shared>>)
        tpu.yield
      }) : () -> ()
      %add3A_134 = arith.constant 3 : i32
      %add3A_135 = arith.addi %mul3A_97, %add3A_134 : i32
      %add3A_136 = arith.constant 4 : i32
      %add3A_137 = arith.addi %add3A_135, %add3A_136 : i32
      %lt3A_138 = arith.constant 156 : i32
      %lt3A_139 = arith.cmpi slt, %add3A_137, %lt3A_138 : i32
      %convert_element_type3A_140 = arith.extui %lt3A_139 : i1 to i32
      %cond3A_141 = arith.constant 0 : i32
      %cond3A_142 = arith.cmpi ne, %convert_element_type3A_140, %cond3A_141 : i32
      scf.if %cond3A_142 {
        %add3A_143 = arith.constant 3 : i32
        %add3A_144 = arith.addi %mul3A_97, %add3A_143 : i32
        %add3A_145 = arith.constant 4 : i32
        %add3A_146 = arith.addi %add3A_144, %add3A_145 : i32
        %scan3A_147 = arith.constant 0 : i32
        %scan3A_148 = arith.constant 4 : i32
        %scan3A_149 = arith.addi %scan3A_147, %scan3A_148 : i32
        %scan3A_150 = arith.constant 1 : i32
        scf.for %scan3A_155 = %scan3A_147 to %scan3A_149 step %scan3A_150  : i32 {
          %mul3A_156 = arith.constant 1 : i32
          %mul3A_157 = arith.muli %scan3A_155, %mul3A_156 : i32
          %add3A_158 = arith.constant 0 : i32
          %add3A_159 = arith.addi %add3A_158, %mul3A_157 : i32
          %mul3A_160 = arith.constant 64 : i32
          %mul3A_161 = arith.muli %add3A_146, %mul3A_160 : i32
          %mul3A_162 = arith.constant 16 : i32
          %mul3A_163 = arith.muli %add3A_159, %mul3A_162 : i32
          %add3A_164 = arith.addi %mul3A_161, %mul3A_163 : i32
          %get3A_165 = arith.index_cast %add3A_164 : i32 to index
          %get3A_166 = tpu.vector_load %arg5[%get3A_165] {strides = array<i32>} : memref<10000xi32, #tpu.memory_space<vmem>>, vector<16xi32>,
          %get3A_167 = vector.shape_cast %get3A_166 : vector<16xi32> to vector<16xi32>
          %and3A_168 = arith.constant 65535 : i32
          %and3A_169 = vector.broadcast %and3A_168 : i32 to vector<16xi32>
          %and3A_170 = arith.andi %get3A_167, %and3A_169 : vector<16xi32>
          %mul3A_171 = arith.constant 16 : i32
          %mul3A_172 = arith.muli %add3A_159, %mul3A_171 : i32
          %swap3A_173 = arith.index_cast %mul3A_172 : i32 to index
          %swap3A_174 = tpu.vector_load %arg9[%swap3A_173] {strides = array<i32>} : memref<64xi32, #tpu.memory_space<vmem>>, vector<16xi32>,
          %swap3A_175 = vector.shape_cast %swap3A_174 : vector<16xi32> to vector<16xi32>
          %swap3A_176 = vector.shape_cast %and3A_170 : vector<16xi32> to vector<16xi32>
          tpu.vector_store %arg9[%swap3A_173], %swap3A_176 {strides = array<i32>} : memref<64xi32, #tpu.memory_space<vmem>>, vector<16xi32>,
          %shift_right_arithmetic3A_177 = arith.constant 16 : i32
          %shift_right_arithmetic3A_178 = vector.broadcast %shift_right_arithmetic3A_177 : i32 to vector<16xi32>
          %shift_right_arithmetic3A_179 = arith.shrsi %get3A_167, %shift_right_arithmetic3A_178 : vector<16xi32>
          %mul3A_180 = arith.constant 16 : i32
          %mul3A_181 = arith.muli %add3A_159, %mul3A_180 : i32
          %swap3A_182 = arith.index_cast %mul3A_181 : i32 to index
          %swap3A_183 = tpu.vector_load %arg13[%swap3A_182] {strides = array<i32>} : memref<64xi32, #tpu.memory_space<vmem>>, vector<16xi32>,
          %swap3A_184 = vector.shape_cast %swap3A_183 : vector<16xi32> to vector<16xi32>
          %swap3A_185 = vector.shape_cast %shift_right_arithmetic3A_179 : vector<16xi32> to vector<16xi32>
          tpu.vector_store %arg13[%swap3A_182], %swap3A_185 {strides = array<i32>} : memref<64xi32, #tpu.memory_space<vmem>>, vector<16xi32>,
        }
        %scan3A_151 = arith.constant 4 : i32
        %dma_start3A_152 = arith.constant 0 : i32
        %dma_start3A_153 = arith.constant 0 : i32
        %dma_start3A_154 = tpu.memref_slice %arg2[%dma_start3A_152, %dma_start3A_153] : memref<10000x128xf32, #tpu.memory_space<hbm>> -> memref<10000x128xf32, #tpu.memory_space<hbm>>
        tpu.enqueue_indirect_dma source(%dma_start3A_154 : memref<10000x128xf32, #tpu.memory_space<hbm>>) target(%arg17 : memref<64x128xf32, #tpu.memory_space<vmem>>) offsets(%arg9 : memref<64xi32, #tpu.memory_space<vmem>>) semaphore(%arg25 : memref<!tpu.dma_semaphore, #tpu.memory_space<semaphore_mem>>)
      } else {
      }
    }
    %scan3A_52 = arith.constant 39 : i32
    %scan3A_53 = arith.constant 0 : i32
    %mul3A_54 = arith.constant 1 : i32
    %mul3A_55 = arith.muli %scan3A_53, %mul3A_54 : i32
    %add3A_56 = arith.constant 0 : i32
    %add3A_57 = arith.addi %add3A_56, %mul3A_55 : i32
    %mul3A_58 = arith.constant 16 : i32
    %mul3A_59 = arith.muli %add3A_57, %mul3A_58 : i32
    %add3A_60 = arith.constant 9984 : i32
    %add3A_61 = arith.addi %add3A_60, %mul3A_59 : i32
    %get3A = arith.index_cast %add3A_61 : i32 to index
    %get3A_62 = tpu.vector_load %arg5[%get3A] {strides = array<i32>} : memref<10000xi32, #tpu.memory_space<vmem>>, vector<16xi32>,
    %get3A_63 = vector.shape_cast %get3A_62 : vector<16xi32> to vector<16xi32>
    %and3A = arith.constant 65535 : i32
    %and3A_64 = vector.broadcast %and3A : i32 to vector<16xi32>
    %and3A_65 = arith.andi %get3A_63, %and3A_64 : vector<16xi32>
    %mul3A_66 = arith.constant 16 : i32
    %mul3A_67 = arith.muli %add3A_57, %mul3A_66 : i32
    %swap3A = arith.index_cast %mul3A_67 : i32 to index
    %swap3A_68 = tpu.vector_load %arg18[%swap3A] {strides = array<i32>} : memref<16xi32, #tpu.memory_space<vmem>>, vector<16xi32>,
    %swap3A_69 = vector.shape_cast %swap3A_68 : vector<16xi32> to vector<16xi32>
    %swap3A_70 = vector.shape_cast %and3A_65 : vector<16xi32> to vector<16xi32>
    tpu.vector_store %arg18[%swap3A], %swap3A_70 {strides = array<i32>} : memref<16xi32, #tpu.memory_space<vmem>>, vector<16xi32>,
    %shift_right_arithmetic3A = arith.constant 16 : i32
    %shift_right_arithmetic3A_71 = vector.broadcast %shift_right_arithmetic3A : i32 to vector<16xi32>
    %shift_right_arithmetic3A_72 = arith.shrsi %get3A_63, %shift_right_arithmetic3A_71 : vector<16xi32>
    %mul3A_73 = arith.constant 16 : i32
    %mul3A_74 = arith.muli %add3A_57, %mul3A_73 : i32
    %swap3A_75 = arith.index_cast %mul3A_74 : i32 to index
    %swap3A_76 = tpu.vector_load %arg19[%swap3A_75] {strides = array<i32>} : memref<16xi32, #tpu.memory_space<vmem>>, vector<16xi32>,
    %swap3A_77 = vector.shape_cast %swap3A_76 : vector<16xi32> to vector<16xi32>
    %swap3A_78 = vector.shape_cast %shift_right_arithmetic3A_72 : vector<16xi32> to vector<16xi32>
    tpu.vector_store %arg19[%swap3A_75], %swap3A_78 {strides = array<i32>} : memref<16xi32, #tpu.memory_space<vmem>>, vector<16xi32>,
    %scan3A_79 = arith.constant 1 : i32
    %dma_start3A_80 = arith.constant 0 : i32
    %dma_start3A_81 = arith.constant 0 : i32
    %dma_start3A_82 = tpu.memref_slice %arg2[%dma_start3A_80, %dma_start3A_81] : memref<10000x128xf32, #tpu.memory_space<hbm>> -> memref<10000x128xf32, #tpu.memory_space<hbm>>
    tpu.enqueue_indirect_dma source(%dma_start3A_82 : memref<10000x128xf32, #tpu.memory_space<hbm>>) target(%arg20 : memref<16x128xf32, #tpu.memory_space<vmem>>) offsets(%arg18 : memref<16xi32, #tpu.memory_space<vmem>>) semaphore(%arg22 : memref<!tpu.dma_semaphore, #tpu.memory_space<semaphore_mem>>)
    %dma_wait3A_83 = arith.constant 0 : i32
    %dma_wait3A_84 = arith.constant 0 : i32
    %dma_wait3A_85 = tpu.memref_slice %arg2[%dma_wait3A_83, %dma_wait3A_84] : memref<10000x128xf32, #tpu.memory_space<hbm>> -> memref<10000x128xf32, #tpu.memory_space<hbm>>
    tpu.wait_indirect_dma semaphore(%arg22 : memref<!tpu.dma_semaphore, #tpu.memory_space<semaphore_mem>>) src(%dma_wait3A_85 : memref<10000x128xf32, #tpu.memory_space<hbm>>) dst(%arg20 : memref<16x128xf32, #tpu.memory_space<vmem>>)
    "tpu.region"() ({
      %run_scoped3A = tpu.sem_alloc : memref<!tpu.dma_semaphore, #tpu.memory_space<semaphore_mem>>
      %dma_start3A_91 = arith.constant 0 : i32
      %dma_start3A_92 = arith.constant 0 : i32
      %dma_start3A_93 = tpu.memref_slice %arg21[%dma_start3A_91, %dma_start3A_92] : memref<10240x128xf32, #tpu.memory_space<vmem_shared>> -> memref<10240x128xf32, #tpu.memory_space<vmem_shared>>
      tpu.enqueue_indirect_dma source(%arg20 : memref<16x128xf32, #tpu.memory_space<vmem>>) target(%dma_start3A_93 : memref<10240x128xf32, #tpu.memory_space<vmem_shared>>) offsets(%arg19 : memref<16xi32, #tpu.memory_space<vmem>>) semaphore(%run_scoped3A : memref<!tpu.dma_semaphore, #tpu.memory_space<semaphore_mem>>) {add = true}
      %dma_wait3A_94 = arith.constant 0 : i32
      %dma_wait3A_95 = arith.constant 0 : i32
      %dma_wait3A_96 = tpu.memref_slice %arg21[%dma_wait3A_94, %dma_wait3A_95] : memref<10240x128xf32, #tpu.memory_space<vmem_shared>> -> memref<10240x128xf32, #tpu.memory_space<vmem_shared>>
      tpu.wait_indirect_dma semaphore(%run_scoped3A : memref<!tpu.dma_semaphore, #tpu.memory_space<semaphore_mem>>) src(%arg20 : memref<16x128xf32, #tpu.memory_space<vmem>>) dst(%dma_wait3A_96 : memref<10240x128xf32, #tpu.memory_space<vmem_shared>>)
      tpu.yield
    }) : () -> ()
    %barrier3A_86 = arith.constant 0 : index
    tpu.barrier barrier_id(%barrier3A_86)
    %mul3A_87 = arith.constant 640 : i32
    %mul3A_88 = arith.muli %arg1, %mul3A_87 : i32
    %mul3A_89 = arith.constant 640 : i32
    %mul3A_90 = arith.muli %arg1, %mul3A_89 : i32
    "tpu.region"() ({
      %run_scoped3A = tpu.sem_alloc : memref<!tpu.dma_semaphore, #tpu.memory_space<semaphore_mem>>
      %dma_start3A_91 = arith.constant 0 : i32
      %dma_start3A_92 = tpu.memref_slice %arg4[%arg0, %mul3A_90, %dma_start3A_91] : memref<2x10240x128xf32, #tpu.memory_space<hbm>> -> memref<1x640x128xf32, #tpu.memory_space<hbm>>
      %dma_start3A_93 = tpu.memref_squeeze %dma_start3A_92 : memref<1x640x128xf32, #tpu.memory_space<hbm>> -> memref<640x128xf32, #tpu.memory_space<hbm>>
      %dma_start3A_94 = arith.constant 0 : i32
      %dma_start3A_95 = tpu.memref_slice %arg21[%mul3A_88, %dma_start3A_94] : memref<10240x128xf32, #tpu.memory_space<vmem_shared>> -> memref<640x128xf32, #tpu.memory_space<vmem_shared>>
      tpu.enqueue_dma source(%dma_start3A_95 : memref<640x128xf32, #tpu.memory_space<vmem_shared>>) target(%dma_start3A_93 : memref<640x128xf32, #tpu.memory_space<hbm>>) target_semaphore(%run_scoped3A : memref<!tpu.dma_semaphore, #tpu.memory_space<semaphore_mem>>)
      %dma_wait3A_96 = arith.constant 0 : i32
      %dma_wait3A_97 = tpu.memref_slice %arg4[%arg0, %mul3A_90, %dma_wait3A_96] : memref<2x10240x128xf32, #tpu.memory_space<hbm>> -> memref<1x640x128xf32, #tpu.memory_space<hbm>>
      %dma_wait3A_98 = tpu.memref_squeeze %dma_wait3A_97 : memref<1x640x128xf32, #tpu.memory_space<hbm>> -> memref<640x128xf32, #tpu.memory_space<hbm>>
      %dma_wait3A_99 = arith.constant 0 : i32
      %dma_wait3A_100 = tpu.memref_slice %arg21[%mul3A_88, %dma_wait3A_99] : memref<10240x128xf32, #tpu.memory_space<vmem_shared>> -> memref<640x128xf32, #tpu.memory_space<vmem_shared>>
      tpu.wait_dma2 semaphore(%run_scoped3A : memref<!tpu.dma_semaphore, #tpu.memory_space<semaphore_mem>>) src(%dma_wait3A_100 : memref<640x128xf32, #tpu.memory_space<vmem_shared>>) dst(%dma_wait3A_98 : memref<640x128xf32, #tpu.memory_space<hbm>>)
      tpu.yield
    }) : () -> ()
    return
  }
}

module attributes {stable_mosaic.version = 14 : i64} {
  func.func @body(%arg0: i32, %arg1: memref<2000x128xf32, #tpu.memory_space<vmem>>, %arg2: memref<128x128xf32, #tpu.memory_space<vmem>>, %arg3: memref<2000x128xf32, #tpu.memory_space<vmem>>) attributes {dimension_semantics = [#tpu.dimension_semantics<arbitrary>], iteration_bounds = array<i64: 5>, scalar_prefetch = 0 : i64, scratch_operands = 0 : i64, tpu.core_type = #tpu.core_type<tc>, window_params = [{transform_indices = @transform_0, window_bounds = array<i64: 2000, 128>}, {pipeline_mode = #tpu.pipeline_mode<synchronous>, transform_indices = @transform_1, window_bounds = array<i64: 128, 128>}, {transform_indices = @transform_2, window_bounds = array<i64: 2000, 128>}]} {
    %get3A = arith.constant 0 : index
    %get3A_0 = arith.constant 0 : index
    %get3A_1 = vector.load %arg1[%get3A, %get3A_0] : memref<2000x128xf32, #tpu.memory_space<vmem>>, vector<2000x128xf32>
    %get3A_2 = arith.constant 0 : index
    %get3A_3 = arith.constant 0 : index
    %get3A_4 = vector.load %arg2[%get3A_2, %get3A_3] : memref<128x128xf32, #tpu.memory_space<vmem>>, vector<128x128xf32>
    %dot_general3A = arith.constant dense<0.000000e+00> : vector<2000x128xf32>
    %dot_general3A_5 = tpu.matmul %get3A_1, %get3A_4, %dot_general3A {dimension_numbers = #tpu.dot_dimension_numbers<[1], [0], [0], [1], [0, 0, 1, 1], [], []>, transpose_lhs_hint = false} : vector<2000x128xf32>, vector<128x128xf32>, vector<2000x128xf32> -> vector<2000x128xf32>
    %swap3A = arith.constant 0 : index
    %swap3A_6 = arith.constant 0 : index
    %swap3A_7 = vector.load %arg3[%swap3A, %swap3A_6] : memref<2000x128xf32, #tpu.memory_space<vmem>>, vector<2000x128xf32>
    tpu.vector_store %arg3[%swap3A, %swap3A_6], %dot_general3A_5 {strides = array<i32>} : memref<2000x128xf32, #tpu.memory_space<vmem>>, vector<2000x128xf32>,
    return
  }
  func.func @transform_0(%arg0: i32) -> (i32, i32) {
    %c0_i32 = arith.constant 0 : i32
    %c0_i32_0 = arith.constant 0 : i32
    return %arg0, %c0_i32 : i32, i32
  }
  func.func @transform_1(%arg0: i32) -> (i32, i32) {
    %c0_i32 = arith.constant 0 : i32
    %c0_i32_0 = arith.constant 0 : i32
    %c0_i32_1 = arith.constant 0 : i32
    return %c0_i32, %c0_i32_0 : i32, i32
  }
  func.func @transform_2(%arg0: i32) -> (i32, i32) {
    %c0_i32 = arith.constant 0 : i32
    %c0_i32_0 = arith.constant 0 : i32
    return %arg0, %c0_i32 : i32, i32
  }
}

module attributes {stable_mosaic.version = 14 : i64} {
  func.func @body(%arg0: i32, %arg1: memref<1x2000x128xf32, #tpu.memory_space<vmem>>, %arg2: memref<1x2000x128xf32, #tpu.memory_space<vmem>>, %arg3: memref<2000x128xf32, #tpu.memory_space<vmem>>, %arg4: memref<2000x1xf32, #tpu.memory_space<vmem>>, %arg5: memref<1x128xf32, #tpu.memory_space<vmem>>, %arg6: memref<128x64xf32, #tpu.memory_space<vmem>>, %arg7: memref<2000x64xf32, #tpu.memory_space<vmem>>) attributes {dimension_semantics = [#tpu.dimension_semantics<arbitrary>], iteration_bounds = array<i64: 5>, scalar_prefetch = 0 : i64, scratch_operands = 0 : i64, tpu.core_type = #tpu.core_type<tc>, window_params = [{transform_indices = @transform_0, window_bounds = array<i64: 1, 2000, 128>}, {transform_indices = @transform_1, window_bounds = array<i64: 1, 2000, 128>}, {transform_indices = @transform_2, window_bounds = array<i64: 2000, 128>}, {transform_indices = @transform_3, window_bounds = array<i64: 2000, 1>}, {pipeline_mode = #tpu.pipeline_mode<synchronous>, transform_indices = @transform_4, window_bounds = array<i64: 1, 128>}, {pipeline_mode = #tpu.pipeline_mode<synchronous>, transform_indices = @transform_5, window_bounds = array<i64: 128, 64>}, {transform_indices = @transform_6, window_bounds = array<i64: 2000, 64>}]} {
    %get3A = arith.constant 0 : index
    %get3A_0 = arith.constant 0 : index
    %get3A_1 = vector.load %arg4[%get3A, %get3A_0] : memref<2000x1xf32, #tpu.memory_space<vmem>>, vector<2000x1xf32>
    %get3A_2 = arith.constant 0 : index
    %get3A_3 = arith.constant 0 : index
    %get3A_4 = arith.constant 0 : index
    %get3A_5 = vector.load %arg1[%get3A_2, %get3A_3, %get3A_4] : memref<1x2000x128xf32, #tpu.memory_space<vmem>>, vector<1x2000x128xf32>
    %get3A_6 = vector.shape_cast %get3A_5 : vector<1x2000x128xf32> to vector<2000x128xf32>
    %get3A_7 = arith.constant 0 : index
    %get3A_8 = arith.constant 0 : index
    %get3A_9 = arith.constant 0 : index
    %get3A_10 = vector.load %arg2[%get3A_7, %get3A_8, %get3A_9] : memref<1x2000x128xf32, #tpu.memory_space<vmem>>, vector<1x2000x128xf32>
    %get3A_11 = vector.shape_cast %get3A_10 : vector<1x2000x128xf32> to vector<2000x128xf32>
    %add3A = arith.addf %get3A_6, %get3A_11 : vector<2000x128xf32>
    %get3A_12 = arith.constant 0 : index
    %get3A_13 = arith.constant 0 : index
    %get3A_14 = vector.load %arg3[%get3A_12, %get3A_13] : memref<2000x128xf32, #tpu.memory_space<vmem>>, vector<2000x128xf32>
    %add3A_15 = arith.addf %add3A, %get3A_14 : vector<2000x128xf32>
    %mul3A = vector.broadcast %get3A_1 : vector<2000x1xf32> to vector<2000x128xf32>
    %mul3A_16 = arith.mulf %add3A_15, %mul3A : vector<2000x128xf32>
    %get3A_17 = arith.constant 0 : index
    %get3A_18 = arith.constant 0 : index
    %get3A_19 = vector.load %arg5[%get3A_17, %get3A_18] : memref<1x128xf32, #tpu.memory_space<vmem>>, vector<1x128xf32>
    %add3A_20 = vector.broadcast %get3A_19 : vector<1x128xf32> to vector<2000x128xf32>
    %add3A_21 = arith.addf %mul3A_16, %add3A_20 : vector<2000x128xf32>
    %max3A = arith.constant 0.000000e+00 : f32
    %max3A_22 = vector.broadcast %max3A : f32 to vector<2000x128xf32>
    %max3A_23 = arith.maximumf %add3A_21, %max3A_22 : vector<2000x128xf32>
    %get3A_24 = arith.constant 0 : index
    %get3A_25 = arith.constant 0 : index
    %get3A_26 = vector.load %arg6[%get3A_24, %get3A_25] : memref<128x64xf32, #tpu.memory_space<vmem>>, vector<128x64xf32>
    %dot_general3A = arith.constant dense<0.000000e+00> : vector<2000x64xf32>
    %dot_general3A_27 = tpu.matmul %max3A_23, %get3A_26, %dot_general3A {dimension_numbers = #tpu.dot_dimension_numbers<[1], [0], [0], [1], [0, 0, 1, 1], [], []>, transpose_lhs_hint = false} : vector<2000x128xf32>, vector<128x64xf32>, vector<2000x64xf32> -> vector<2000x64xf32>
    %mul3A_28 = vector.broadcast %get3A_1 : vector<2000x1xf32> to vector<2000x64xf32>
    %mul3A_29 = arith.mulf %dot_general3A_27, %mul3A_28 : vector<2000x64xf32>
    %swap3A = arith.constant 0 : index
    %swap3A_30 = arith.constant 0 : index
    %swap3A_31 = vector.load %arg7[%swap3A, %swap3A_30] : memref<2000x64xf32, #tpu.memory_space<vmem>>, vector<2000x64xf32>
    tpu.vector_store %arg7[%swap3A, %swap3A_30], %mul3A_29 {strides = array<i32>} : memref<2000x64xf32, #tpu.memory_space<vmem>>, vector<2000x64xf32>,
    return
  }
  func.func @transform_0(%arg0: i32) -> (i32, i32, i32) {
    %c0_i32 = arith.constant 0 : i32
    %c0_i32_0 = arith.constant 0 : i32
    %c0_i32_1 = arith.constant 0 : i32
    return %c0_i32, %arg0, %c0_i32_0 : i32, i32, i32
  }
  func.func @transform_1(%arg0: i32) -> (i32, i32, i32) {
    %c1_i32 = arith.constant 1 : i32
    %c0_i32 = arith.constant 0 : i32
    %c0_i32_0 = arith.constant 0 : i32
    return %c1_i32, %arg0, %c0_i32 : i32, i32, i32
  }
  func.func @transform_2(%arg0: i32) -> (i32, i32) {
    %c0_i32 = arith.constant 0 : i32
    %c0_i32_0 = arith.constant 0 : i32
    return %arg0, %c0_i32 : i32, i32
  }
  func.func @transform_3(%arg0: i32) -> (i32, i32) {
    %c0_i32 = arith.constant 0 : i32
    %c0_i32_0 = arith.constant 0 : i32
    return %arg0, %c0_i32 : i32, i32
  }
  func.func @transform_4(%arg0: i32) -> (i32, i32) {
    %c0_i32 = arith.constant 0 : i32
    %c0_i32_0 = arith.constant 0 : i32
    %c0_i32_1 = arith.constant 0 : i32
    return %c0_i32, %c0_i32_0 : i32, i32
  }
  func.func @transform_5(%arg0: i32) -> (i32, i32) {
    %c0_i32 = arith.constant 0 : i32
    %c0_i32_0 = arith.constant 0 : i32
    %c0_i32_1 = arith.constant 0 : i32
    return %c0_i32, %c0_i32_0 : i32, i32
  }
  func.func @transform_6(%arg0: i32) -> (i32, i32) {
    %c0_i32 = arith.constant 0 : i32
    %c0_i32_0 = arith.constant 0 : i32
    return %arg0, %c0_i32 : i32, i32
  }
}

module attributes {stable_mosaic.version = 14 : i64} {
  func.func @body(%arg0: i32, %arg1: memref<1x2000x64xf32, #tpu.memory_space<vmem>>, %arg2: memref<1x2000x64xf32, #tpu.memory_space<vmem>>, %arg3: memref<2000x64xf32, #tpu.memory_space<vmem>>, %arg4: memref<2000x1xf32, #tpu.memory_space<vmem>>, %arg5: memref<1x64xf32, #tpu.memory_space<vmem>>, %arg6: memref<2000x64xf32, #tpu.memory_space<vmem>>) attributes {dimension_semantics = [#tpu.dimension_semantics<arbitrary>], iteration_bounds = array<i64: 5>, scalar_prefetch = 0 : i64, scratch_operands = 0 : i64, tpu.core_type = #tpu.core_type<tc>, window_params = [{transform_indices = @transform_0, window_bounds = array<i64: 1, 2000, 64>}, {transform_indices = @transform_1, window_bounds = array<i64: 1, 2000, 64>}, {transform_indices = @transform_2, window_bounds = array<i64: 2000, 64>}, {transform_indices = @transform_3, window_bounds = array<i64: 2000, 1>}, {pipeline_mode = #tpu.pipeline_mode<synchronous>, transform_indices = @transform_4, window_bounds = array<i64: 1, 64>}, {transform_indices = @transform_5, window_bounds = array<i64: 2000, 64>}]} {
    %get3A = arith.constant 0 : index
    %get3A_0 = arith.constant 0 : index
    %get3A_1 = arith.constant 0 : index
    %get3A_2 = vector.load %arg1[%get3A, %get3A_0, %get3A_1] : memref<1x2000x64xf32, #tpu.memory_space<vmem>>, vector<1x2000x64xf32>
    %get3A_3 = vector.shape_cast %get3A_2 : vector<1x2000x64xf32> to vector<2000x64xf32>
    %get3A_4 = arith.constant 0 : index
    %get3A_5 = arith.constant 0 : index
    %get3A_6 = arith.constant 0 : index
    %get3A_7 = vector.load %arg2[%get3A_4, %get3A_5, %get3A_6] : memref<1x2000x64xf32, #tpu.memory_space<vmem>>, vector<1x2000x64xf32>
    %get3A_8 = vector.shape_cast %get3A_7 : vector<1x2000x64xf32> to vector<2000x64xf32>
    %add3A = arith.addf %get3A_3, %get3A_8 : vector<2000x64xf32>
    %get3A_9 = arith.constant 0 : index
    %get3A_10 = arith.constant 0 : index
    %get3A_11 = vector.load %arg3[%get3A_9, %get3A_10] : memref<2000x64xf32, #tpu.memory_space<vmem>>, vector<2000x64xf32>
    %add3A_12 = arith.addf %add3A, %get3A_11 : vector<2000x64xf32>
    %get3A_13 = arith.constant 0 : index
    %get3A_14 = arith.constant 0 : index
    %get3A_15 = vector.load %arg4[%get3A_13, %get3A_14] : memref<2000x1xf32, #tpu.memory_space<vmem>>, vector<2000x1xf32>
    %mul3A = vector.broadcast %get3A_15 : vector<2000x1xf32> to vector<2000x64xf32>
    %mul3A_16 = arith.mulf %add3A_12, %mul3A : vector<2000x64xf32>
    %get3A_17 = arith.constant 0 : index
    %get3A_18 = arith.constant 0 : index
    %get3A_19 = vector.load %arg5[%get3A_17, %get3A_18] : memref<1x64xf32, #tpu.memory_space<vmem>>, vector<1x64xf32>
    %add3A_20 = vector.broadcast %get3A_19 : vector<1x64xf32> to vector<2000x64xf32>
    %add3A_21 = arith.addf %mul3A_16, %add3A_20 : vector<2000x64xf32>
    %swap3A = arith.constant 0 : index
    %swap3A_22 = arith.constant 0 : index
    %swap3A_23 = vector.load %arg6[%swap3A, %swap3A_22] : memref<2000x64xf32, #tpu.memory_space<vmem>>, vector<2000x64xf32>
    tpu.vector_store %arg6[%swap3A, %swap3A_22], %add3A_21 {strides = array<i32>} : memref<2000x64xf32, #tpu.memory_space<vmem>>, vector<2000x64xf32>,
    return
  }
  func.func @transform_0(%arg0: i32) -> (i32, i32, i32) {
    %c0_i32 = arith.constant 0 : i32
    %c0_i32_0 = arith.constant 0 : i32
    %c0_i32_1 = arith.constant 0 : i32
    return %c0_i32, %arg0, %c0_i32_0 : i32, i32, i32
  }
  func.func @transform_1(%arg0: i32) -> (i32, i32, i32) {
    %c1_i32 = arith.constant 1 : i32
    %c0_i32 = arith.constant 0 : i32
    %c0_i32_0 = arith.constant 0 : i32
    return %c1_i32, %arg0, %c0_i32 : i32, i32, i32
  }
  func.func @transform_2(%arg0: i32) -> (i32, i32) {
    %c0_i32 = arith.constant 0 : i32
    %c0_i32_0 = arith.constant 0 : i32
    return %arg0, %c0_i32 : i32, i32
  }
  func.func @transform_3(%arg0: i32) -> (i32, i32) {
    %c0_i32 = arith.constant 0 : i32
    %c0_i32_0 = arith.constant 0 : i32
    return %arg0, %c0_i32 : i32, i32
  }
  func.func @transform_4(%arg0: i32) -> (i32, i32) {
    %c0_i32 = arith.constant 0 : i32
    %c0_i32_0 = arith.constant 0 : i32
    %c0_i32_1 = arith.constant 0 : i32
    return %c0_i32, %c0_i32_0 : i32, i32
  }
  func.func @transform_5(%arg0: i32) -> (i32, i32) {
    %c0_i32 = arith.constant 0 : i32
    %c0_i32_0 = arith.constant 0 : i32
    return %arg0, %c0_i32 : i32, i32
  }
}

</mosaic_0001>

<sc_bundles>
// kernel: kernel.11.cloned.1.call-start
scs
__scs_entry_jumppad:
0x0: {  	(pc) =	sbr.rel $0x88, $3  }
0x1: {  	(tag) =	ssettag $0x0;
	lr =	simm.s32 $0x1  }
0x2: {  	[smem:$0x3F9B] =	sst lr;
	_ =	strace $0xD0000000  }
0x3: {  	_ = 	snop  }
0x4: {  	_ = 	snop  }
0x5: {  	_ = 	snop  }
0x6: {  	_ = 	snop  }
0x7: {  	_ = 	snop  }
__scs_overlays_trampoline_lowered:
0x8: {  	[smem:$0x3FAA] =	sst s0  }
0x9: {  	[smem:$0x3FAB] =	sst s1  }
0xa: {  	[smem:$0x3FAC] =	sst s2  }
0xb: {  	[smem:$0x3FAD] =	sst s3  }
0xc: {  	[smem:$0x3FAE] =	sst s4  }
0xd: {  	[smem:$0x3FAF] =	sst s5  }
0xe: {  	[smem:$0x3FB0] =	sst s6  }
0xf: {  	[smem:$0x3FB1] =	sst s7  }
0x10: {  	[smem:$0x3FB2] =	sst s8  }
0x11: {  	[smem:$0x3FB3] =	sst s9;
	s0 =	simm.s32 @!p0 $0x0  }
0x12: {  	s1 =	sld [smem:$0x3F99];
	s0 =	simm.s32 @p0 $0x1  }
0x13: {  	[smem:$0x3FB4] =	sst s0;
	s0 =	simm.s32 @!p1 $0x0  }
0x14: {  	s2 =	sld [smem:$0x3F98];
	s0 =	simm.s32 @p1 $0x1  }
0x15: {  	[smem:$0x3FB5] =	sst s0;
	s0 =	simm.s32 @!p2 $0x0  }
0x16: {  	s3 =	sld [smem:$0x3FDB];
	s0 =	simm.s32 @p2 $0x1  }
0x17: {  	s4 =	simm.s32 $0x1BF5;
	[smem:$0x3FB7] =	sst s0  }
0x18: {  	s0 =	sld [smem:$0x3F9A];
	_ =	swait.ge [sflag:s4], $0x0  }
0x19: {  	s7 =	sld [smem:$0x3F9B]  }
0x1a: {  	s8 =	sadd.s32 $0xFFFFE003, lr  }
0x1b: {  	s9 =	sadd.s32 $0xFFFFFEF7, lr;
	s5 =	simm.s32 $0xFFFFFFFF;
	p2 =	slt.u32 s8, $0xFFFFF086  }
0x1c: {  	p1 =	slt.u32 s9, $0xF7A;
	s5 =	simm.s32 @!p2 $0x0  }
0x1d: {  	s5 =	simm.s32 @p1 $0x1;
	p0 =	seq.s32 s7, s2  }
0x1e: {  	s7 =	smul.u32 @!p0 $0xF7A, s2;
	p2 =	seq.s32 @!p0 s5, $0x0  }
0x1f: {  	s9 =	smul.u32 $0xF7A, s1;
	s8 =	simm.s32 @!p0 $0x1BF5;
	p2 =	por !p2, p0  }
0x20: {  	[sflag:s8] =	ssyncset.s32 @!p0 $0xFFFFF086;
	s6 =	sadd.s32 @!p0 s3, s7;
	s7 =	simm.s32 @!p0 $0x108  }
0x21: {  	s3 =	sadd.s32 s3, s9;
	s6 =	sadd.s32 @!p0 $0x88, s6;
	s7 =	simm.s32 @p2 $0x1082  }
0x22: {  	[simem:s7], [sflag:s8] =	dma.local @!p0 [hbm:s6], $0xF7A  }
0x23: {  	s9 =	sor.u32 $0xD0000000, s2;
	s6 =	simm.s32 $0x108;
	_ =	swait.ge @!p0 [sflag:s8], $0x0  }
0x24: {  	s3 =	sadd.s32 $0x88, s3;
	s6 =	simm.s32 @!p1 $0x1082;
	[sflag:s4] =	ssyncset.s32 $0xFFFFF086  }
0x25: {  	[simem:s6], [sflag:s4] =	dma.local [hbm:s3], $0xF7A  }
0x26: {  	[smem:$0x3F9B] =	sst s1;
	(tag) =	ssettag s2;
	_ =	strace s9  }
0x27: {  	s1 =	sld [smem:$0x3FAB]  }
0x28: {  	s2 =	sld [smem:$0x3FAC]  }
0x29: {  	s4 =	sld [smem:$0x3FAE]  }
0x2a: {  	p0 =	seq.s32 s5, $0x0;
	s5 =	sld [smem:$0x3FAF]  }
0x2b: {  	s6 =	sld [smem:$0x3FB0]  }
0x2c: {  	s7 =	sld [smem:$0x3FB1]  }
0x2d: {  	s3 =	simm.s32 $0x108;
	s8 =	sld [smem:$0x3FB2]  }
0x2e: {  	s3 =	simm.s32 @!p0 $0x1082;
	s9 =	sld [smem:$0x3FB3]  }
0x2f: {  	lr =	sadd.s32 s0, s3;
	s0 =	sld [smem:$0x3FAA]  }
0x30: {  	s3 =	sld [smem:$0x3FAD]  }
0x31: {  	[smem:$0x3FB6] =	sst s10  }
0x32: {  	s10 =	sld [smem:$0x3FB4];
	_ =	sdelay $0x3  }
0x33: {  	p0 =	seq.s32 s10, $0x1;
	s10 =	sld [smem:$0x3FB6];
	_ =	sdelay $0x3  }
0x34: {  	[smem:$0x3FB6] =	sst s10  }
0x35: {  	s10 =	sld [smem:$0x3FB5];
	_ =	sdelay $0x3  }
0x36: {  	p1 =	seq.s32 s10, $0x1;
	s10 =	sld [smem:$0x3FB6];
	_ =	sdelay $0x3  }
0x37: {  	[smem:$0x3FB6] =	sst s10  }
0x38: {  	s10 =	sld [smem:$0x3FB7]  }
0x39: {  	_ = 	snop;
	(pc) =	sbr.ind lr, $3  }
0x3a: {  	_ = 	snop  }
0x3b: {  	_ = 	snop  }
0x3c: {  	p2 =	seq.s32 s10, $0x1;
	s10 =	sld [smem:$0x3FB6]  }
0x3d: {  	_ =	shalt  }
0x3e: {  	_ =	shalt  }
0x3f: {  	_ =	shalt  }
0x40: {  	_ =	shalt  }
0x41: {  	_ =	shalt  }
0x42: {  	_ =	shalt  }
0x43: {  	_ =	shalt  }
0x44: {  	_ =	shalt  }
0x45: {  	_ =	shalt  }
0x46: {  	_ =	shalt  }
0x47: {  	_ =	shalt  }
0x48: {  	_ =	shalt  }
0x49: {  	_ =	shalt  }
0x4a: {  	_ =	shalt  }
0x4b: {  	_ =	shalt  }
0x4c: {  	_ =	shalt  }
0x4d: {  	_ =	shalt  }
0x4e: {  	_ =	shalt  }
0x4f: {  	_ =	shalt  }
0x50: {  	_ =	shalt  }
0x51: {  	_ =	shalt  }
0x52: {  	_ =	shalt  }
0x53: {  	_ =	shalt  }
0x54: {  	_ =	shalt  }
0x55: {  	_ =	shalt  }
0x56: {  	_ =	shalt  }
0x57: {  	_ =	shalt  }
0x58: {  	_ =	shalt  }
0x59: {  	_ =	shalt  }
0x5a: {  	_ =	shalt  }
0x5b: {  	_ =	shalt  }
0x5c: {  	_ =	shalt  }
0x5d: {  	_ =	shalt  }
0x5e: {  	_ =	shalt  }
0x5f: {  	_ =	shalt  }
0x60: {  	_ =	shalt  }
0x61: {  	_ =	shalt  }
0x62: {  	_ =	shalt  }
0x63: {  	_ =	shalt  }
0x64: {  	_ =	shalt  }
0x65: {  	_ =	shalt  }
0x66: {  	_ =	shalt  }
0x67: {  	_ =	shalt  }
0x68: {  	_ =	shalt  }
0x69: {  	_ =	shalt  }
0x6a: {  	_ =	shalt  }
0x6b: {  	_ =	shalt  }
0x6c: {  	_ =	shalt  }
0x6d: {  	_ =	shalt  }
0x6e: {  	_ =	shalt  }
0x6f: {  	_ =	shalt  }
0x70: {  	_ =	shalt  }
0x71: {  	_ =	shalt  }
0x72: {  	_ =	shalt  }
0x73: {  	_ =	shalt  }
0x74: {  	_ =	shalt  }
0x75: {  	_ =	shalt  }
0x76: {  	_ =	shalt  }
0x77: {  	_ =	shalt  }
0x78: {  	_ =	shalt  }
0x79: {  	_ =	shalt  }
0x7a: {  	_ =	shalt  }
0x7b: {  	_ =	shalt  }
0x7c: {  	_ =	shalt  }
0x7d: {  	_ =	shalt  }
0x7e: {  	_ =	shalt  }
0x7f: {  	_ =	shalt  }
0x80: {  	_ =	shalt  }
0x81: {  	_ =	shalt  }
0x82: {  	_ =	shalt  }
0x83: {  	_ =	shalt  }
0x84: {  	_ =	shalt  }
0x85: {  	_ =	shalt  }
0x86: {  	_ =	shalt  }
0x87: {  	_ =	shalt  }
.Lfunc_end0:
.L_simem_size_0:
called_computation.1_lowered:
.L_overlay_start_0:
0x88: {  	s2 =	sld [smem:$0x3FD9]  }
0x89: {  	s3 =	sld [smem:$0x3FFE];
	_ =	sdelay $0x1  }
0x8a: {  	s1 =	srdreg.scid  }
0x8b: {  	s0 =	sand.u32 $0x1, s1  }
0x8c: {  	s16 =	sshll.u32 s0, $0xA;
	s2 =	sadd.s32 s3, s2  }
0x8d: {  	s2 =	sadd.s32 s2, s16  }
0x8e: {  	[smem:$0x3FC2] =	sst s2  }
0x8f: {  	_ = 	snop  }
0x90: {  	(tm) =	ssettm $0x1  }
0x91: {  	s17 =	sld [smem:$0x3FFB];
	_ =	sdelay $0x3  }
0x92: {  	_ =	strace s17  }
0x93: {  	s2 =	sld [smem:$0x3FFC];
	_ =	sdelay $0x3  }
0x94: {  	_ =	strace s2  }
0x95: {  	s2 =	sld [smem:$0x3FFD];
	_ =	sdelay $0x3  }
0x96: {  	_ =	strace s2  }
0x97: {  	_ =	strace $0x8FFFFFFF  }
0x98: {  	s18 =	sld [smem:$0x3FDB];
	_ =	sdelay $0x1  }
0x99: {  	s19 =	simm.s32 $_scs_section_size  }
0x9a: {  	s4 =	simm.s32 $_size__tile_overlayer_lowered;
	s5 =	simm.s32 $_tile_overlayer_lowered  }
0x9b: {  	s22 =	simm.s32 $0x1BFF;
	s21 =	sshll.u32 s5, $0x1;
	s2 =	sadd.s32 s19, s18  }
0x9c: {  	s6 =	simm.s32 $0x0;
	s20 =	sshll.u32 s4, $0x1;
	s4 =	sadd.s32 s21, s2  }
0x9d: {  	[timem:s6], [sflag:s22] =	dma.local [hbm:s4], s20  }
0x9e: {  	_ =	swait.ge [sflag:s22], s20  }
0x9f: {  	s3 =	ssub.s32 $0x0, s20;
	[sflag:s22] =	ssyncset.done $0x0  }
0xa0: {  	[sflag:s22] =	ssyncadd.s32 s3;
	_ =	sdelay $0x1  }
0xa1: {  	s23 =	simm.s32 $0x1B8B  }
0xa2: {  	_ =	swait.ge [sflag:s23], $0x1  }
0xa3: {  	[sflag:s23] =	ssyncset.done $0x0  }
0xa4: {  	s25 =	simm.s32 $0x1B8E;
	s24 =	sld [smem:$0x3FFE];
	[sflag:s23] =	ssyncadd.s32 $0xFFFFFFFF  }
0xa5: {  	s26 =	simm.s32 $execute0_lowered;
	[smem:$0x3FD2] =	sst s25  }
0xa6: {  	s4 =	sshll.u32 s26, $0x1;
	_ =	strace $0x80000049;
	[dreg:$0x1] =	wrdreg $0xFFFFFFFF  }
0xa7: {  	s28 =	simm.s32 $_size_execute0_lowered;
	s2 =	sadd.s32 s2, s4;
	[dreg:$0x0] =	wrdreg $0x0  }
0xa8: {  	s4 =	sshll.u32 s28, $0x1;
	[dreg:$0x2] =	wrdreg s2  }
0xa9: {  	[dreg:$0x3] =	wrdreg s4  }
0xaa: {  	[dreg:$0x4] =	wrdreg $0xC0  }
0xab: {  	_ =	task [dreg:s6], $0x5FFFF  }
0xac: {  	[dreg:$0x1] =	wrdreg $0xFFFFFFFF  }
0xad: {  	[dreg:$0x0] =	wrdreg $0x60  }
0xae: {  	[dreg:$0x2] =	wrdreg s24  }
0xaf: {  	[dreg:$0x3] =	wrdreg $0xB4800  }
0xb0: {  	[dreg:$0x4] =	wrdreg $0x9  }
0xb1: {  	_ =	task.clear_ibuf [dreg:s6], $0x5FFFF;
	_ =	strace $0x90000049  }
0xb2: {  	s29 =	simm.s32 $0x9;
	_ =	strace $0x8000004B  }
0xb3: {  	_ =	swait.ge [sflag:s29], $0x1  }
0xb4: {  	[sflag:s29] =	ssyncadd.s32 $0xFFFFFFFF  }
0xb5: {  	_ =	strace $0x9000004B  }
0xb6: {  	_ =	sfence  }
0xb7: {  	s30 =	sld [smem:$0x0];
	_ =	sdelay $0x2  }
0xb8: {  	s31 =	sshll.u32 s1, $0xD;
	s1 =	sshrl.u32 s1, $0x2  }
0xb9: {  	s3 =	sand.u32 $0x4000, s31;
	s1 =	sadd.s32 s1, s30  }
0xba: {  	s0 =	sor.u32 s3, s0;
	s1 =	sshll.u32 s1, $0x11  }
0xbb: {  	s0 =	sor.u32 s1, s0  }
0xbc: {  	s0 =	sadd.s32 $0x8F2B, s0  }
0xbd: {  	[sflag:s0] =	ssyncadd.remote.s32 $0x1  }
0xbe: {  	_ =	sfence.sel $0xFFFF  }
0xbf: {  	[dreg:$0x0] =	wrdreg $0xFFFFFFFF;
	(pc) =	sbr.abs _section_cstart, $3  }
0xc0: {  	[dreg:$0x1] =	wrdreg $0xFFFFFFFF  }
0xc1: {  	_ =	task.clear_ibuf [dreg:s6], $0x2FFFF;
	_ =	strace $0x9FFFFFFF  }
0xc2: {  	(tm) =	ssettm $0x7FFFFFFF  }
0xc3: {  	_ =	shalt  }
tec
execute0_lowered:
.L_overlay_start_1:
0x0: {  	(tag) =	ssettag $0x1  }
0x1: {  	s0 =	rddreg [dreg:$0x0]  }
0x2: {  	s1 =	rddreg [dreg:$0x1];
	s2 =	srdreg.scid;
	s4 =	simm.s32 $0x0  }
0x3: {  	s7 =	stileid.u32;
	s18 =	simm.s32 $0x2B80;
	s28 =	simm.s32 $0x2900  }
0x4: {  	s29 =	simm.s32 $0x8B80;
	s30 =	simm.s32 $0x2980;
	s5 =	smul.u32 $0x14000, s7  }
0x5: {  	s31 =	simm.s32 $0x3;
	s2 =	sand.u32 $0x1, s2;
	s20 =	smul.u32 $0x50000, s7  }
0x6: {  	[smem:$0x7FF] =	sst s4;
	s4 =	sadd.s32 $0xB400, s0;
	s3 =	smul.u32 $0x140000, s2  }
0x7: {  	s19 =	sshll.u32 s2, $0x4;
	_ =	strace $0x8000004A;
	s2 =	ssub.s32 $0x2, s2  }
0x8: {  	s6 =	sor.u32 s7, s19;
	s21 =	sshrl.u32 s2, $0x1;
	s23 =	sshrl.u32 s20, $0x2  }
0x9: {  	s19 =	simm.s32 $0x5;
	s20 =	simm.s32 $0x1;
	s6 =	smul.u32 $0x4E2, s6  }
0xa: {  	s3 =	sadd.s32 s5, s3;
	s2 =	ssub.s32 s2, s21;
	s21 =	simm.s32 $0x40  }
0xb: {  	s3 =	sshrl.u32 s3, $0x3;
	s24 =	smax.u32 s2, $0x1;
	s2 =	simm.s32 $0xAC80  }
0xc: {  	s6 =	sadd.s32 s6, s0;
	s0 =	sadd.s32 s3, s0;
	[dreg:$0x5] =	wrdreg s24  }
0xd: {  	s3 =	simm.s32 $0x4;
	s24 =	simm.s32 $0x0;
	s22 =	sadd.s32 $0x1600, s6  }
0xe: {  	s6 =	sadd.s32 s23, s1;
	s0 =	sadd.s32 $0x32600, s0;
	[dreg:$0x3] =	wrdreg s22  }
0xf: {  	s23 =	simm.s32 $0x10;
	[dreg:$0x4] =	wrdreg s0;
	s25 =	sadd.s32 $0x2000, s6  }
.Ltmp0:
0x10: {  	s26 =	sadd.s32 $0x4000, s6;
	s11 =	sadd.s32 $0x6000, s6;
	(pc) =	sbr.rel .LBB2_1-.Ltmp0, $4  }
0x11: {  	s12 =	sadd.s32 $0x8000, s6;
	s13 =	sadd.s32 $0xA000, s6;
	s14 =	sadd.s32 $0xC000, s6  }
0x12: {  	s15 =	sadd.s32 $0xE000, s6;
	s16 =	sadd.s32 $0x10000, s6;
	s17 =	sadd.s32 $0x12000, s6  }
0x13: {  	s0 =	simm.s32 $0x2A80;
	s22 =	simm.s32 $0x2B00;
	[dreg:$0x6] =	wrdreg s25  }
0x14: {  	v0 =	vimm.f32 $0.0e+00;
	[dreg:$0x7] =	wrdreg s26;
	s25 =	simm.s32 $0x2880;
	s26 =	simm.s32 $0x6B80  }
.LBB2_6:
0x15: {  	_ =	swait.ge [sflag:s3], $0x2000  }
0x16: {  	[sflag:s3] =	ssyncset.done $0x0  }
0x17: {  	[sflag:s3] =	ssyncadd.s32 $0xFFFFE000  }
0x18: {  	[spmem:s1] =	stream.indirect.scatter.add.f32 [tilespmem:s29], [sflag:$0x5], $0x80, s22, s21, $0xb8;
	[tilespmem:$0x1F480] =	vst v63  }
0x19: {  	_ =	swait.ge [sflag:s19], $0x2000  }
0x1a: {  	[sflag:s19] =	ssyncset.done $0x0  }
0x1b: {  	[sflag:s19] =	ssyncadd.s32 $0xFFFFE000  }
0x1c: {  	v1 =	vld [tilespmem:$0x2700];
	_ =	sdelay $0x4  }
0x1d: {  	v2 =	vand.u32 $0xFFFF, v1  }
0x1e: {  	v1 =	vshra.s32 v1, $0x10;
	[tilespmem:$0xAB80] =	vst v2  }
0x1f: {  	s5 =	simm.s32 $0xAB80;
	[tilespmem:$0xAC00] =	vst v1  }
0x20: {  	[tilespmem:s2], [sflag:$0x1] =	stream.indirect.gather [hbm4b:s4+s23], $0x80, s5, s23, $0xb8;
	[tilespmem:$0x1F480] =	vst v63  }
0x21: {  	_ =	swait.ge [sflag:s20], $0x800  }
0x22: {  	[sflag:s20] =	ssyncset.done $0x0  }
0x23: {  	s8 =	simm.s32 $0xAC00;
	[sflag:s20] =	ssyncadd.s32 $0xFFFFF800  }
0x24: {  	[spmem:s1] =	stream.indirect.scatter.add.f32 [tilespmem:s2], [sflag:$0x5], $0x80, s8, s23, $0xb8;
	[tilespmem:$0x1F480] =	vst v63  }
0x25: {  	_ =	swait.ge [sflag:s19], $0x800  }
0x26: {  	[sflag:s19] =	ssyncset.done $0x0  }
0x27: {  	s9 =	stileid.u32;
	[sflag:s19] =	ssyncadd.s32 $0xFFFFF800  }
0x28: {  	s5 =	sshll.u32 s9, $0x6;
	[bflag:$0x0] =	sbarrier.arrive $0xFFFF  }
0x29: {  	s7 =	sshrl.u32 s6, $0x3;
	s5 =	sor.u32 $0x1C05, s5;
	s8 =	rddreg [dreg:$0x4]  }
0x2a: {  	[hbm:s8], [sflag:s5] =	dma.local [spmem:s7], $0x2800  }
0x2b: {  	_ =	swait.ge [sflag:s19], $0x2800  }
0x2c: {  	s24 =	sadd.s32 $0x1, s24;
	s10 =	rddreg [dreg:$0x5]  }
0x2d: {  	p0 =	sne.s32 s24, s10  }
.Ltmp1:
0x2e: {  	_ = 	snop;
	(pc) =	sbr.rel @!p0 .LBB2_7-.Ltmp1, $3  }
0x2f: {  	_ =	sdelay $0x1  }
0x30: {  	[sflag:s19] =	ssyncset.done $0x0  }
0x31: {  	[sflag:s19] =	ssyncadd.s32 $0xFFFFD800  }
.LBB2_1:
0x32: {  	s5 =	simm.s32 $0x0;
	s7 =	rddreg [dreg:$0x3]  }
0x33: {  	[tilespmem:s5], [sflag:$0x1] =	stream.linear.gather [hbm4b:s7+s5], $0x2710, $0x38;
	[tilespmem:$0x1F480] =	vst v63  }
0x34: {  	s5 =	simm.s32 $0x0;
	s7 =	simm.s32 $0x200  }
.LBB2_2:
0x35: {  	p0 =	sne.s32 s7, $0x7E00;
	[tilespmem:s5+$0x2BF0] =	vst v0  }
0x36: {  	[tilespmem:s5+$0x2B80] =	vst v0  }
0x37: {  	[tilespmem:s5+$0x2B90] =	vst v0  }
.Ltmp2:
0x38: {  	[tilespmem:s5+$0x2BA0] =	vst v0;
	(pc) =	sbr.rel @p0 .LBB2_2-.Ltmp2, $4  }
0x39: {  	[tilespmem:s5+$0x2BB0] =	vst v0  }
0x3a: {  	[tilespmem:s5+$0x2BC0] =	vst v0  }
0x3b: {  	[tilespmem:s5+$0x2BD0] =	vst v0  }
0x3c: {  	[tilespmem:s5+$0x2BE0] =	vst v0;
	s5 =	sshra.s32 s7, $0x2;
	s7 =	sadd.s32 $0x200, s7  }
0x3d: {  	[tilespmem:s5+$0x2BF0] =	vst v0  }
0x3e: {  	[tilespmem:s5+$0x2B80] =	vst v0  }
0x3f: {  	[tilespmem:s5+$0x2B90] =	vst v0  }
0x40: {  	[tilespmem:s5+$0x2BA0] =	vst v0  }
0x41: {  	[tilespmem:s5+$0x2BB0] =	vst v0  }
0x42: {  	[tilespmem:s5+$0x2BC0] =	vst v0  }
0x43: {  	[tilespmem:s5+$0x2BD0] =	vst v0  }
0x44: {  	[tilespmem:s5+$0x2BE0] =	vst v0  }
0x45: {  	[spmem:s6] =	stream.linear.scatter [tilespmem:s18], [sflag:$0x5], $0x2000, $0x38;
	[tilespmem:$0x1F480] =	vst v63  }
0x46: {  	_ =	swait.ge [sflag:s19], $0x2000  }
0x47: {  	[sflag:s19] =	ssyncset.done $0x0  }
0x48: {  	s7 =	rddreg [dreg:$0x6];
	[sflag:s19] =	ssyncadd.s32 $0xFFFFE000  }
0x49: {  	[spmem:s7] =	stream.linear.scatter [tilespmem:s18], [sflag:$0x5], $0x2000, $0x38;
	[tilespmem:$0x1F480] =	vst v63  }
0x4a: {  	_ =	swait.ge [sflag:s19], $0x2000  }
0x4b: {  	[sflag:s19] =	ssyncset.done $0x0  }
0x4c: {  	s8 =	rddreg [dreg:$0x7];
	[sflag:s19] =	ssyncadd.s32 $0xFFFFE000  }
0x4d: {  	[spmem:s8] =	stream.linear.scatter [tilespmem:s18], [sflag:$0x5], $0x2000, $0x38;
	[tilespmem:$0x1F480] =	vst v63  }
0x4e: {  	_ =	swait.ge [sflag:s19], $0x2000  }
0x4f: {  	[sflag:s19] =	ssyncset.done $0x0  }
0x50: {  	[sflag:s19] =	ssyncadd.s32 $0xFFFFE000  }
0x51: {  	[spmem:s11] =	stream.linear.scatter [tilespmem:s18], [sflag:$0x5], $0x2000, $0x38;
	[tilespmem:$0x1F480] =	vst v63  }
0x52: {  	_ =	swait.ge [sflag:s19], $0x2000  }
0x53: {  	[sflag:s19] =	ssyncset.done $0x0  }
0x54: {  	[sflag:s19] =	ssyncadd.s32 $0xFFFFE000  }
0x55: {  	[spmem:s12] =	stream.linear.scatter [tilespmem:s18], [sflag:$0x5], $0x2000, $0x38;
	[tilespmem:$0x1F480] =	vst v63  }
0x56: {  	_ =	swait.ge [sflag:s19], $0x2000  }
0x57: {  	[sflag:s19] =	ssyncset.done $0x0  }
0x58: {  	[sflag:s19] =	ssyncadd.s32 $0xFFFFE000  }
0x59: {  	[spmem:s13] =	stream.linear.scatter [tilespmem:s18], [sflag:$0x5], $0x2000, $0x38;
	[tilespmem:$0x1F480] =	vst v63  }
0x5a: {  	_ =	swait.ge [sflag:s19], $0x2000  }
0x5b: {  	[sflag:s19] =	ssyncset.done $0x0  }
0x5c: {  	[sflag:s19] =	ssyncadd.s32 $0xFFFFE000  }
0x5d: {  	[spmem:s14] =	stream.linear.scatter [tilespmem:s18], [sflag:$0x5], $0x2000, $0x38;
	[tilespmem:$0x1F480] =	vst v63  }
0x5e: {  	_ =	swait.ge [sflag:s19], $0x2000  }
0x5f: {  	[sflag:s19] =	ssyncset.done $0x0  }
0x60: {  	[sflag:s19] =	ssyncadd.s32 $0xFFFFE000  }
0x61: {  	[spmem:s15] =	stream.linear.scatter [tilespmem:s18], [sflag:$0x5], $0x2000, $0x38;
	[tilespmem:$0x1F480] =	vst v63  }
0x62: {  	_ =	swait.ge [sflag:s19], $0x2000  }
0x63: {  	[sflag:s19] =	ssyncset.done $0x0  }
0x64: {  	[sflag:s19] =	ssyncadd.s32 $0xFFFFE000  }
0x65: {  	[spmem:s16] =	stream.linear.scatter [tilespmem:s18], [sflag:$0x5], $0x2000, $0x38;
	[tilespmem:$0x1F480] =	vst v63  }
0x66: {  	_ =	swait.ge [sflag:s19], $0x2000  }
0x67: {  	[sflag:s19] =	ssyncset.done $0x0  }
0x68: {  	[sflag:s19] =	ssyncadd.s32 $0xFFFFE000  }
0x69: {  	[spmem:s17] =	stream.linear.scatter [tilespmem:s18], [sflag:$0x5], $0x2000, $0x38;
	[tilespmem:$0x1F480] =	vst v63  }
0x6a: {  	_ =	swait.ge [sflag:s19], $0x2000  }
0x6b: {  	[sflag:s19] =	ssyncset.done $0x0  }
0x6c: {  	[sflag:s19] =	ssyncadd.s32 $0xFFFFE000  }
0x6d: {  	_ =	swait.ge [sflag:s20], $0x2710  }
0x6e: {  	[sflag:s20] =	ssyncset.done $0x0  }
0x6f: {  	[sflag:s20] =	ssyncadd.s32 $0xFFFFD8F0  }
0x70: {  	[bflag:$0x0] =	sbarrier.arrive $0xFFFF  }
0x71: {  	v1 =	vld [tilespmem:$0x0];
	_ =	sdelay $0x1  }
0x72: {  	v2 =	vld [tilespmem:$0x10];
	_ =	sdelay $0x1  }
0x73: {  	v3 =	vld [tilespmem:$0x20]  }
0x74: {  	v4 =	vand.u32 $0xFFFF, v1  }
0x75: {  	v57 =	vld [tilespmem:$0x30];
	v1 =	vshra.s32 v1, $0x10;
	[tilespmem:$0x2780] =	vst v4  }
0x76: {  	[tilespmem:$0x2980] =	vst v1;
	v1 =	vand.u32 $0xFFFF, v2  }
0x77: {  	[tilespmem:$0x2790] =	vst v1;
	v1 =	vshra.s32 v2, $0x10  }
0x78: {  	[tilespmem:$0x2990] =	vst v1;
	v1 =	vand.u32 $0xFFFF, v3  }
0x79: {  	[tilespmem:$0x27A0] =	vst v1;
	v1 =	vshra.s32 v3, $0x10  }
0x7a: {  	[tilespmem:$0x29A0] =	vst v1;
	v1 =	vand.u32 $0xFFFF, v57  }
0x7b: {  	[tilespmem:$0x27B0] =	vst v1;
	v1 =	vshra.s32 v57, $0x10  }
0x7c: {  	s9 =	simm.s32 $0x2780;
	[tilespmem:$0x29B0] =	vst v1  }
0x7d: {  	[tilespmem:s18], [sflag:$0x1] =	stream.indirect.gather [hbm4b:s4+s21], $0x80, s9, s21, $0xb8;
	[tilespmem:$0x1F480] =	vst v63  }
0x7e: {  	v1 =	vld [tilespmem:$0x40];
	_ =	sdelay $0x1  }
0x7f: {  	v2 =	vld [tilespmem:$0x50];
	_ =	sdelay $0x1  }
0x80: {  	v3 =	vld [tilespmem:$0x60]  }
0x81: {  	v58 =	vand.u32 $0xFFFF, v1  }
0x82: {  	v59 =	vld [tilespmem:$0x70];
	v1 =	vshra.s32 v1, $0x10;
	[tilespmem:$0x2800] =	vst v58  }
0x83: {  	[tilespmem:$0x2A00] =	vst v1;
	v1 =	vand.u32 $0xFFFF, v2  }
0x84: {  	[tilespmem:$0x2810] =	vst v1;
	v1 =	vshra.s32 v2, $0x10  }
0x85: {  	[tilespmem:$0x2A10] =	vst v1;
	v1 =	vand.u32 $0xFFFF, v3  }
0x86: {  	[tilespmem:$0x2820] =	vst v1;
	v1 =	vshra.s32 v3, $0x10  }
0x87: {  	[tilespmem:$0x2A20] =	vst v1;
	v1 =	vand.u32 $0xFFFF, v59  }
0x88: {  	[tilespmem:$0x2830] =	vst v1;
	v1 =	vshra.s32 v59, $0x10  }
0x89: {  	s10 =	simm.s32 $0x2800;
	s7 =	simm.s32 $0x4B80;
	[tilespmem:$0x2A30] =	vst v1  }
0x8a: {  	[tilespmem:s7], [sflag:$0x2] =	stream.indirect.gather [hbm4b:s4+s21], $0x80, s10, s21, $0xb8;
	[tilespmem:$0x1F480] =	vst v63  }
0x8b: {  	v1 =	vld [tilespmem:$0x80];
	_ =	sdelay $0x1  }
0x8c: {  	v2 =	vld [tilespmem:$0x90];
	_ =	sdelay $0x1  }
0x8d: {  	v3 =	vld [tilespmem:$0xA0]  }
0x8e: {  	v60 =	vand.u32 $0xFFFF, v1  }
0x8f: {  	v61 =	vld [tilespmem:$0xB0];
	v1 =	vshra.s32 v1, $0x10;
	[tilespmem:$0x2880] =	vst v60  }
0x90: {  	[tilespmem:$0x2A80] =	vst v1;
	v1 =	vand.u32 $0xFFFF, v2  }
0x91: {  	[tilespmem:$0x2890] =	vst v1;
	v1 =	vshra.s32 v2, $0x10  }
0x92: {  	[tilespmem:$0x2A90] =	vst v1;
	v1 =	vand.u32 $0xFFFF, v3  }
0x93: {  	[tilespmem:$0x28A0] =	vst v1;
	v1 =	vshra.s32 v3, $0x10  }
0x94: {  	[tilespmem:$0x2AA0] =	vst v1;
	v1 =	vand.u32 $0xFFFF, v61  }
0x95: {  	[tilespmem:$0x28B0] =	vst v1;
	v1 =	vshra.s32 v61, $0x10  }
0x96: {  	[tilespmem:$0x2AB0] =	vst v1  }
0x97: {  	[tilespmem:s26], [sflag:$0x3] =	stream.indirect.gather [hbm4b:s4+s21], $0x80, s25, s21, $0xb8;
	[tilespmem:$0x1F480] =	vst v63  }
0x98: {  	v1 =	vld [tilespmem:$0xC0];
	_ =	sdelay $0x1  }
0x99: {  	v2 =	vld [tilespmem:$0xD0];
	_ =	sdelay $0x1  }
0x9a: {  	v3 =	vld [tilespmem:$0xE0]  }
0x9b: {  	v62 =	vand.u32 $0xFFFF, v1  }
0x9c: {  	v63 =	vld [tilespmem:$0xF0];
	v1 =	vshra.s32 v1, $0x10;
	[tilespmem:$0x2900] =	vst v62  }
0x9d: {  	[tilespmem:$0x2B00] =	vst v1;
	v1 =	vand.u32 $0xFFFF, v2  }
0x9e: {  	[tilespmem:$0x2910] =	vst v1;
	v1 =	vshra.s32 v2, $0x10  }
0x9f: {  	[tilespmem:$0x2B10] =	vst v1;
	v1 =	vand.u32 $0xFFFF, v3  }
0xa0: {  	[tilespmem:$0x2920] =	vst v1;
	v1 =	vshra.s32 v3, $0x10  }
0xa1: {  	[tilespmem:$0x2B20] =	vst v1;
	v1 =	vand.u32 $0xFFFF, v63  }
0xa2: {  	[tilespmem:$0x2930] =	vst v1;
	v1 =	vshra.s32 v63, $0x10  }
0xa3: {  	s5 =	simm.s32 $0x0;
	[tilespmem:$0x2B30] =	vst v1  }
0xa4: {  	[tilespmem:s29], [sflag:$0x4] =	stream.indirect.gather [hbm4b:s4+s21], $0x80, s28, s21, $0xb8;
	[tilespmem:$0x1F480] =	vst v63  }
.LBB2_4:
0xa5: {  	_ =	swait.ge [sflag:s20], $0x2000  }
0xa6: {  	[sflag:s20] =	ssyncset.done $0x0  }
0xa7: {  	[sflag:s20] =	ssyncadd.s32 $0xFFFFE000  }
0xa8: {  	[spmem:s1] =	stream.indirect.scatter.add.f32 [tilespmem:s18], [sflag:$0x5], $0x80, s30, s21, $0xb8;
	[tilespmem:$0x1F480] =	vst v63  }
0xa9: {  	_ =	swait.ge [sflag:s19], $0x2000  }
0xaa: {  	p0 =	seq.s32 s5, $0x9800;
	[sflag:s19] =	ssyncset.done $0x0  }
0xab: {  	s7 =	simm.s32 @p0 $0x2;
	[sflag:s19] =	ssyncadd.s32 $0xFFFFE000  }
0xac: {  	_ =	swait.ge @p0 [sflag:s7], $0x2000  }
0xad: {  	s8 =	simm.s32 @p0 $0x2A00;
	[sflag:s7] =	ssyncset.done @p0 $0x0  }
0xae: {  	s9 =	simm.s32 @p0 $0x4B80;
	[sflag:s7] =	ssyncadd.s32 @p0 $0xFFFFE000;
	s7 =	simm.s32 @p0 $0x40  }
0xaf: {  	[spmem:s1] =	stream.indirect.scatter.add.f32 @p0 [tilespmem:s9], [sflag:$0x5], $0x80, s8, s7, $0xb8;
	[tilespmem:$0x1F480] =	vst v63  }
0xb0: {  	s7 =	simm.s32 @p0 $0x5  }
0xb1: {  	_ =	swait.ge @p0 [sflag:s7], $0x2000  }
0xb2: {  	[sflag:s7] =	ssyncset.done @p0 $0x0  }
0xb3: {  	[sflag:s7] =	ssyncadd.s32 @p0 $0xFFFFE000;
	s7 =	sshra.s32 @!p0 s5, $0x2  }
0xb4: {  	v1 =	vld @!p0 [tilespmem:s7+$0x100];
	_ =	sdelay $0x4  }
0xb5: {  	v2 =	vand.u32 @!p0 $0xFFFF, v1  }
0xb6: {  	v1 =	vshra.s32 @!p0 v1, $0x10;
	[tilespmem:$0x2780] =	vst @!p0 v2  }
0xb7: {  	[tilespmem:$0x2980] =	vst @!p0 v1  }
0xb8: {  	v1 =	vld @!p0 [tilespmem:s7+$0x110];
	_ =	sdelay $0x4  }
0xb9: {  	v2 =	vand.u32 @!p0 $0xFFFF, v1  }
0xba: {  	v1 =	vshra.s32 @!p0 v1, $0x10;
	[tilespmem:$0x2790] =	vst @!p0 v2  }
0xbb: {  	[tilespmem:$0x2990] =	vst @!p0 v1  }
0xbc: {  	v1 =	vld @!p0 [tilespmem:s7+$0x120];
	_ =	sdelay $0x4  }
0xbd: {  	v2 =	vand.u32 @!p0 $0xFFFF, v1  }
0xbe: {  	v1 =	vshra.s32 @!p0 v1, $0x10;
	[tilespmem:$0x27A0] =	vst @!p0 v2  }
0xbf: {  	[tilespmem:$0x29A0] =	vst @!p0 v1  }
0xc0: {  	v1 =	vld @!p0 [tilespmem:s7+$0x130];
	_ =	sdelay $0x4  }
0xc1: {  	v2 =	vand.u32 @!p0 $0xFFFF, v1  }
0xc2: {  	v1 =	vshra.s32 @!p0 v1, $0x10;
	[tilespmem:$0x27B0] =	vst @!p0 v2  }
0xc3: {  	s10 =	simm.s32 @!p0 $0x2B80;
	s8 =	simm.s32 @!p0 $0x40;
	s9 =	simm.s32 @!p0 $0x2780;
	[tilespmem:$0x29B0] =	vst @!p0 v1  }
0xc4: {  	[tilespmem:s10], [sflag:$0x1] =	stream.indirect.gather @!p0 [hbm4b:s4+s8], $0x80, s9, s8, $0xb8;
	[tilespmem:$0x1F480] =	vst v63  }
0xc5: {  	s9 =	simm.s32 @!p0 $0x2  }
0xc6: {  	_ =	swait.ge @!p0 [sflag:s9], $0x2000  }
0xc7: {  	[sflag:s9] =	ssyncset.done @!p0 $0x0  }
0xc8: {  	s10 =	simm.s32 @!p0 $0x4B80;
	[sflag:s9] =	ssyncadd.s32 @!p0 $0xFFFFE000;
	s9 =	simm.s32 @!p0 $0x2A00  }
0xc9: {  	[spmem:s1] =	stream.indirect.scatter.add.f32 @!p0 [tilespmem:s10], [sflag:$0x5], $0x80, s9, s8, $0xb8;
	[tilespmem:$0x1F480] =	vst v63  }
0xca: {  	s9 =	simm.s32 @!p0 $0x5  }
0xcb: {  	_ =	swait.ge @!p0 [sflag:s9], $0x2000  }
0xcc: {  	[sflag:s9] =	ssyncset.done @!p0 $0x0  }
0xcd: {  	[sflag:s9] =	ssyncadd.s32 @!p0 $0xFFFFE000  }
0xce: {  	v1 =	vld @!p0 [tilespmem:s7+$0x140];
	_ =	sdelay $0x4  }
0xcf: {  	v2 =	vand.u32 @!p0 $0xFFFF, v1  }
0xd0: {  	v1 =	vshra.s32 @!p0 v1, $0x10;
	[tilespmem:$0x2800] =	vst @!p0 v2  }
0xd1: {  	[tilespmem:$0x2A00] =	vst @!p0 v1  }
0xd2: {  	v1 =	vld @!p0 [tilespmem:s7+$0x150];
	_ =	sdelay $0x4  }
0xd3: {  	v2 =	vand.u32 @!p0 $0xFFFF, v1  }
0xd4: {  	v1 =	vshra.s32 @!p0 v1, $0x10;
	[tilespmem:$0x2810] =	vst @!p0 v2  }
0xd5: {  	[tilespmem:$0x2A10] =	vst @!p0 v1  }
0xd6: {  	v1 =	vld @!p0 [tilespmem:s7+$0x160];
	_ =	sdelay $0x4  }
0xd7: {  	v2 =	vand.u32 @!p0 $0xFFFF, v1  }
0xd8: {  	v1 =	vshra.s32 @!p0 v1, $0x10;
	[tilespmem:$0x2820] =	vst @!p0 v2  }
0xd9: {  	[tilespmem:$0x2A20] =	vst @!p0 v1  }
0xda: {  	v1 =	vld @!p0 [tilespmem:s7+$0x170];
	_ =	sdelay $0x4  }
0xdb: {  	v2 =	vand.u32 @!p0 $0xFFFF, v1  }
0xdc: {  	v1 =	vshra.s32 @!p0 v1, $0x10;
	[tilespmem:$0x2830] =	vst @!p0 v2  }
0xdd: {  	s7 =	simm.s32 @!p0 $0x2800;
	[tilespmem:$0x2A30] =	vst @!p0 v1  }
0xde: {  	[tilespmem:s10], [sflag:$0x2] =	stream.indirect.gather @!p0 [hbm4b:s4+s8], $0x80, s7, s8, $0xb8;
	[tilespmem:$0x1F480] =	vst v63  }
0xdf: {  	_ =	swait.ge [sflag:s31], $0x2000  }
0xe0: {  	[sflag:s31] =	ssyncset.done $0x0  }
.Ltmp3:
0xe1: {  	[sflag:s31] =	ssyncadd.s32 $0xFFFFE000;
	(pc) =	sbr.rel @p0 .LBB2_6-.Ltmp3, $4  }
0xe2: {  	[spmem:s1] =	stream.indirect.scatter.add.f32 [tilespmem:s26], [sflag:$0x5], $0x80, s0, s21, $0xb8;
	[tilespmem:$0x1F480] =	vst v63  }
0xe3: {  	_ =	swait.ge [sflag:s19], $0x2000  }
0xe4: {  	[sflag:s19] =	ssyncset.done $0x0  }
0xe5: {  	[sflag:s19] =	ssyncadd.s32 $0xFFFFE000  }
0xe6: {  	s7 =	sshra.s32 s5, $0x2  }
0xe7: {  	v1 =	vld [tilespmem:s7+$0x180];
	_ =	sdelay $0x4  }
0xe8: {  	v2 =	vand.u32 $0xFFFF, v1  }
0xe9: {  	v1 =	vshra.s32 v1, $0x10;
	[tilespmem:$0x2880] =	vst v2  }
0xea: {  	[tilespmem:$0x2A80] =	vst v1  }
0xeb: {  	v1 =	vld [tilespmem:s7+$0x190];
	_ =	sdelay $0x4  }
0xec: {  	v2 =	vand.u32 $0xFFFF, v1  }
0xed: {  	v1 =	vshra.s32 v1, $0x10;
	[tilespmem:$0x2890] =	vst v2  }
0xee: {  	[tilespmem:$0x2A90] =	vst v1  }
0xef: {  	v1 =	vld [tilespmem:s7+$0x1A0];
	_ =	sdelay $0x4  }
0xf0: {  	v2 =	vand.u32 $0xFFFF, v1  }
0xf1: {  	v1 =	vshra.s32 v1, $0x10;
	[tilespmem:$0x28A0] =	vst v2  }
0xf2: {  	[tilespmem:$0x2AA0] =	vst v1  }
0xf3: {  	v1 =	vld [tilespmem:s7+$0x1B0];
	_ =	sdelay $0x4  }
0xf4: {  	v2 =	vand.u32 $0xFFFF, v1  }
0xf5: {  	v1 =	vshra.s32 v1, $0x10;
	[tilespmem:$0x28B0] =	vst v2  }
0xf6: {  	[tilespmem:$0x2AB0] =	vst v1  }
0xf7: {  	[tilespmem:s26], [sflag:$0x3] =	stream.indirect.gather [hbm4b:s4+s21], $0x80, s25, s21, $0xb8;
	[tilespmem:$0x1F480] =	vst v63  }
0xf8: {  	_ =	swait.ge [sflag:s3], $0x2000  }
0xf9: {  	[sflag:s3] =	ssyncset.done $0x0  }
0xfa: {  	[sflag:s3] =	ssyncadd.s32 $0xFFFFE000  }
0xfb: {  	[spmem:s1] =	stream.indirect.scatter.add.f32 [tilespmem:s29], [sflag:$0x5], $0x80, s22, s21, $0xb8;
	[tilespmem:$0x1F480] =	vst v63  }
0xfc: {  	_ =	swait.ge [sflag:s19], $0x2000  }
0xfd: {  	[sflag:s19] =	ssyncset.done $0x0  }
0xfe: {  	[sflag:s19] =	ssyncadd.s32 $0xFFFFE000  }
0xff: {  	v1 =	vld [tilespmem:s7+$0x1C0];
	_ =	sdelay $0x4  }
0x100: {  	v2 =	vand.u32 $0xFFFF, v1  }
0x101: {  	v1 =	vshra.s32 v1, $0x10;
	[tilespmem:$0x2900] =	vst v2  }
0x102: {  	[tilespmem:$0x2B00] =	vst v1  }
0x103: {  	v1 =	vld [tilespmem:s7+$0x1D0];
	_ =	sdelay $0x4  }
0x104: {  	v2 =	vand.u32 $0xFFFF, v1  }
0x105: {  	v1 =	vshra.s32 v1, $0x10;
	[tilespmem:$0x2910] =	vst v2  }
0x106: {  	[tilespmem:$0x2B10] =	vst v1  }
0x107: {  	v1 =	vld [tilespmem:s7+$0x1E0];
	_ =	sdelay $0x4  }
0x108: {  	v2 =	vand.u32 $0xFFFF, v1  }
0x109: {  	v1 =	vshra.s32 v1, $0x10;
	[tilespmem:$0x2920] =	vst v2  }
0x10a: {  	[tilespmem:$0x2B20] =	vst v1  }
0x10b: {  	v1 =	vld [tilespmem:s7+$0x1F0];
	_ =	sdelay $0x3  }
.Ltmp4:
0x10c: {  	_ = 	snop;
	(pc) =	sbr.rel .LBB2_4-.Ltmp4, $4  }
0x10d: {  	v2 =	vand.u32 $0xFFFF, v1  }
0x10e: {  	v1 =	vshra.s32 v1, $0x10;
	[tilespmem:$0x2930] =	vst v2  }
0x10f: {  	s5 =	sadd.s32 $0x400, s5;
	[tilespmem:$0x2B30] =	vst v1  }
0x110: {  	[tilespmem:s29], [sflag:$0x4] =	stream.indirect.gather [hbm4b:s4+s21], $0x80, s28, s21, $0xb8;
	[tilespmem:$0x1F480] =	vst v63  }
.LBB2_7:
0x111: {  	_ =	sfence.sel $0x180000  }
0x112: {  	[bflag:$0x0] =	sbarrier.arrive $0xFFFF  }
0x113: {  	_ =	strace $0x9000004A  }
0x114: {  	s0 =	stileid.u32;
	[bflag:$0x2] =	sbarrier.arrive $0xFFFF  }
0x115: {  	p0 =	sne.s32 s0, $0x0;
	s0 =	rddreg [dreg:$0x2]  }
0x116: {  	s0 =	sadd.s32 @!p0 $0x100000, s0  }
0x117: {  	[sflag:s0] =	ssyncadd.tile.s32 @!p0 $0x1;
	_ =	shalt  }
.Lfunc_end2:
_tile_overlayer_lowered:
.L_overlay_start_2:
0x118: {  	(tag) =	ssettag $0x2  }
0x119: {  	s0 =	rddreg [dreg:$0x0];
	s2 =	stileid.u32  }
0x11a: {  	s1 =	rddreg [dreg:$0x1];
	p0 =	sne.s32 s2, $0x0  }
0x11b: {  	s3 =	rddreg [dreg:$0x2];
	[bflag:$0x3] =	sbarrier.arrive $0xFFFF;
	s2 =	simm.s32 @!p0 $0x1C05  }
0x11c: {  	[timem:s3], [sflag:s2] =	dma.local @!p0 [hbm:s0], s1  }
0x11d: {  	s0 =	simm.s32 @!p0 $0x5  }
0x11e: {  	_ =	swait.ge @!p0 [sflag:s0], s1  }
0x11f: {  	s1 =	ssub.s32 @!p0 $0x0, s1;
	[sflag:s0] =	ssyncset.done @!p0 $0x0  }
0x120: {  	[sflag:s0] =	ssyncadd.s32 @!p0 s1  }
0x121: {  	[bflag:$0x3] =	sbarrier.arrive $0xFFFF  }
0x122: {  	_ =	shalt  }

// kernel: kernel.14.cloned.1.call-start
scs
__scs_entry_jumppad:
0x0: {  	(pc) =	sbr.rel $0x88, $3  }
0x1: {  	(tag) =	ssettag $0x0;
	lr =	simm.s32 $0x1  }
0x2: {  	[smem:$0x3F9B] =	sst lr;
	_ =	strace $0xD0000000  }
0x3: {  	_ = 	snop  }
0x4: {  	_ = 	snop  }
0x5: {  	_ = 	snop  }
0x6: {  	_ = 	snop  }
0x7: {  	_ = 	snop  }
__scs_overlays_trampoline_lowered:
0x8: {  	[smem:$0x3FAA] =	sst s0  }
0x9: {  	[smem:$0x3FAB] =	sst s1  }
0xa: {  	[smem:$0x3FAC] =	sst s2  }
0xb: {  	[smem:$0x3FAD] =	sst s3  }
0xc: {  	[smem:$0x3FAE] =	sst s4  }
0xd: {  	[smem:$0x3FAF] =	sst s5  }
0xe: {  	[smem:$0x3FB0] =	sst s6  }
0xf: {  	[smem:$0x3FB1] =	sst s7  }
0x10: {  	[smem:$0x3FB2] =	sst s8  }
0x11: {  	[smem:$0x3FB3] =	sst s9;
	s0 =	simm.s32 @!p0 $0x0  }
0x12: {  	s1 =	sld [smem:$0x3F99];
	s0 =	simm.s32 @p0 $0x1  }
0x13: {  	[smem:$0x3FB4] =	sst s0;
	s0 =	simm.s32 @!p1 $0x0  }
0x14: {  	s2 =	sld [smem:$0x3F98];
	s0 =	simm.s32 @p1 $0x1  }
0x15: {  	[smem:$0x3FB5] =	sst s0;
	s0 =	simm.s32 @!p2 $0x0  }
0x16: {  	s3 =	sld [smem:$0x3FDB];
	s0 =	simm.s32 @p2 $0x1  }
0x17: {  	s4 =	simm.s32 $0x1BF5;
	[smem:$0x3FB7] =	sst s0  }
0x18: {  	s0 =	sld [smem:$0x3F9A];
	_ =	swait.ge [sflag:s4], $0x0  }
0x19: {  	s7 =	sld [smem:$0x3F9B]  }
0x1a: {  	s8 =	sadd.s32 $0xFFFFE003, lr  }
0x1b: {  	s9 =	sadd.s32 $0xFFFFFEF7, lr;
	s5 =	simm.s32 $0xFFFFFFFF;
	p2 =	slt.u32 s8, $0xFFFFF086  }
0x1c: {  	p1 =	slt.u32 s9, $0xF7A;
	s5 =	simm.s32 @!p2 $0x0  }
0x1d: {  	s5 =	simm.s32 @p1 $0x1;
	p0 =	seq.s32 s7, s2  }
0x1e: {  	s7 =	smul.u32 @!p0 $0xF7A, s2;
	p2 =	seq.s32 @!p0 s5, $0x0  }
0x1f: {  	s9 =	smul.u32 $0xF7A, s1;
	s8 =	simm.s32 @!p0 $0x1BF5;
	p2 =	por !p2, p0  }
0x20: {  	[sflag:s8] =	ssyncset.s32 @!p0 $0xFFFFF086;
	s6 =	sadd.s32 @!p0 s3, s7;
	s7 =	simm.s32 @!p0 $0x108  }
0x21: {  	s3 =	sadd.s32 s3, s9;
	s6 =	sadd.s32 @!p0 $0x88, s6;
	s7 =	simm.s32 @p2 $0x1082  }
0x22: {  	[simem:s7], [sflag:s8] =	dma.local @!p0 [hbm:s6], $0xF7A  }
0x23: {  	s9 =	sor.u32 $0xD0000000, s2;
	s6 =	simm.s32 $0x108;
	_ =	swait.ge @!p0 [sflag:s8], $0x0  }
0x24: {  	s3 =	sadd.s32 $0x88, s3;
	s6 =	simm.s32 @!p1 $0x1082;
	[sflag:s4] =	ssyncset.s32 $0xFFFFF086  }
0x25: {  	[simem:s6], [sflag:s4] =	dma.local [hbm:s3], $0xF7A  }
0x26: {  	[smem:$0x3F9B] =	sst s1;
	(tag) =	ssettag s2;
	_ =	strace s9  }
0x27: {  	s1 =	sld [smem:$0x3FAB]  }
0x28: {  	s2 =	sld [smem:$0x3FAC]  }
0x29: {  	s4 =	sld [smem:$0x3FAE]  }
0x2a: {  	p0 =	seq.s32 s5, $0x0;
	s5 =	sld [smem:$0x3FAF]  }
0x2b: {  	s6 =	sld [smem:$0x3FB0]  }
0x2c: {  	s7 =	sld [smem:$0x3FB1]  }
0x2d: {  	s3 =	simm.s32 $0x108;
	s8 =	sld [smem:$0x3FB2]  }
0x2e: {  	s3 =	simm.s32 @!p0 $0x1082;
	s9 =	sld [smem:$0x3FB3]  }
0x2f: {  	lr =	sadd.s32 s0, s3;
	s0 =	sld [smem:$0x3FAA]  }
0x30: {  	s3 =	sld [smem:$0x3FAD]  }
0x31: {  	[smem:$0x3FB6] =	sst s10  }
0x32: {  	s10 =	sld [smem:$0x3FB4];
	_ =	sdelay $0x3  }
0x33: {  	p0 =	seq.s32 s10, $0x1;
	s10 =	sld [smem:$0x3FB6];
	_ =	sdelay $0x3  }
0x34: {  	[smem:$0x3FB6] =	sst s10  }
0x35: {  	s10 =	sld [smem:$0x3FB5];
	_ =	sdelay $0x3  }
0x36: {  	p1 =	seq.s32 s10, $0x1;
	s10 =	sld [smem:$0x3FB6];
	_ =	sdelay $0x3  }
0x37: {  	[smem:$0x3FB6] =	sst s10  }
0x38: {  	s10 =	sld [smem:$0x3FB7]  }
0x39: {  	_ = 	snop;
	(pc) =	sbr.ind lr, $3  }
0x3a: {  	_ = 	snop  }
0x3b: {  	_ = 	snop  }
0x3c: {  	p2 =	seq.s32 s10, $0x1;
	s10 =	sld [smem:$0x3FB6]  }
0x3d: {  	_ =	shalt  }
0x3e: {  	_ =	shalt  }
0x3f: {  	_ =	shalt  }
0x40: {  	_ =	shalt  }
0x41: {  	_ =	shalt  }
0x42: {  	_ =	shalt  }
0x43: {  	_ =	shalt  }
0x44: {  	_ =	shalt  }
0x45: {  	_ =	shalt  }
0x46: {  	_ =	shalt  }
0x47: {  	_ =	shalt  }
0x48: {  	_ =	shalt  }
0x49: {  	_ =	shalt  }
0x4a: {  	_ =	shalt  }
0x4b: {  	_ =	shalt  }
0x4c: {  	_ =	shalt  }
0x4d: {  	_ =	shalt  }
0x4e: {  	_ =	shalt  }
0x4f: {  	_ =	shalt  }
0x50: {  	_ =	shalt  }
0x51: {  	_ =	shalt  }
0x52: {  	_ =	shalt  }
0x53: {  	_ =	shalt  }
0x54: {  	_ =	shalt  }
0x55: {  	_ =	shalt  }
0x56: {  	_ =	shalt  }
0x57: {  	_ =	shalt  }
0x58: {  	_ =	shalt  }
0x59: {  	_ =	shalt  }
0x5a: {  	_ =	shalt  }
0x5b: {  	_ =	shalt  }
0x5c: {  	_ =	shalt  }
0x5d: {  	_ =	shalt  }
0x5e: {  	_ =	shalt  }
0x5f: {  	_ =	shalt  }
0x60: {  	_ =	shalt  }
0x61: {  	_ =	shalt  }
0x62: {  	_ =	shalt  }
0x63: {  	_ =	shalt  }
0x64: {  	_ =	shalt  }
0x65: {  	_ =	shalt  }
0x66: {  	_ =	shalt  }
0x67: {  	_ =	shalt  }
0x68: {  	_ =	shalt  }
0x69: {  	_ =	shalt  }
0x6a: {  	_ =	shalt  }
0x6b: {  	_ =	shalt  }
0x6c: {  	_ =	shalt  }
0x6d: {  	_ =	shalt  }
0x6e: {  	_ =	shalt  }
0x6f: {  	_ =	shalt  }
0x70: {  	_ =	shalt  }
0x71: {  	_ =	shalt  }
0x72: {  	_ =	shalt  }
0x73: {  	_ =	shalt  }
0x74: {  	_ =	shalt  }
0x75: {  	_ =	shalt  }
0x76: {  	_ =	shalt  }
0x77: {  	_ =	shalt  }
0x78: {  	_ =	shalt  }
0x79: {  	_ =	shalt  }
0x7a: {  	_ =	shalt  }
0x7b: {  	_ =	shalt  }
0x7c: {  	_ =	shalt  }
0x7d: {  	_ =	shalt  }
0x7e: {  	_ =	shalt  }
0x7f: {  	_ =	shalt  }
0x80: {  	_ =	shalt  }
0x81: {  	_ =	shalt  }
0x82: {  	_ =	shalt  }
0x83: {  	_ =	shalt  }
0x84: {  	_ =	shalt  }
0x85: {  	_ =	shalt  }
0x86: {  	_ =	shalt  }
0x87: {  	_ =	shalt  }
.Lfunc_end0:
.L_simem_size_0:
called_computation.2_lowered:
.L_overlay_start_0:
0x88: {  	s2 =	sld [smem:$0x3FD9]  }
0x89: {  	s3 =	sld [smem:$0x3FFE];
	_ =	sdelay $0x1  }
0x8a: {  	s1 =	srdreg.scid  }
0x8b: {  	s0 =	sand.u32 $0x1, s1  }
0x8c: {  	s17 =	sshll.u32 s0, $0xA;
	s2 =	sadd.s32 s3, s2  }
0x8d: {  	s2 =	sadd.s32 s2, s17  }
0x8e: {  	[smem:$0x3FC2] =	sst s2  }
0x8f: {  	_ = 	snop  }
0x90: {  	s2 =	sld [smem:$0x3FD0];
	(tm) =	ssettm $0x1  }
0x91: {  	s18 =	sld [smem:$0x3FFB];
	_ =	sdelay $0x3  }
0x92: {  	_ =	strace s18  }
0x93: {  	s3 =	sld [smem:$0x3FFC];
	_ =	sdelay $0x3  }
0x94: {  	_ =	strace s3  }
0x95: {  	s3 =	sld [smem:$0x3FFD];
	_ =	sdelay $0x3  }
0x96: {  	_ =	strace s3  }
0x97: {  	_ =	strace $0x8FFFFFFF  }
0x98: {  	s19 =	sld [smem:$0x3FDB];
	_ =	sdelay $0x1  }
0x99: {  	s4 =	simm.s32 $_scs_section_size  }
0x9a: {  	s5 =	simm.s32 $_size__tile_overlayer_lowered;
	s6 =	simm.s32 $_tile_overlayer_lowered  }
0x9b: {  	s22 =	simm.s32 $0x1BFF;
	s21 =	sshll.u32 s6, $0x1;
	s3 =	sadd.s32 s4, s19  }
0x9c: {  	s7 =	simm.s32 $0x0;
	s20 =	sshll.u32 s5, $0x1;
	s5 =	sadd.s32 s21, s3  }
0x9d: {  	[timem:s7], [sflag:s22] =	dma.local [hbm:s5], s20  }
0x9e: {  	_ =	swait.ge [sflag:s22], s20  }
0x9f: {  	s4 =	ssub.s32 $0x0, s20;
	[sflag:s22] =	ssyncset.done $0x0  }
0xa0: {  	[sflag:s22] =	ssyncadd.s32 s4;
	_ =	sdelay $0x1  }
0xa1: {  	s23 =	simm.s32 $0x1B8B  }
0xa2: {  	_ =	swait.ge [sflag:s23], $0x1  }
0xa3: {  	[sflag:s23] =	ssyncset.done $0x0  }
0xa4: {  	s25 =	simm.s32 $0x1B8E;
	s24 =	sld [smem:$0x3FFE];
	[sflag:s23] =	ssyncadd.s32 $0xFFFFFFFF  }
0xa5: {  	s26 =	simm.s32 $execute0_lowered;
	[smem:$0x3FD2] =	sst s25  }
0xa6: {  	s5 =	sshll.u32 s26, $0x1;
	_ =	strace $0x8000004C;
	[dreg:$0x1] =	wrdreg $0xFFFFFFFF  }
0xa7: {  	s28 =	simm.s32 $_size_execute0_lowered;
	s3 =	sadd.s32 s3, s5;
	[dreg:$0x0] =	wrdreg $0x0  }
0xa8: {  	s5 =	sshll.u32 s28, $0x1;
	[dreg:$0x2] =	wrdreg s3  }
0xa9: {  	[dreg:$0x3] =	wrdreg s5  }
0xaa: {  	[dreg:$0x4] =	wrdreg $0xC0  }
0xab: {  	_ =	task [dreg:s7], $0x5FFFF  }
0xac: {  	[dreg:$0x1] =	wrdreg $0xFFFFFFFF  }
0xad: {  	[dreg:$0x0] =	wrdreg $0x60  }
0xae: {  	[dreg:$0x2] =	wrdreg s2  }
0xaf: {  	[dreg:$0x3] =	wrdreg s24  }
0xb0: {  	[dreg:$0x4] =	wrdreg $0x6D300  }
0xb1: {  	[dreg:$0x5] =	wrdreg $0x9  }
0xb2: {  	_ =	task.clear_ibuf [dreg:s7], $0x6FFFF;
	_ =	strace $0x9000004C  }
0xb3: {  	s29 =	simm.s32 $0x9;
	_ =	strace $0x8000004E  }
0xb4: {  	_ =	swait.ge [sflag:s29], $0x1  }
0xb5: {  	[sflag:s29] =	ssyncadd.s32 $0xFFFFFFFF  }
0xb6: {  	_ =	strace $0x9000004E  }
0xb7: {  	_ =	sfence  }
0xb8: {  	s30 =	sld [smem:$0x0];
	_ =	sdelay $0x2  }
0xb9: {  	s31 =	sshll.u32 s1, $0xD;
	s1 =	sshrl.u32 s1, $0x2  }
0xba: {  	s3 =	sand.u32 $0x4000, s31;
	s1 =	sadd.s32 s1, s30  }
0xbb: {  	s0 =	sor.u32 s3, s0;
	s1 =	sshll.u32 s1, $0x11  }
0xbc: {  	s0 =	sor.u32 s1, s0  }
0xbd: {  	s0 =	sadd.s32 $0x8F2B, s0  }
0xbe: {  	[sflag:s0] =	ssyncadd.remote.s32 $0x1  }
0xbf: {  	_ =	sfence.sel $0xFFFF  }
0xc0: {  	[dreg:$0x0] =	wrdreg $0xFFFFFFFF;
	(pc) =	sbr.abs _section_cstart, $3  }
0xc1: {  	[dreg:$0x1] =	wrdreg $0xFFFFFFFF  }
0xc2: {  	_ =	task.clear_ibuf [dreg:s7], $0x2FFFF;
	_ =	strace $0x9FFFFFFF  }
0xc3: {  	(tm) =	ssettm $0x7FFFFFFF  }
tec
execute0_lowered:
.L_overlay_start_1:
0x0: {  	(tag) =	ssettag $0x1  }
0x1: {  	s1 =	rddreg [dreg:$0x0]  }
0x2: {  	s0 =	rddreg [dreg:$0x1]  }
0x3: {  	s2 =	rddreg [dreg:$0x2];
	s3 =	srdreg.scid  }
0x4: {  	s7 =	simm.s32 $0x0;
	s6 =	stileid.u32;
	s18 =	simm.s32 $0x2910  }
0x5: {  	s19 =	simm.s32 $0x5;
	s20 =	simm.s32 $0x1;
	s28 =	simm.s32 $0x4910  }
0x6: {  	s29 =	simm.s32 $0x27D0;
	s30 =	simm.s32 $0x5910;
	s31 =	simm.s32 $0x2810  }
0x7: {  	s3 =	sand.u32 $0x1, s3;
	[smem:$0x7FF] =	sst s7;
	s21 =	smul.u32 $0xA000, s6  }
0x8: {  	s4 =	sshll.u32 s3, $0x4;
	s5 =	smul.u32 $0xA0000, s3;
	_ =	strace $0x8000004D  }
0x9: {  	s3 =	ssub.s32 $0x2, s3;
	s4 =	sor.u32 s6, s4;
	s6 =	smul.u32 $0x28000, s6  }
0xa: {  	s8 =	sshrl.u32 s3, $0x1;
	s23 =	sadd.s32 s21, s2;
	s4 =	smul.u32 $0x4E2, s4  }
0xb: {  	s5 =	sadd.s32 s21, s5;
	s3 =	ssub.s32 s3, s8;
	s21 =	simm.s32 $0x40  }
0xc: {  	s5 =	sshrl.u32 s5, $0x3;
	s22 =	sshrl.u32 s6, $0x2;
	s3 =	smax.u32 s3, $0x1  }
0xd: {  	s4 =	sadd.s32 s4, s0;
	s0 =	sadd.s32 s5, s0;
	s6 =	sadd.s32 s22, s2  }
0xe: {  	[dreg:$0x6] =	wrdreg s3;
	s22 =	simm.s32 $0x4;
	s3 =	simm.s32 $0x6930  }
0xf: {  	s5 =	simm.s32 $0x0;
	s4 =	sadd.s32 $0x1600, s4;
	s0 =	sadd.s32 $0xB400, s0  }
0x10: {  	s24 =	sadd.s32 $0x1000, s6;
	s25 =	sadd.s32 $0x2000, s6;
	[dreg:$0x4] =	wrdreg s4  }
0x11: {  	s26 =	sadd.s32 $0x3000, s6;
	s12 =	sadd.s32 $0x4000, s6;
	[dreg:$0x5] =	wrdreg s0  }
.Ltmp0:
0x12: {  	s13 =	sadd.s32 $0x5000, s6;
	[dreg:$0x7] =	wrdreg s24;
	(pc) =	sbr.rel .LBB2_1-.Ltmp0, $4  }
0x13: {  	s14 =	sadd.s32 $0x6000, s6;
	s15 =	sadd.s32 $0x7000, s6;
	[dreg:$0x8] =	wrdreg s25  }
0x14: {  	s16 =	sadd.s32 $0x8000, s6;
	s17 =	sadd.s32 $0x9000, s6;
	[dreg:$0x9] =	wrdreg s26  }
0x15: {  	s25 =	sshrl.u32 s23, $0x3;
	s26 =	simm.s32 $0x2790;
	s0 =	simm.s32 $0x3  }
0x16: {  	v0 =	vimm.f32 $0.0e+00;
	s4 =	simm.s32 $0x2890;
	s23 =	simm.s32 $0x28D0;
	s24 =	simm.s32 $0x10  }
.LBB2_6:
0x17: {  	_ =	swait.ge [sflag:s22], $0x1000  }
0x18: {  	[sflag:s22] =	ssyncset.done $0x0  }
0x19: {  	[sflag:s22] =	ssyncadd.s32 $0xFFFFF000  }
0x1a: {  	[spmem:s2] =	stream.indirect.scatter.add.f32 [tilespmem:s30], [sflag:$0x5], $0x40, s23, s21, $0xb8;
	[tilespmem:$0x10D30] =	vst v63  }
0x1b: {  	_ =	swait.ge [sflag:s19], $0x1000  }
0x1c: {  	[sflag:s19] =	ssyncset.done $0x0  }
0x1d: {  	[sflag:s19] =	ssyncadd.s32 $0xFFFFF000  }
0x1e: {  	v1 =	vld [tilespmem:$0x2700];
	_ =	sdelay $0x4  }
0x1f: {  	v2 =	vand.u32 $0xFFFF, v1  }
0x20: {  	v1 =	vshra.s32 v1, $0x10;
	[tilespmem:$0x6910] =	vst v2  }
0x21: {  	s7 =	simm.s32 $0x6910;
	[tilespmem:$0x6920] =	vst v1  }
0x22: {  	[tilespmem:s3], [sflag:$0x1] =	stream.indirect.gather [hbm4b:s1+s24], $0x40, s7, s24, $0xb8;
	[tilespmem:$0x10D30] =	vst v63  }
0x23: {  	_ =	swait.ge [sflag:s20], $0x400  }
0x24: {  	[sflag:s20] =	ssyncset.done $0x0  }
0x25: {  	s9 =	simm.s32 $0x6920;
	[sflag:s20] =	ssyncadd.s32 $0xFFFFFC00  }
0x26: {  	[spmem:s2] =	stream.indirect.scatter.add.f32 [tilespmem:s3], [sflag:$0x5], $0x40, s9, s24, $0xb8;
	[tilespmem:$0x10D30] =	vst v63  }
0x27: {  	_ =	swait.ge [sflag:s19], $0x400  }
0x28: {  	[sflag:s19] =	ssyncset.done $0x0  }
0x29: {  	s10 =	stileid.u32;
	[sflag:s19] =	ssyncadd.s32 $0xFFFFFC00  }
0x2a: {  	s7 =	sshll.u32 s10, $0x6;
	[bflag:$0x0] =	sbarrier.arrive $0xFFFF  }
0x2b: {  	s7 =	sor.u32 $0x1C05, s7;
	s8 =	rddreg [dreg:$0x5]  }
0x2c: {  	[hbm:s8], [sflag:s7] =	dma.local [spmem:s25], $0x1400  }
0x2d: {  	_ =	swait.ge [sflag:s19], $0x1400  }
0x2e: {  	s5 =	sadd.s32 $0x1, s5;
	s11 =	rddreg [dreg:$0x6]  }
0x2f: {  	p0 =	sne.s32 s5, s11  }
.Ltmp1:
0x30: {  	_ = 	snop;
	(pc) =	sbr.rel @!p0 .LBB2_7-.Ltmp1, $3  }
0x31: {  	_ =	sdelay $0x1  }
0x32: {  	[sflag:s19] =	ssyncset.done $0x0  }
0x33: {  	[sflag:s19] =	ssyncadd.s32 $0xFFFFEC00  }
.LBB2_1:
0x34: {  	s7 =	simm.s32 $0x0;
	s8 =	rddreg [dreg:$0x4]  }
0x35: {  	[tilespmem:s7], [sflag:$0x1] =	stream.linear.gather [hbm4b:s8+s7], $0x2710, $0x38;
	[tilespmem:$0x10D30] =	vst v63  }
0x36: {  	s8 =	simm.s32 $0x100;
	s7 =	simm.s32 $0x0  }
.LBB2_2:
0x37: {  	p0 =	sne.s32 s8, $0x3F00;
	[tilespmem:s7+$0x2940] =	vst v0;
	s9 =	smov.u32 s8;
	s8 =	sadd.s32 $0x100, s8  }
.Ltmp2:
0x38: {  	[tilespmem:s7+$0x2930] =	vst v0;
	(pc) =	sbr.rel @p0 .LBB2_2-.Ltmp2, $3  }
0x39: {  	[tilespmem:s7+$0x2910] =	vst v0  }
0x3a: {  	[tilespmem:s7+$0x2920] =	vst v0;
	_ =	sdelay $0x1  }
0x3b: {  	s7 =	sshra.s32 s9, $0x2  }
0x3c: {  	[tilespmem:s7+$0x2940] =	vst v0  }
0x3d: {  	[tilespmem:s7+$0x2930] =	vst v0  }
0x3e: {  	[tilespmem:s7+$0x2910] =	vst v0  }
0x3f: {  	[tilespmem:s7+$0x2920] =	vst v0  }
0x40: {  	[spmem:s6] =	stream.linear.scatter [tilespmem:s18], [sflag:$0x5], $0x1000, $0x38;
	[tilespmem:$0x10D30] =	vst v63  }
0x41: {  	_ =	swait.ge [sflag:s19], $0x1000  }
0x42: {  	[sflag:s19] =	ssyncset.done $0x0  }
0x43: {  	s11 =	rddreg [dreg:$0x7];
	[sflag:s19] =	ssyncadd.s32 $0xFFFFF000  }
0x44: {  	[spmem:s11] =	stream.linear.scatter [tilespmem:s18], [sflag:$0x5], $0x1000, $0x38;
	[tilespmem:$0x10D30] =	vst v63  }
0x45: {  	_ =	swait.ge [sflag:s19], $0x1000  }
0x46: {  	[sflag:s19] =	ssyncset.done $0x0  }
0x47: {  	s8 =	rddreg [dreg:$0x8];
	[sflag:s19] =	ssyncadd.s32 $0xFFFFF000  }
0x48: {  	[spmem:s8] =	stream.linear.scatter [tilespmem:s18], [sflag:$0x5], $0x1000, $0x38;
	[tilespmem:$0x10D30] =	vst v63  }
0x49: {  	_ =	swait.ge [sflag:s19], $0x1000  }
0x4a: {  	[sflag:s19] =	ssyncset.done $0x0  }
0x4b: {  	s9 =	rddreg [dreg:$0x9];
	[sflag:s19] =	ssyncadd.s32 $0xFFFFF000  }
0x4c: {  	[spmem:s9] =	stream.linear.scatter [tilespmem:s18], [sflag:$0x5], $0x1000, $0x38;
	[tilespmem:$0x10D30] =	vst v63  }
0x4d: {  	_ =	swait.ge [sflag:s19], $0x1000  }
0x4e: {  	[sflag:s19] =	ssyncset.done $0x0  }
0x4f: {  	[sflag:s19] =	ssyncadd.s32 $0xFFFFF000  }
0x50: {  	[spmem:s12] =	stream.linear.scatter [tilespmem:s18], [sflag:$0x5], $0x1000, $0x38;
	[tilespmem:$0x10D30] =	vst v63  }
0x51: {  	_ =	swait.ge [sflag:s19], $0x1000  }
0x52: {  	[sflag:s19] =	ssyncset.done $0x0  }
0x53: {  	[sflag:s19] =	ssyncadd.s32 $0xFFFFF000  }
0x54: {  	[spmem:s13] =	stream.linear.scatter [tilespmem:s18], [sflag:$0x5], $0x1000, $0x38;
	[tilespmem:$0x10D30] =	vst v63  }
0x55: {  	_ =	swait.ge [sflag:s19], $0x1000  }
0x56: {  	[sflag:s19] =	ssyncset.done $0x0  }
0x57: {  	[sflag:s19] =	ssyncadd.s32 $0xFFFFF000  }
0x58: {  	[spmem:s14] =	stream.linear.scatter [tilespmem:s18], [sflag:$0x5], $0x1000, $0x38;
	[tilespmem:$0x10D30] =	vst v63  }
0x59: {  	_ =	swait.ge [sflag:s19], $0x1000  }
0x5a: {  	[sflag:s19] =	ssyncset.done $0x0  }
0x5b: {  	[sflag:s19] =	ssyncadd.s32 $0xFFFFF000  }
0x5c: {  	[spmem:s15] =	stream.linear.scatter [tilespmem:s18], [sflag:$0x5], $0x1000, $0x38;
	[tilespmem:$0x10D30] =	vst v63  }
0x5d: {  	_ =	swait.ge [sflag:s19], $0x1000  }
0x5e: {  	[sflag:s19] =	ssyncset.done $0x0  }
0x5f: {  	[sflag:s19] =	ssyncadd.s32 $0xFFFFF000  }
0x60: {  	[spmem:s16] =	stream.linear.scatter [tilespmem:s18], [sflag:$0x5], $0x1000, $0x38;
	[tilespmem:$0x10D30] =	vst v63  }
0x61: {  	_ =	swait.ge [sflag:s19], $0x1000  }
0x62: {  	[sflag:s19] =	ssyncset.done $0x0  }
0x63: {  	[sflag:s19] =	ssyncadd.s32 $0xFFFFF000  }
0x64: {  	[spmem:s17] =	stream.linear.scatter [tilespmem:s18], [sflag:$0x5], $0x1000, $0x38;
	[tilespmem:$0x10D30] =	vst v63  }
0x65: {  	_ =	swait.ge [sflag:s19], $0x1000  }
0x66: {  	[sflag:s19] =	ssyncset.done $0x0  }
0x67: {  	[sflag:s19] =	ssyncadd.s32 $0xFFFFF000  }
0x68: {  	_ =	swait.ge [sflag:s20], $0x2710  }
0x69: {  	[sflag:s20] =	ssyncset.done $0x0  }
0x6a: {  	[sflag:s20] =	ssyncadd.s32 $0xFFFFD8F0  }
0x6b: {  	[bflag:$0x0] =	sbarrier.arrive $0xFFFF  }
0x6c: {  	v1 =	vld [tilespmem:$0x0];
	_ =	sdelay $0x1  }
0x6d: {  	v2 =	vld [tilespmem:$0x10];
	_ =	sdelay $0x1  }
0x6e: {  	v3 =	vld [tilespmem:$0x20]  }
0x6f: {  	v4 =	vand.u32 $0xFFFF, v1  }
0x70: {  	v57 =	vld [tilespmem:$0x30];
	v1 =	vshra.s32 v1, $0x10;
	[tilespmem:$0x2710] =	vst v4  }
0x71: {  	[tilespmem:$0x2810] =	vst v1;
	v1 =	vand.u32 $0xFFFF, v2  }
0x72: {  	[tilespmem:$0x2720] =	vst v1;
	v1 =	vshra.s32 v2, $0x10  }
0x73: {  	[tilespmem:$0x2820] =	vst v1;
	v1 =	vand.u32 $0xFFFF, v3  }
0x74: {  	[tilespmem:$0x2730] =	vst v1;
	v1 =	vshra.s32 v3, $0x10  }
0x75: {  	[tilespmem:$0x2830] =	vst v1;
	v1 =	vand.u32 $0xFFFF, v57  }
0x76: {  	[tilespmem:$0x2740] =	vst v1;
	v1 =	vshra.s32 v57, $0x10  }
0x77: {  	s10 =	simm.s32 $0x2710;
	[tilespmem:$0x2840] =	vst v1  }
0x78: {  	[tilespmem:s18], [sflag:$0x1] =	stream.indirect.gather [hbm4b:s1+s21], $0x40, s10, s21, $0xb8;
	[tilespmem:$0x10D30] =	vst v63  }
0x79: {  	v1 =	vld [tilespmem:$0x40];
	_ =	sdelay $0x1  }
0x7a: {  	v2 =	vld [tilespmem:$0x50];
	_ =	sdelay $0x1  }
0x7b: {  	v3 =	vld [tilespmem:$0x60]  }
0x7c: {  	v58 =	vand.u32 $0xFFFF, v1  }
0x7d: {  	v59 =	vld [tilespmem:$0x70];
	v1 =	vshra.s32 v1, $0x10;
	[tilespmem:$0x2750] =	vst v58  }
0x7e: {  	[tilespmem:$0x2850] =	vst v1;
	v1 =	vand.u32 $0xFFFF, v2  }
0x7f: {  	[tilespmem:$0x2760] =	vst v1;
	v1 =	vshra.s32 v2, $0x10  }
0x80: {  	[tilespmem:$0x2860] =	vst v1;
	v1 =	vand.u32 $0xFFFF, v3  }
0x81: {  	[tilespmem:$0x2770] =	vst v1;
	v1 =	vshra.s32 v3, $0x10  }
0x82: {  	[tilespmem:$0x2870] =	vst v1;
	v1 =	vand.u32 $0xFFFF, v59  }
0x83: {  	[tilespmem:$0x2780] =	vst v1;
	v1 =	vshra.s32 v59, $0x10  }
0x84: {  	s11 =	simm.s32 $0x2750;
	s8 =	simm.s32 $0x3910;
	[tilespmem:$0x2880] =	vst v1  }
0x85: {  	[tilespmem:s8], [sflag:$0x2] =	stream.indirect.gather [hbm4b:s1+s21], $0x40, s11, s21, $0xb8;
	[tilespmem:$0x10D30] =	vst v63  }
0x86: {  	v1 =	vld [tilespmem:$0x80];
	_ =	sdelay $0x1  }
0x87: {  	v2 =	vld [tilespmem:$0x90];
	_ =	sdelay $0x1  }
0x88: {  	v3 =	vld [tilespmem:$0xA0]  }
0x89: {  	v60 =	vand.u32 $0xFFFF, v1  }
0x8a: {  	v61 =	vld [tilespmem:$0xB0];
	v1 =	vshra.s32 v1, $0x10;
	[tilespmem:$0x2790] =	vst v60  }
0x8b: {  	[tilespmem:$0x2890] =	vst v1;
	v1 =	vand.u32 $0xFFFF, v2  }
0x8c: {  	[tilespmem:$0x27A0] =	vst v1;
	v1 =	vshra.s32 v2, $0x10  }
0x8d: {  	[tilespmem:$0x28A0] =	vst v1;
	v1 =	vand.u32 $0xFFFF, v3  }
0x8e: {  	[tilespmem:$0x27B0] =	vst v1;
	v1 =	vshra.s32 v3, $0x10  }
0x8f: {  	[tilespmem:$0x28B0] =	vst v1;
	v1 =	vand.u32 $0xFFFF, v61  }
0x90: {  	[tilespmem:$0x27C0] =	vst v1;
	v1 =	vshra.s32 v61, $0x10  }
0x91: {  	[tilespmem:$0x28C0] =	vst v1  }
0x92: {  	[tilespmem:s28], [sflag:$0x3] =	stream.indirect.gather [hbm4b:s1+s21], $0x40, s26, s21, $0xb8;
	[tilespmem:$0x10D30] =	vst v63  }
0x93: {  	v1 =	vld [tilespmem:$0xC0];
	_ =	sdelay $0x1  }
0x94: {  	v2 =	vld [tilespmem:$0xD0];
	_ =	sdelay $0x1  }
0x95: {  	v3 =	vld [tilespmem:$0xE0]  }
0x96: {  	v62 =	vand.u32 $0xFFFF, v1  }
0x97: {  	v63 =	vld [tilespmem:$0xF0];
	v1 =	vshra.s32 v1, $0x10;
	[tilespmem:$0x27D0] =	vst v62  }
0x98: {  	[tilespmem:$0x28D0] =	vst v1;
	v1 =	vand.u32 $0xFFFF, v2  }
0x99: {  	[tilespmem:$0x27E0] =	vst v1;
	v1 =	vshra.s32 v2, $0x10  }
0x9a: {  	[tilespmem:$0x28E0] =	vst v1;
	v1 =	vand.u32 $0xFFFF, v3  }
0x9b: {  	[tilespmem:$0x27F0] =	vst v1;
	v1 =	vshra.s32 v3, $0x10  }
0x9c: {  	[tilespmem:$0x28F0] =	vst v1;
	v1 =	vand.u32 $0xFFFF, v63  }
0x9d: {  	[tilespmem:$0x2800] =	vst v1;
	v1 =	vshra.s32 v63, $0x10  }
0x9e: {  	s7 =	simm.s32 $0x0;
	[tilespmem:$0x2900] =	vst v1  }
0x9f: {  	[tilespmem:s30], [sflag:$0x4] =	stream.indirect.gather [hbm4b:s1+s21], $0x40, s29, s21, $0xb8;
	[tilespmem:$0x10D30] =	vst v63  }
.LBB2_4:
0xa0: {  	_ =	swait.ge [sflag:s20], $0x1000  }
0xa1: {  	[sflag:s20] =	ssyncset.done $0x0  }
0xa2: {  	[sflag:s20] =	ssyncadd.s32 $0xFFFFF000  }
0xa3: {  	[spmem:s2] =	stream.indirect.scatter.add.f32 [tilespmem:s18], [sflag:$0x5], $0x40, s31, s21, $0xb8;
	[tilespmem:$0x10D30] =	vst v63  }
0xa4: {  	_ =	swait.ge [sflag:s19], $0x1000  }
0xa5: {  	p0 =	seq.s32 s7, $0x9800;
	[sflag:s19] =	ssyncset.done $0x0  }
0xa6: {  	s8 =	simm.s32 @p0 $0x2;
	[sflag:s19] =	ssyncadd.s32 $0xFFFFF000  }
0xa7: {  	_ =	swait.ge @p0 [sflag:s8], $0x1000  }
0xa8: {  	s9 =	simm.s32 @p0 $0x2850;
	[sflag:s8] =	ssyncset.done @p0 $0x0  }
0xa9: {  	s10 =	simm.s32 @p0 $0x3910;
	[sflag:s8] =	ssyncadd.s32 @p0 $0xFFFFF000;
	s8 =	simm.s32 @p0 $0x40  }
0xaa: {  	[spmem:s2] =	stream.indirect.scatter.add.f32 @p0 [tilespmem:s10], [sflag:$0x5], $0x40, s9, s8, $0xb8;
	[tilespmem:$0x10D30] =	vst v63  }
0xab: {  	s8 =	simm.s32 @p0 $0x5  }
0xac: {  	_ =	swait.ge @p0 [sflag:s8], $0x1000  }
0xad: {  	[sflag:s8] =	ssyncset.done @p0 $0x0  }
0xae: {  	[sflag:s8] =	ssyncadd.s32 @p0 $0xFFFFF000;
	s8 =	sshra.s32 @!p0 s7, $0x2  }
0xaf: {  	v1 =	vld @!p0 [tilespmem:s8+$0x100];
	_ =	sdelay $0x4  }
0xb0: {  	v2 =	vand.u32 @!p0 $0xFFFF, v1  }
0xb1: {  	v1 =	vshra.s32 @!p0 v1, $0x10;
	[tilespmem:$0x2710] =	vst @!p0 v2  }
0xb2: {  	[tilespmem:$0x2810] =	vst @!p0 v1  }
0xb3: {  	v1 =	vld @!p0 [tilespmem:s8+$0x110];
	_ =	sdelay $0x4  }
0xb4: {  	v2 =	vand.u32 @!p0 $0xFFFF, v1  }
0xb5: {  	v1 =	vshra.s32 @!p0 v1, $0x10;
	[tilespmem:$0x2720] =	vst @!p0 v2  }
0xb6: {  	[tilespmem:$0x2820] =	vst @!p0 v1  }
0xb7: {  	v1 =	vld @!p0 [tilespmem:s8+$0x120];
	_ =	sdelay $0x4  }
0xb8: {  	v2 =	vand.u32 @!p0 $0xFFFF, v1  }
0xb9: {  	v1 =	vshra.s32 @!p0 v1, $0x10;
	[tilespmem:$0x2730] =	vst @!p0 v2  }
0xba: {  	[tilespmem:$0x2830] =	vst @!p0 v1  }
0xbb: {  	v1 =	vld @!p0 [tilespmem:s8+$0x130];
	_ =	sdelay $0x4  }
0xbc: {  	v2 =	vand.u32 @!p0 $0xFFFF, v1  }
0xbd: {  	v1 =	vshra.s32 @!p0 v1, $0x10;
	[tilespmem:$0x2740] =	vst @!p0 v2  }
0xbe: {  	s11 =	simm.s32 @!p0 $0x2910;
	s9 =	simm.s32 @!p0 $0x40;
	s10 =	simm.s32 @!p0 $0x2710;
	[tilespmem:$0x2840] =	vst @!p0 v1  }
0xbf: {  	[tilespmem:s11], [sflag:$0x1] =	stream.indirect.gather @!p0 [hbm4b:s1+s9], $0x40, s10, s9, $0xb8;
	[tilespmem:$0x10D30] =	vst v63  }
0xc0: {  	s10 =	simm.s32 @!p0 $0x2  }
0xc1: {  	_ =	swait.ge @!p0 [sflag:s10], $0x1000  }
0xc2: {  	[sflag:s10] =	ssyncset.done @!p0 $0x0  }
0xc3: {  	s11 =	simm.s32 @!p0 $0x3910;
	[sflag:s10] =	ssyncadd.s32 @!p0 $0xFFFFF000;
	s10 =	simm.s32 @!p0 $0x2850  }
0xc4: {  	[spmem:s2] =	stream.indirect.scatter.add.f32 @!p0 [tilespmem:s11], [sflag:$0x5], $0x40, s10, s9, $0xb8;
	[tilespmem:$0x10D30] =	vst v63  }
0xc5: {  	s10 =	simm.s32 @!p0 $0x5  }
0xc6: {  	_ =	swait.ge @!p0 [sflag:s10], $0x1000  }
0xc7: {  	[sflag:s10] =	ssyncset.done @!p0 $0x0  }
0xc8: {  	[sflag:s10] =	ssyncadd.s32 @!p0 $0xFFFFF000  }
0xc9: {  	v1 =	vld @!p0 [tilespmem:s8+$0x140];
	_ =	sdelay $0x4  }
0xca: {  	v2 =	vand.u32 @!p0 $0xFFFF, v1  }
0xcb: {  	v1 =	vshra.s32 @!p0 v1, $0x10;
	[tilespmem:$0x2750] =	vst @!p0 v2  }
0xcc: {  	[tilespmem:$0x2850] =	vst @!p0 v1  }
0xcd: {  	v1 =	vld @!p0 [tilespmem:s8+$0x150];
	_ =	sdelay $0x4  }
0xce: {  	v2 =	vand.u32 @!p0 $0xFFFF, v1  }
0xcf: {  	v1 =	vshra.s32 @!p0 v1, $0x10;
	[tilespmem:$0x2760] =	vst @!p0 v2  }
0xd0: {  	[tilespmem:$0x2860] =	vst @!p0 v1  }
0xd1: {  	v1 =	vld @!p0 [tilespmem:s8+$0x160];
	_ =	sdelay $0x4  }
0xd2: {  	v2 =	vand.u32 @!p0 $0xFFFF, v1  }
0xd3: {  	v1 =	vshra.s32 @!p0 v1, $0x10;
	[tilespmem:$0x2770] =	vst @!p0 v2  }
0xd4: {  	[tilespmem:$0x2870] =	vst @!p0 v1  }
0xd5: {  	v1 =	vld @!p0 [tilespmem:s8+$0x170];
	_ =	sdelay $0x4  }
0xd6: {  	v2 =	vand.u32 @!p0 $0xFFFF, v1  }
0xd7: {  	v1 =	vshra.s32 @!p0 v1, $0x10;
	[tilespmem:$0x2780] =	vst @!p0 v2  }
0xd8: {  	s8 =	simm.s32 @!p0 $0x2750;
	[tilespmem:$0x2880] =	vst @!p0 v1  }
0xd9: {  	[tilespmem:s11], [sflag:$0x2] =	stream.indirect.gather @!p0 [hbm4b:s1+s9], $0x40, s8, s9, $0xb8;
	[tilespmem:$0x10D30] =	vst v63  }
0xda: {  	_ =	swait.ge [sflag:s0], $0x1000  }
0xdb: {  	[sflag:s0] =	ssyncset.done $0x0  }
.Ltmp3:
0xdc: {  	[sflag:s0] =	ssyncadd.s32 $0xFFFFF000;
	(pc) =	sbr.rel @p0 .LBB2_6-.Ltmp3, $4  }
0xdd: {  	[spmem:s2] =	stream.indirect.scatter.add.f32 [tilespmem:s28], [sflag:$0x5], $0x40, s4, s21, $0xb8;
	[tilespmem:$0x10D30] =	vst v63  }
0xde: {  	_ =	swait.ge [sflag:s19], $0x1000  }
0xdf: {  	[sflag:s19] =	ssyncset.done $0x0  }
0xe0: {  	[sflag:s19] =	ssyncadd.s32 $0xFFFFF000  }
0xe1: {  	s8 =	sshra.s32 s7, $0x2  }
0xe2: {  	v1 =	vld [tilespmem:s8+$0x180];
	_ =	sdelay $0x4  }
0xe3: {  	v2 =	vand.u32 $0xFFFF, v1  }
0xe4: {  	v1 =	vshra.s32 v1, $0x10;
	[tilespmem:$0x2790] =	vst v2  }
0xe5: {  	[tilespmem:$0x2890] =	vst v1  }
0xe6: {  	v1 =	vld [tilespmem:s8+$0x190];
	_ =	sdelay $0x4  }
0xe7: {  	v2 =	vand.u32 $0xFFFF, v1  }
0xe8: {  	v1 =	vshra.s32 v1, $0x10;
	[tilespmem:$0x27A0] =	vst v2  }
0xe9: {  	[tilespmem:$0x28A0] =	vst v1  }
0xea: {  	v1 =	vld [tilespmem:s8+$0x1A0];
	_ =	sdelay $0x4  }
0xeb: {  	v2 =	vand.u32 $0xFFFF, v1  }
0xec: {  	v1 =	vshra.s32 v1, $0x10;
	[tilespmem:$0x27B0] =	vst v2  }
0xed: {  	[tilespmem:$0x28B0] =	vst v1  }
0xee: {  	v1 =	vld [tilespmem:s8+$0x1B0];
	_ =	sdelay $0x4  }
0xef: {  	v2 =	vand.u32 $0xFFFF, v1  }
0xf0: {  	v1 =	vshra.s32 v1, $0x10;
	[tilespmem:$0x27C0] =	vst v2  }
0xf1: {  	[tilespmem:$0x28C0] =	vst v1  }
0xf2: {  	[tilespmem:s28], [sflag:$0x3] =	stream.indirect.gather [hbm4b:s1+s21], $0x40, s26, s21, $0xb8;
	[tilespmem:$0x10D30] =	vst v63  }
0xf3: {  	_ =	swait.ge [sflag:s22], $0x1000  }
0xf4: {  	[sflag:s22] =	ssyncset.done $0x0  }
0xf5: {  	[sflag:s22] =	ssyncadd.s32 $0xFFFFF000  }
0xf6: {  	[spmem:s2] =	stream.indirect.scatter.add.f32 [tilespmem:s30], [sflag:$0x5], $0x40, s23, s21, $0xb8;
	[tilespmem:$0x10D30] =	vst v63  }
0xf7: {  	_ =	swait.ge [sflag:s19], $0x1000  }
0xf8: {  	[sflag:s19] =	ssyncset.done $0x0  }
0xf9: {  	[sflag:s19] =	ssyncadd.s32 $0xFFFFF000  }
0xfa: {  	v1 =	vld [tilespmem:s8+$0x1C0];
	_ =	sdelay $0x4  }
0xfb: {  	v2 =	vand.u32 $0xFFFF, v1  }
0xfc: {  	v1 =	vshra.s32 v1, $0x10;
	[tilespmem:$0x27D0] =	vst v2  }
0xfd: {  	[tilespmem:$0x28D0] =	vst v1  }
0xfe: {  	v1 =	vld [tilespmem:s8+$0x1D0];
	_ =	sdelay $0x4  }
0xff: {  	v2 =	vand.u32 $0xFFFF, v1  }
0x100: {  	v1 =	vshra.s32 v1, $0x10;
	[tilespmem:$0x27E0] =	vst v2  }
0x101: {  	[tilespmem:$0x28E0] =	vst v1  }
0x102: {  	v1 =	vld [tilespmem:s8+$0x1E0];
	_ =	sdelay $0x4  }
0x103: {  	v2 =	vand.u32 $0xFFFF, v1  }
0x104: {  	v1 =	vshra.s32 v1, $0x10;
	[tilespmem:$0x27F0] =	vst v2  }
0x105: {  	[tilespmem:$0x28F0] =	vst v1  }
0x106: {  	v1 =	vld [tilespmem:s8+$0x1F0];
	_ =	sdelay $0x3  }
.Ltmp4:
0x107: {  	_ = 	snop;
	(pc) =	sbr.rel .LBB2_4-.Ltmp4, $4  }
0x108: {  	v2 =	vand.u32 $0xFFFF, v1  }
0x109: {  	v1 =	vshra.s32 v1, $0x10;
	[tilespmem:$0x2800] =	vst v2  }
0x10a: {  	s7 =	sadd.s32 $0x400, s7;
	[tilespmem:$0x2900] =	vst v1  }
0x10b: {  	[tilespmem:s30], [sflag:$0x4] =	stream.indirect.gather [hbm4b:s1+s21], $0x40, s29, s21, $0xb8;
	[tilespmem:$0x10D30] =	vst v63  }
.LBB2_7:
0x10c: {  	_ =	sfence.sel $0x180000  }
0x10d: {  	[bflag:$0x0] =	sbarrier.arrive $0xFFFF  }
0x10e: {  	_ =	strace $0x9000004D  }
0x10f: {  	s0 =	stileid.u32;
	[bflag:$0x2] =	sbarrier.arrive $0xFFFF  }
0x110: {  	p0 =	sne.s32 s0, $0x0;
	s0 =	rddreg [dreg:$0x3]  }
0x111: {  	s0 =	sadd.s32 @!p0 $0x100000, s0  }
0x112: {  	[sflag:s0] =	ssyncadd.tile.s32 @!p0 $0x1;
	_ =	shalt  }
.Lfunc_end2:
_tile_overlayer_lowered:
.L_overlay_start_2:
0x113: {  	(tag) =	ssettag $0x2  }
0x114: {  	s0 =	rddreg [dreg:$0x0];
	s2 =	stileid.u32  }
0x115: {  	s1 =	rddreg [dreg:$0x1];
	p0 =	sne.s32 s2, $0x0  }
0x116: {  	s3 =	rddreg [dreg:$0x2];
	[bflag:$0x3] =	sbarrier.arrive $0xFFFF;
	s2 =	simm.s32 @!p0 $0x1C05  }
0x117: {  	[timem:s3], [sflag:s2] =	dma.local @!p0 [hbm:s0], s1  }
0x118: {  	s0 =	simm.s32 @!p0 $0x5  }
0x119: {  	_ =	swait.ge @!p0 [sflag:s0], s1  }
0x11a: {  	s1 =	ssub.s32 @!p0 $0x0, s1;
	[sflag:s0] =	ssyncset.done @!p0 $0x0  }
0x11b: {  	[sflag:s0] =	ssyncadd.s32 @!p0 s1  }
0x11c: {  	[bflag:$0x3] =	sbarrier.arrive $0xFFFF  }
0x11d: {  	_ =	shalt  }

// kernel: kernel.8.cloned.1.call-start
scs
__scs_entry_jumppad:
0x0: {  	(pc) =	sbr.rel $0x88, $3  }
0x1: {  	(tag) =	ssettag $0x0;
	lr =	simm.s32 $0x1  }
0x2: {  	[smem:$0x3F9B] =	sst lr;
	_ =	strace $0xD0000000  }
0x3: {  	_ = 	snop  }
0x4: {  	_ = 	snop  }
0x5: {  	_ = 	snop  }
0x6: {  	_ = 	snop  }
0x7: {  	_ = 	snop  }
__scs_overlays_trampoline_lowered:
0x8: {  	[smem:$0x3FAA] =	sst s0  }
0x9: {  	[smem:$0x3FAB] =	sst s1  }
0xa: {  	[smem:$0x3FAC] =	sst s2  }
0xb: {  	[smem:$0x3FAD] =	sst s3  }
0xc: {  	[smem:$0x3FAE] =	sst s4  }
0xd: {  	[smem:$0x3FAF] =	sst s5  }
0xe: {  	[smem:$0x3FB0] =	sst s6  }
0xf: {  	[smem:$0x3FB1] =	sst s7  }
0x10: {  	[smem:$0x3FB2] =	sst s8  }
0x11: {  	[smem:$0x3FB3] =	sst s9;
	s0 =	simm.s32 @!p0 $0x0  }
0x12: {  	s1 =	sld [smem:$0x3F99];
	s0 =	simm.s32 @p0 $0x1  }
0x13: {  	[smem:$0x3FB4] =	sst s0;
	s0 =	simm.s32 @!p1 $0x0  }
0x14: {  	s2 =	sld [smem:$0x3F98];
	s0 =	simm.s32 @p1 $0x1  }
0x15: {  	[smem:$0x3FB5] =	sst s0;
	s0 =	simm.s32 @!p2 $0x0  }
0x16: {  	s3 =	sld [smem:$0x3FDB];
	s0 =	simm.s32 @p2 $0x1  }
0x17: {  	s4 =	simm.s32 $0x1BF5;
	[smem:$0x3FB7] =	sst s0  }
0x18: {  	s0 =	sld [smem:$0x3F9A];
	_ =	swait.ge [sflag:s4], $0x0  }
0x19: {  	s7 =	sld [smem:$0x3F9B]  }
0x1a: {  	s8 =	sadd.s32 $0xFFFFE003, lr  }
0x1b: {  	s9 =	sadd.s32 $0xFFFFFEF7, lr;
	s5 =	simm.s32 $0xFFFFFFFF;
	p2 =	slt.u32 s8, $0xFFFFF086  }
0x1c: {  	p1 =	slt.u32 s9, $0xF7A;
	s5 =	simm.s32 @!p2 $0x0  }
0x1d: {  	s5 =	simm.s32 @p1 $0x1;
	p0 =	seq.s32 s7, s2  }
0x1e: {  	s7 =	smul.u32 @!p0 $0xF7A, s2;
	p2 =	seq.s32 @!p0 s5, $0x0  }
0x1f: {  	s9 =	smul.u32 $0xF7A, s1;
	s8 =	simm.s32 @!p0 $0x1BF5;
	p2 =	por !p2, p0  }
0x20: {  	[sflag:s8] =	ssyncset.s32 @!p0 $0xFFFFF086;
	s6 =	sadd.s32 @!p0 s3, s7;
	s7 =	simm.s32 @!p0 $0x108  }
0x21: {  	s3 =	sadd.s32 s3, s9;
	s6 =	sadd.s32 @!p0 $0x88, s6;
	s7 =	simm.s32 @p2 $0x1082  }
0x22: {  	[simem:s7], [sflag:s8] =	dma.local @!p0 [hbm:s6], $0xF7A  }
0x23: {  	s9 =	sor.u32 $0xD0000000, s2;
	s6 =	simm.s32 $0x108;
	_ =	swait.ge @!p0 [sflag:s8], $0x0  }
0x24: {  	s3 =	sadd.s32 $0x88, s3;
	s6 =	simm.s32 @!p1 $0x1082;
	[sflag:s4] =	ssyncset.s32 $0xFFFFF086  }
0x25: {  	[simem:s6], [sflag:s4] =	dma.local [hbm:s3], $0xF7A  }
0x26: {  	[smem:$0x3F9B] =	sst s1;
	(tag) =	ssettag s2;
	_ =	strace s9  }
0x27: {  	s1 =	sld [smem:$0x3FAB]  }
0x28: {  	s2 =	sld [smem:$0x3FAC]  }
0x29: {  	s4 =	sld [smem:$0x3FAE]  }
0x2a: {  	p0 =	seq.s32 s5, $0x0;
	s5 =	sld [smem:$0x3FAF]  }
0x2b: {  	s6 =	sld [smem:$0x3FB0]  }
0x2c: {  	s7 =	sld [smem:$0x3FB1]  }
0x2d: {  	s3 =	simm.s32 $0x108;
	s8 =	sld [smem:$0x3FB2]  }
0x2e: {  	s3 =	simm.s32 @!p0 $0x1082;
	s9 =	sld [smem:$0x3FB3]  }
0x2f: {  	lr =	sadd.s32 s0, s3;
	s0 =	sld [smem:$0x3FAA]  }
0x30: {  	s3 =	sld [smem:$0x3FAD]  }
0x31: {  	[smem:$0x3FB6] =	sst s10  }
0x32: {  	s10 =	sld [smem:$0x3FB4];
	_ =	sdelay $0x3  }
0x33: {  	p0 =	seq.s32 s10, $0x1;
	s10 =	sld [smem:$0x3FB6];
	_ =	sdelay $0x3  }
0x34: {  	[smem:$0x3FB6] =	sst s10  }
0x35: {  	s10 =	sld [smem:$0x3FB5];
	_ =	sdelay $0x3  }
0x36: {  	p1 =	seq.s32 s10, $0x1;
	s10 =	sld [smem:$0x3FB6];
	_ =	sdelay $0x3  }
0x37: {  	[smem:$0x3FB6] =	sst s10  }
0x38: {  	s10 =	sld [smem:$0x3FB7]  }
0x39: {  	_ = 	snop;
	(pc) =	sbr.ind lr, $3  }
0x3a: {  	_ = 	snop  }
0x3b: {  	_ = 	snop  }
0x3c: {  	p2 =	seq.s32 s10, $0x1;
	s10 =	sld [smem:$0x3FB6]  }
0x3d: {  	_ =	shalt  }
0x3e: {  	_ =	shalt  }
0x3f: {  	_ =	shalt  }
0x40: {  	_ =	shalt  }
0x41: {  	_ =	shalt  }
0x42: {  	_ =	shalt  }
0x43: {  	_ =	shalt  }
0x44: {  	_ =	shalt  }
0x45: {  	_ =	shalt  }
0x46: {  	_ =	shalt  }
0x47: {  	_ =	shalt  }
0x48: {  	_ =	shalt  }
0x49: {  	_ =	shalt  }
0x4a: {  	_ =	shalt  }
0x4b: {  	_ =	shalt  }
0x4c: {  	_ =	shalt  }
0x4d: {  	_ =	shalt  }
0x4e: {  	_ =	shalt  }
0x4f: {  	_ =	shalt  }
0x50: {  	_ =	shalt  }
0x51: {  	_ =	shalt  }
0x52: {  	_ =	shalt  }
0x53: {  	_ =	shalt  }
0x54: {  	_ =	shalt  }
0x55: {  	_ =	shalt  }
0x56: {  	_ =	shalt  }
0x57: {  	_ =	shalt  }
0x58: {  	_ =	shalt  }
0x59: {  	_ =	shalt  }
0x5a: {  	_ =	shalt  }
0x5b: {  	_ =	shalt  }
0x5c: {  	_ =	shalt  }
0x5d: {  	_ =	shalt  }
0x5e: {  	_ =	shalt  }
0x5f: {  	_ =	shalt  }
0x60: {  	_ =	shalt  }
0x61: {  	_ =	shalt  }
0x62: {  	_ =	shalt  }
0x63: {  	_ =	shalt  }
0x64: {  	_ =	shalt  }
0x65: {  	_ =	shalt  }
0x66: {  	_ =	shalt  }
0x67: {  	_ =	shalt  }
0x68: {  	_ =	shalt  }
0x69: {  	_ =	shalt  }
0x6a: {  	_ =	shalt  }
0x6b: {  	_ =	shalt  }
0x6c: {  	_ =	shalt  }
0x6d: {  	_ =	shalt  }
0x6e: {  	_ =	shalt  }
0x6f: {  	_ =	shalt  }
0x70: {  	_ =	shalt  }
0x71: {  	_ =	shalt  }
0x72: {  	_ =	shalt  }
0x73: {  	_ =	shalt  }
0x74: {  	_ =	shalt  }
0x75: {  	_ =	shalt  }
0x76: {  	_ =	shalt  }
0x77: {  	_ =	shalt  }
0x78: {  	_ =	shalt  }
0x79: {  	_ =	shalt  }
0x7a: {  	_ =	shalt  }
0x7b: {  	_ =	shalt  }
0x7c: {  	_ =	shalt  }
0x7d: {  	_ =	shalt  }
0x7e: {  	_ =	shalt  }
0x7f: {  	_ =	shalt  }
0x80: {  	_ =	shalt  }
0x81: {  	_ =	shalt  }
0x82: {  	_ =	shalt  }
0x83: {  	_ =	shalt  }
0x84: {  	_ =	shalt  }
0x85: {  	_ =	shalt  }
0x86: {  	_ =	shalt  }
0x87: {  	_ =	shalt  }
.Lfunc_end0:
.L_simem_size_0:
called_computation_lowered:
.L_overlay_start_0:
0x88: {  	s2 =	sld [smem:$0x3FD9]  }
0x89: {  	s3 =	sld [smem:$0x3FFE];
	_ =	sdelay $0x1  }
0x8a: {  	s1 =	srdreg.scid  }
0x8b: {  	s0 =	sand.u32 $0x1, s1  }
0x8c: {  	s17 =	sshll.u32 s0, $0xA;
	s2 =	sadd.s32 s3, s2  }
0x8d: {  	s2 =	sadd.s32 s2, s17  }
0x8e: {  	[smem:$0x3FC2] =	sst s2  }
0x8f: {  	_ = 	snop  }
0x90: {  	s2 =	sld [smem:$0x3FD0];
	(tm) =	ssettm $0x1  }
0x91: {  	s18 =	sld [smem:$0x3FFB];
	_ =	sdelay $0x3  }
0x92: {  	_ =	strace s18  }
0x93: {  	s3 =	sld [smem:$0x3FFC];
	_ =	sdelay $0x3  }
0x94: {  	_ =	strace s3  }
0x95: {  	s3 =	sld [smem:$0x3FFD];
	_ =	sdelay $0x3  }
0x96: {  	_ =	strace s3  }
0x97: {  	_ =	strace $0x8FFFFFFF  }
0x98: {  	s19 =	sld [smem:$0x3FDB];
	_ =	sdelay $0x1  }
0x99: {  	s4 =	simm.s32 $_scs_section_size  }
0x9a: {  	s5 =	simm.s32 $_size__tile_overlayer_lowered;
	s6 =	simm.s32 $_tile_overlayer_lowered  }
0x9b: {  	s22 =	simm.s32 $0x1BFF;
	s21 =	sshll.u32 s6, $0x1;
	s3 =	sadd.s32 s4, s19  }
0x9c: {  	s7 =	simm.s32 $0x0;
	s20 =	sshll.u32 s5, $0x1;
	s5 =	sadd.s32 s21, s3  }
0x9d: {  	[timem:s7], [sflag:s22] =	dma.local [hbm:s5], s20  }
0x9e: {  	_ =	swait.ge [sflag:s22], s20  }
0x9f: {  	s4 =	ssub.s32 $0x0, s20;
	[sflag:s22] =	ssyncset.done $0x0  }
0xa0: {  	[sflag:s22] =	ssyncadd.s32 s4;
	_ =	sdelay $0x1  }
0xa1: {  	s23 =	simm.s32 $0x1B8B  }
0xa2: {  	_ =	swait.ge [sflag:s23], $0x1  }
0xa3: {  	[sflag:s23] =	ssyncset.done $0x0  }
0xa4: {  	s25 =	simm.s32 $0x1B8E;
	s24 =	sld [smem:$0x3FFE];
	[sflag:s23] =	ssyncadd.s32 $0xFFFFFFFF  }
0xa5: {  	s26 =	simm.s32 $execute0_lowered;
	[smem:$0x3FD2] =	sst s25  }
0xa6: {  	s5 =	sshll.u32 s26, $0x1;
	_ =	strace $0x80000046;
	[dreg:$0x1] =	wrdreg $0xFFFFFFFF  }
0xa7: {  	s28 =	simm.s32 $_size_execute0_lowered;
	s3 =	sadd.s32 s3, s5;
	[dreg:$0x0] =	wrdreg $0x0  }
0xa8: {  	s5 =	sshll.u32 s28, $0x1;
	[dreg:$0x2] =	wrdreg s3  }
0xa9: {  	[dreg:$0x3] =	wrdreg s5  }
0xaa: {  	[dreg:$0x4] =	wrdreg $0xC0  }
0xab: {  	_ =	task [dreg:s7], $0x5FFFF  }
0xac: {  	[dreg:$0x1] =	wrdreg $0xFFFFFFFF  }
0xad: {  	[dreg:$0x0] =	wrdreg $0x60  }
0xae: {  	[dreg:$0x2] =	wrdreg s24  }
0xaf: {  	[dreg:$0x3] =	wrdreg s2  }
0xb0: {  	[dreg:$0x4] =	wrdreg $0x2E000  }
0xb1: {  	[dreg:$0x5] =	wrdreg $0x9  }
0xb2: {  	_ =	task.clear_ibuf [dreg:s7], $0x6FFFF;
	_ =	strace $0x90000046  }
0xb3: {  	s29 =	simm.s32 $0x9;
	_ =	strace $0x80000048  }
0xb4: {  	_ =	swait.ge [sflag:s29], $0x1  }
0xb5: {  	[sflag:s29] =	ssyncadd.s32 $0xFFFFFFFF  }
0xb6: {  	_ =	strace $0x90000048  }
0xb7: {  	_ =	sfence  }
0xb8: {  	s30 =	sld [smem:$0x0];
	_ =	sdelay $0x2  }
0xb9: {  	s31 =	sshll.u32 s1, $0xD;
	s1 =	sshrl.u32 s1, $0x2  }
0xba: {  	s3 =	sand.u32 $0x4000, s31;
	s1 =	sadd.s32 s1, s30  }
0xbb: {  	s0 =	sor.u32 s3, s0;
	s1 =	sshll.u32 s1, $0x11  }
0xbc: {  	s0 =	sor.u32 s1, s0  }
0xbd: {  	s0 =	sadd.s32 $0x8F2B, s0  }
0xbe: {  	[sflag:s0] =	ssyncadd.remote.s32 $0x1  }
0xbf: {  	_ =	sfence.sel $0xFFFF  }
0xc0: {  	[dreg:$0x0] =	wrdreg $0xFFFFFFFF;
	(pc) =	sbr.abs _section_cstart, $3  }
0xc1: {  	[dreg:$0x1] =	wrdreg $0xFFFFFFFF  }
0xc2: {  	_ =	task.clear_ibuf [dreg:s7], $0x2FFFF;
	_ =	strace $0x9FFFFFFF  }
0xc3: {  	(tm) =	ssettm $0x7FFFFFFF  }
tec
execute0_lowered:
.L_overlay_start_1:
0x0: {  	(tag) =	ssettag $0x1  }
0x1: {  	s4 =	rddreg [dreg:$0x0]  }
0x2: {  	s0 =	srdreg.scid;
	s6 =	rddreg [dreg:$0x1]  }
0x3: {  	s2 =	rddreg [dreg:$0x2];
	s1 =	stileid.u32  }
0x4: {  	s3 =	simm.s32 $0x0;
	s11 =	simm.s32 $0x2780;
	s12 =	simm.s32 $0x2B00  }
0x5: {  	s13 =	simm.s32 $0x2800;
	s14 =	simm.s32 $0x2880;
	s15 =	simm.s32 $0x2900  }
0x6: {  	s16 =	simm.s32 $0x2980;
	s17 =	simm.s32 $0x2A00;
	s18 =	simm.s32 $0x1  }
0x7: {  	s19 =	simm.s32 $0x10;
	s22 =	simm.s32 $0x20;
	s23 =	simm.s32 $0x0  }
0x8: {  	s5 =	sand.u32 $0x1, s0;
	s0 =	rddreg [dreg:$0x3];
	s8 =	smul.u32 $0x500, s1  }
0x9: {  	[smem:$0x7FF] =	sst s3;
	s10 =	smul.u32 $0xA00, s1;
	s20 =	sshll.u32 s1, $0x6  }
0xa: {  	s7 =	sshll.u32 s5, $0x4;
	_ =	strace $0x80000047;
	s9 =	ssub.s32 $0x2, s5  }
0xb: {  	s5 =	sshll.u32 s5, $0x7;
	s20 =	sor.u32 $0x1C02, s20;
	s7 =	sor.u32 s1, s7  }
0xc: {  	s28 =	sshrl.u32 s9, $0x1;
	s5 =	sor.u32 s5, s8;
	s30 =	sshrl.u32 s10, $0x2  }
0xd: {  	s8 =	simm.s32 $0x2B80;
	s10 =	simm.s32 $0x80;
	s7 =	smul.u32 $0x4E2, s7  }
0xe: {  	s29 =	ssub.s32 s9, s28;
	s31 =	sshrl.u32 s5, $0x3;
	s9 =	simm.s32 $0x2  }
0xf: {  	s6 =	sadd.s32 s6, s31;
	s7 =	sadd.s32 s7, s4;
	s4 =	sadd.s32 s30, s2  }
0x10: {  	v0 =	vimm.f32 $1.000000000e+00;
	v1 =	vimm.f32 $0.0e+00;
	s5 =	sadd.s32 $0x1600, s7;
	s7 =	smax.u32 s29, $0x1;
	s21 =	sshrl.u32 s4, $0x3  }
.LBB2_1:
0x11: {  	[tilespmem:$0x2B00] =	vst v0  }
0x12: {  	[tilespmem:$0x2B10] =	vst v0  }
0x13: {  	[tilespmem:$0x2B20] =	vst v0  }
0x14: {  	[tilespmem:$0x2B30] =	vst v0  }
0x15: {  	[tilespmem:$0x2B40] =	vst v0  }
0x16: {  	[tilespmem:$0x2B50] =	vst v0  }
0x17: {  	[tilespmem:$0x2B60] =	vst v0  }
0x18: {  	[tilespmem:$0x2B70] =	vst v0  }
0x19: {  	[tilespmem:$0x2B80] =	vst v1  }
0x1a: {  	[tilespmem:$0x2B90] =	vst v1  }
0x1b: {  	[tilespmem:$0x2BA0] =	vst v1  }
0x1c: {  	[tilespmem:$0x2BB0] =	vst v1  }
0x1d: {  	[tilespmem:$0x2BC0] =	vst v1  }
0x1e: {  	[tilespmem:$0x2BD0] =	vst v1  }
0x1f: {  	[tilespmem:$0x2BE0] =	vst v1  }
0x20: {  	[tilespmem:$0x2BF0] =	vst v1  }
0x21: {  	[tilespmem:$0x2C00] =	vst v1  }
0x22: {  	[tilespmem:$0x2C10] =	vst v1  }
0x23: {  	[tilespmem:$0x2C20] =	vst v1  }
0x24: {  	[tilespmem:$0x2C30] =	vst v1  }
0x25: {  	[tilespmem:$0x2C40] =	vst v1  }
0x26: {  	[tilespmem:$0x2C50] =	vst v1  }
0x27: {  	[tilespmem:$0x2C60] =	vst v1  }
0x28: {  	[tilespmem:$0x2C70] =	vst v1  }
0x29: {  	[tilespmem:$0x2C80] =	vst v1  }
0x2a: {  	[tilespmem:$0x2C90] =	vst v1  }
0x2b: {  	[tilespmem:$0x2CA0] =	vst v1  }
0x2c: {  	[tilespmem:$0x2CB0] =	vst v1  }
0x2d: {  	[tilespmem:$0x2CC0] =	vst v1  }
0x2e: {  	[tilespmem:$0x2CD0] =	vst v1  }
0x2f: {  	[tilespmem:$0x2CE0] =	vst v1  }
0x30: {  	[tilespmem:$0x2CF0] =	vst v1  }
0x31: {  	[tilespmem:$0x2D00] =	vst v1  }
0x32: {  	[tilespmem:$0x2D10] =	vst v1  }
0x33: {  	[tilespmem:$0x2D20] =	vst v1  }
0x34: {  	[tilespmem:$0x2D30] =	vst v1  }
0x35: {  	[tilespmem:$0x2D40] =	vst v1  }
0x36: {  	[tilespmem:$0x2D50] =	vst v1  }
0x37: {  	[tilespmem:$0x2D60] =	vst v1  }
0x38: {  	[tilespmem:$0x2D70] =	vst v1  }
0x39: {  	[tilespmem:$0x2D80] =	vst v1  }
0x3a: {  	[tilespmem:$0x2D90] =	vst v1  }
0x3b: {  	[tilespmem:$0x2DA0] =	vst v1  }
0x3c: {  	[tilespmem:$0x2DB0] =	vst v1  }
0x3d: {  	[tilespmem:$0x2DC0] =	vst v1  }
0x3e: {  	[tilespmem:$0x2DD0] =	vst v1  }
0x3f: {  	[tilespmem:$0x2DE0] =	vst v1  }
0x40: {  	[tilespmem:$0x2DF0] =	vst v1  }
0x41: {  	[spmem:s4] =	stream.linear.scatter [tilespmem:s8], [sflag:$0x2], $0x280, $0x38;
	[tilespmem:$0x3080] =	vst v63  }
0x42: {  	_ =	swait.ge [sflag:s9], $0x280  }
0x43: {  	[sflag:s9] =	ssyncset.done $0x0  }
0x44: {  	[sflag:s9] =	ssyncadd.s32 $0xFFFFFD80  }
0x45: {  	[tilespmem:s3], [sflag:$0x2] =	stream.linear.gather [hbm4b:s5+s3], $0x2710, $0x38;
	[tilespmem:$0x3080] =	vst v63  }
0x46: {  	_ =	swait.ge [sflag:s9], $0x2710  }
0x47: {  	[sflag:s9] =	ssyncset.done $0x0  }
0x48: {  	[sflag:s9] =	ssyncadd.s32 $0xFFFFD8F0  }
0x49: {  	s24 =	simm.s32 $0x0;
	[bflag:$0x0] =	sbarrier.arrive $0xFFFF  }
.LBB2_2:
0x4a: {  	s25 =	sshra.s32 s24, $0x2  }
0x4b: {  	v2 =	vld [tilespmem:s25+$0x0];
	_ =	sdelay $0x4  }
0x4c: {  	v3 =	vand.u32 $0xFFFF, v2  }
0x4d: {  	v2 =	vshra.s32 v2, $0x10;
	[tilespmem:$0x2A80] =	vst v3  }
0x4e: {  	[tilespmem:$0x2780] =	vst v2  }
0x4f: {  	v2 =	vld [tilespmem:s25+$0x10];
	_ =	sdelay $0x4  }
0x50: {  	v3 =	vand.u32 $0xFFFF, v2  }
0x51: {  	v2 =	vshra.s32 v2, $0x10;
	[tilespmem:$0x2A90] =	vst v3  }
0x52: {  	[tilespmem:$0x2790] =	vst v2  }
0x53: {  	v2 =	vld [tilespmem:s25+$0x20];
	_ =	sdelay $0x4  }
0x54: {  	v3 =	vand.u32 $0xFFFF, v2  }
0x55: {  	v2 =	vshra.s32 v2, $0x10;
	[tilespmem:$0x2AA0] =	vst v3  }
0x56: {  	[tilespmem:$0x27A0] =	vst v2  }
0x57: {  	v2 =	vld [tilespmem:s25+$0x30];
	_ =	sdelay $0x4  }
0x58: {  	v3 =	vand.u32 $0xFFFF, v2  }
0x59: {  	v2 =	vshra.s32 v2, $0x10;
	[tilespmem:$0x2AB0] =	vst v3  }
0x5a: {  	[tilespmem:$0x27B0] =	vst v2  }
0x5b: {  	v2 =	vld [tilespmem:s25+$0x40];
	_ =	sdelay $0x4  }
0x5c: {  	v3 =	vand.u32 $0xFFFF, v2  }
0x5d: {  	v2 =	vshra.s32 v2, $0x10;
	[tilespmem:$0x2AC0] =	vst v3  }
0x5e: {  	[tilespmem:$0x27C0] =	vst v2  }
0x5f: {  	v2 =	vld [tilespmem:s25+$0x50];
	_ =	sdelay $0x4  }
0x60: {  	v3 =	vand.u32 $0xFFFF, v2  }
0x61: {  	v2 =	vshra.s32 v2, $0x10;
	[tilespmem:$0x2AD0] =	vst v3  }
0x62: {  	[tilespmem:$0x27D0] =	vst v2  }
0x63: {  	v2 =	vld [tilespmem:s25+$0x60];
	_ =	sdelay $0x4  }
0x64: {  	v3 =	vand.u32 $0xFFFF, v2  }
0x65: {  	v2 =	vshra.s32 v2, $0x10;
	[tilespmem:$0x2AE0] =	vst v3  }
0x66: {  	[tilespmem:$0x27E0] =	vst v2  }
0x67: {  	v2 =	vld [tilespmem:s25+$0x70];
	_ =	sdelay $0x4  }
0x68: {  	v3 =	vand.u32 $0xFFFF, v2  }
0x69: {  	v2 =	vshra.s32 v2, $0x10;
	[tilespmem:$0x2AF0] =	vst v3  }
0x6a: {  	[tilespmem:$0x27F0] =	vst v2  }
0x6b: {  	[spmem:s2] =	stream.indirect.scatter.add.f32 [tilespmem:s12], [sflag:$0x1], $0x1, s11, s10, $0xb8;
	[tilespmem:$0x3080] =	vst v63  }
0x6c: {  	v2 =	vld [tilespmem:s25+$0x80];
	_ =	sdelay $0x4  }
0x6d: {  	v3 =	vand.u32 $0xFFFF, v2  }
0x6e: {  	v2 =	vshra.s32 v2, $0x10;
	[tilespmem:$0x2A80] =	vst v3  }
0x6f: {  	[tilespmem:$0x2800] =	vst v2  }
0x70: {  	v2 =	vld [tilespmem:s25+$0x90];
	_ =	sdelay $0x4  }
0x71: {  	v3 =	vand.u32 $0xFFFF, v2  }
0x72: {  	v2 =	vshra.s32 v2, $0x10;
	[tilespmem:$0x2A90] =	vst v3  }
0x73: {  	[tilespmem:$0x2810] =	vst v2  }
0x74: {  	v2 =	vld [tilespmem:s25+$0xA0];
	_ =	sdelay $0x4  }
0x75: {  	v3 =	vand.u32 $0xFFFF, v2  }
0x76: {  	v2 =	vshra.s32 v2, $0x10;
	[tilespmem:$0x2AA0] =	vst v3  }
0x77: {  	[tilespmem:$0x2820] =	vst v2  }
0x78: {  	v2 =	vld [tilespmem:s25+$0xB0];
	_ =	sdelay $0x4  }
0x79: {  	v3 =	vand.u32 $0xFFFF, v2  }
0x7a: {  	v2 =	vshra.s32 v2, $0x10;
	[tilespmem:$0x2AB0] =	vst v3  }
0x7b: {  	[tilespmem:$0x2830] =	vst v2  }
0x7c: {  	v2 =	vld [tilespmem:s25+$0xC0];
	_ =	sdelay $0x4  }
0x7d: {  	v3 =	vand.u32 $0xFFFF, v2  }
0x7e: {  	v2 =	vshra.s32 v2, $0x10;
	[tilespmem:$0x2AC0] =	vst v3  }
0x7f: {  	[tilespmem:$0x2840] =	vst v2  }
0x80: {  	v2 =	vld [tilespmem:s25+$0xD0];
	_ =	sdelay $0x4  }
0x81: {  	v3 =	vand.u32 $0xFFFF, v2  }
0x82: {  	v2 =	vshra.s32 v2, $0x10;
	[tilespmem:$0x2AD0] =	vst v3  }
0x83: {  	[tilespmem:$0x2850] =	vst v2  }
0x84: {  	v2 =	vld [tilespmem:s25+$0xE0];
	_ =	sdelay $0x4  }
0x85: {  	v3 =	vand.u32 $0xFFFF, v2  }
0x86: {  	v2 =	vshra.s32 v2, $0x10;
	[tilespmem:$0x2AE0] =	vst v3  }
0x87: {  	[tilespmem:$0x2860] =	vst v2  }
0x88: {  	v2 =	vld [tilespmem:s25+$0xF0];
	_ =	sdelay $0x4  }
0x89: {  	v3 =	vand.u32 $0xFFFF, v2  }
0x8a: {  	v2 =	vshra.s32 v2, $0x10;
	[tilespmem:$0x2AF0] =	vst v3  }
0x8b: {  	[tilespmem:$0x2870] =	vst v2  }
0x8c: {  	[spmem:s2] =	stream.indirect.scatter.add.f32 [tilespmem:s12], [sflag:$0x1], $0x1, s13, s10, $0xb8;
	[tilespmem:$0x3080] =	vst v63  }
0x8d: {  	v2 =	vld [tilespmem:s25+$0x100];
	_ =	sdelay $0x4  }
0x8e: {  	v3 =	vand.u32 $0xFFFF, v2  }
0x8f: {  	v2 =	vshra.s32 v2, $0x10;
	[tilespmem:$0x2A80] =	vst v3  }
0x90: {  	[tilespmem:$0x2880] =	vst v2  }
0x91: {  	v2 =	vld [tilespmem:s25+$0x110];
	_ =	sdelay $0x4  }
0x92: {  	v3 =	vand.u32 $0xFFFF, v2  }
0x93: {  	v2 =	vshra.s32 v2, $0x10;
	[tilespmem:$0x2A90] =	vst v3  }
0x94: {  	[tilespmem:$0x2890] =	vst v2  }
0x95: {  	v2 =	vld [tilespmem:s25+$0x120];
	_ =	sdelay $0x4  }
0x96: {  	v3 =	vand.u32 $0xFFFF, v2  }
0x97: {  	v2 =	vshra.s32 v2, $0x10;
	[tilespmem:$0x2AA0] =	vst v3  }
0x98: {  	[tilespmem:$0x28A0] =	vst v2  }
0x99: {  	v2 =	vld [tilespmem:s25+$0x130];
	_ =	sdelay $0x4  }
0x9a: {  	v3 =	vand.u32 $0xFFFF, v2  }
0x9b: {  	v2 =	vshra.s32 v2, $0x10;
	[tilespmem:$0x2AB0] =	vst v3  }
0x9c: {  	[tilespmem:$0x28B0] =	vst v2  }
0x9d: {  	v2 =	vld [tilespmem:s25+$0x140];
	_ =	sdelay $0x4  }
0x9e: {  	v3 =	vand.u32 $0xFFFF, v2  }
0x9f: {  	v2 =	vshra.s32 v2, $0x10;
	[tilespmem:$0x2AC0] =	vst v3  }
0xa0: {  	[tilespmem:$0x28C0] =	vst v2  }
0xa1: {  	v2 =	vld [tilespmem:s25+$0x150];
	_ =	sdelay $0x4  }
0xa2: {  	v3 =	vand.u32 $0xFFFF, v2  }
0xa3: {  	v2 =	vshra.s32 v2, $0x10;
	[tilespmem:$0x2AD0] =	vst v3  }
0xa4: {  	[tilespmem:$0x28D0] =	vst v2  }
0xa5: {  	v2 =	vld [tilespmem:s25+$0x160];
	_ =	sdelay $0x4  }
0xa6: {  	v3 =	vand.u32 $0xFFFF, v2  }
0xa7: {  	v2 =	vshra.s32 v2, $0x10;
	[tilespmem:$0x2AE0] =	vst v3  }
0xa8: {  	[tilespmem:$0x28E0] =	vst v2  }
0xa9: {  	v2 =	vld [tilespmem:s25+$0x170];
	_ =	sdelay $0x4  }
0xaa: {  	v3 =	vand.u32 $0xFFFF, v2  }
0xab: {  	v2 =	vshra.s32 v2, $0x10;
	[tilespmem:$0x2AF0] =	vst v3  }
0xac: {  	[tilespmem:$0x28F0] =	vst v2  }
0xad: {  	[spmem:s2] =	stream.indirect.scatter.add.f32 [tilespmem:s12], [sflag:$0x1], $0x1, s14, s10, $0xb8;
	[tilespmem:$0x3080] =	vst v63  }
0xae: {  	v2 =	vld [tilespmem:s25+$0x180];
	_ =	sdelay $0x4  }
0xaf: {  	v3 =	vand.u32 $0xFFFF, v2  }
0xb0: {  	v2 =	vshra.s32 v2, $0x10;
	[tilespmem:$0x2A80] =	vst v3  }
0xb1: {  	[tilespmem:$0x2900] =	vst v2  }
0xb2: {  	v2 =	vld [tilespmem:s25+$0x190];
	_ =	sdelay $0x4  }
0xb3: {  	v3 =	vand.u32 $0xFFFF, v2  }
0xb4: {  	v2 =	vshra.s32 v2, $0x10;
	[tilespmem:$0x2A90] =	vst v3  }
0xb5: {  	[tilespmem:$0x2910] =	vst v2  }
0xb6: {  	v2 =	vld [tilespmem:s25+$0x1A0];
	_ =	sdelay $0x4  }
0xb7: {  	v3 =	vand.u32 $0xFFFF, v2  }
0xb8: {  	v2 =	vshra.s32 v2, $0x10;
	[tilespmem:$0x2AA0] =	vst v3  }
0xb9: {  	[tilespmem:$0x2920] =	vst v2  }
0xba: {  	v2 =	vld [tilespmem:s25+$0x1B0];
	_ =	sdelay $0x4  }
0xbb: {  	v3 =	vand.u32 $0xFFFF, v2  }
0xbc: {  	v2 =	vshra.s32 v2, $0x10;
	[tilespmem:$0x2AB0] =	vst v3  }
0xbd: {  	[tilespmem:$0x2930] =	vst v2  }
0xbe: {  	v2 =	vld [tilespmem:s25+$0x1C0];
	_ =	sdelay $0x4  }
0xbf: {  	v3 =	vand.u32 $0xFFFF, v2  }
0xc0: {  	v2 =	vshra.s32 v2, $0x10;
	[tilespmem:$0x2AC0] =	vst v3  }
0xc1: {  	[tilespmem:$0x2940] =	vst v2  }
0xc2: {  	v2 =	vld [tilespmem:s25+$0x1D0];
	_ =	sdelay $0x4  }
0xc3: {  	v3 =	vand.u32 $0xFFFF, v2  }
0xc4: {  	v2 =	vshra.s32 v2, $0x10;
	[tilespmem:$0x2AD0] =	vst v3  }
0xc5: {  	[tilespmem:$0x2950] =	vst v2  }
0xc6: {  	v2 =	vld [tilespmem:s25+$0x1E0];
	_ =	sdelay $0x4  }
0xc7: {  	v3 =	vand.u32 $0xFFFF, v2  }
0xc8: {  	v2 =	vshra.s32 v2, $0x10;
	[tilespmem:$0x2AE0] =	vst v3  }
0xc9: {  	[tilespmem:$0x2960] =	vst v2  }
0xca: {  	v2 =	vld [tilespmem:s25+$0x1F0];
	_ =	sdelay $0x4  }
0xcb: {  	v3 =	vand.u32 $0xFFFF, v2  }
0xcc: {  	v2 =	vshra.s32 v2, $0x10;
	[tilespmem:$0x2AF0] =	vst v3  }
0xcd: {  	[tilespmem:$0x2970] =	vst v2  }
0xce: {  	[spmem:s2] =	stream.indirect.scatter.add.f32 [tilespmem:s12], [sflag:$0x1], $0x1, s15, s10, $0xb8;
	[tilespmem:$0x3080] =	vst v63  }
0xcf: {  	v2 =	vld [tilespmem:s25+$0x200];
	_ =	sdelay $0x4  }
0xd0: {  	v3 =	vand.u32 $0xFFFF, v2  }
0xd1: {  	v2 =	vshra.s32 v2, $0x10;
	[tilespmem:$0x2A80] =	vst v3  }
0xd2: {  	[tilespmem:$0x2980] =	vst v2  }
0xd3: {  	v2 =	vld [tilespmem:s25+$0x210];
	_ =	sdelay $0x4  }
0xd4: {  	v3 =	vand.u32 $0xFFFF, v2  }
0xd5: {  	v2 =	vshra.s32 v2, $0x10;
	[tilespmem:$0x2A90] =	vst v3  }
0xd6: {  	[tilespmem:$0x2990] =	vst v2  }
0xd7: {  	v2 =	vld [tilespmem:s25+$0x220];
	_ =	sdelay $0x4  }
0xd8: {  	v3 =	vand.u32 $0xFFFF, v2  }
0xd9: {  	v2 =	vshra.s32 v2, $0x10;
	[tilespmem:$0x2AA0] =	vst v3  }
0xda: {  	[tilespmem:$0x29A0] =	vst v2  }
0xdb: {  	v2 =	vld [tilespmem:s25+$0x230];
	_ =	sdelay $0x4  }
0xdc: {  	v3 =	vand.u32 $0xFFFF, v2  }
0xdd: {  	v2 =	vshra.s32 v2, $0x10;
	[tilespmem:$0x2AB0] =	vst v3  }
0xde: {  	[tilespmem:$0x29B0] =	vst v2  }
0xdf: {  	v2 =	vld [tilespmem:s25+$0x240];
	_ =	sdelay $0x4  }
0xe0: {  	v3 =	vand.u32 $0xFFFF, v2  }
0xe1: {  	v2 =	vshra.s32 v2, $0x10;
	[tilespmem:$0x2AC0] =	vst v3  }
0xe2: {  	[tilespmem:$0x29C0] =	vst v2  }
0xe3: {  	v2 =	vld [tilespmem:s25+$0x250];
	_ =	sdelay $0x4  }
0xe4: {  	v3 =	vand.u32 $0xFFFF, v2  }
0xe5: {  	v2 =	vshra.s32 v2, $0x10;
	[tilespmem:$0x2AD0] =	vst v3  }
0xe6: {  	[tilespmem:$0x29D0] =	vst v2  }
0xe7: {  	v2 =	vld [tilespmem:s25+$0x260];
	_ =	sdelay $0x4  }
0xe8: {  	v3 =	vand.u32 $0xFFFF, v2  }
0xe9: {  	v2 =	vshra.s32 v2, $0x10;
	[tilespmem:$0x2AE0] =	vst v3  }
0xea: {  	[tilespmem:$0x29E0] =	vst v2  }
0xeb: {  	v2 =	vld [tilespmem:s25+$0x270];
	_ =	sdelay $0x4  }
0xec: {  	v3 =	vand.u32 $0xFFFF, v2  }
0xed: {  	v2 =	vshra.s32 v2, $0x10;
	[tilespmem:$0x2AF0] =	vst v3  }
0xee: {  	[tilespmem:$0x29F0] =	vst v2  }
0xef: {  	[spmem:s2] =	stream.indirect.scatter.add.f32 [tilespmem:s12], [sflag:$0x1], $0x1, s16, s10, $0xb8;
	[tilespmem:$0x3080] =	vst v63  }
0xf0: {  	v2 =	vld [tilespmem:s25+$0x280];
	_ =	sdelay $0x4  }
0xf1: {  	v3 =	vand.u32 $0xFFFF, v2  }
0xf2: {  	v2 =	vshra.s32 v2, $0x10;
	[tilespmem:$0x2A80] =	vst v3  }
0xf3: {  	[tilespmem:$0x2A00] =	vst v2  }
0xf4: {  	v2 =	vld [tilespmem:s25+$0x290];
	_ =	sdelay $0x4  }
0xf5: {  	v3 =	vand.u32 $0xFFFF, v2  }
0xf6: {  	v2 =	vshra.s32 v2, $0x10;
	[tilespmem:$0x2A90] =	vst v3  }
0xf7: {  	[tilespmem:$0x2A10] =	vst v2  }
0xf8: {  	v2 =	vld [tilespmem:s25+$0x2A0];
	_ =	sdelay $0x4  }
0xf9: {  	v3 =	vand.u32 $0xFFFF, v2  }
0xfa: {  	v2 =	vshra.s32 v2, $0x10;
	[tilespmem:$0x2AA0] =	vst v3  }
0xfb: {  	[tilespmem:$0x2A20] =	vst v2  }
0xfc: {  	v2 =	vld [tilespmem:s25+$0x2B0];
	_ =	sdelay $0x4  }
0xfd: {  	v3 =	vand.u32 $0xFFFF, v2  }
0xfe: {  	v2 =	vshra.s32 v2, $0x10;
	[tilespmem:$0x2AB0] =	vst v3  }
0xff: {  	[tilespmem:$0x2A30] =	vst v2  }
0x100: {  	v2 =	vld [tilespmem:s25+$0x2C0];
	_ =	sdelay $0x4  }
0x101: {  	v3 =	vand.u32 $0xFFFF, v2  }
0x102: {  	v2 =	vshra.s32 v2, $0x10;
	[tilespmem:$0x2AC0] =	vst v3  }
0x103: {  	[tilespmem:$0x2A40] =	vst v2  }
0x104: {  	v2 =	vld [tilespmem:s25+$0x2D0];
	_ =	sdelay $0x4  }
0x105: {  	v3 =	vand.u32 $0xFFFF, v2  }
0x106: {  	v2 =	vshra.s32 v2, $0x10;
	[tilespmem:$0x2AD0] =	vst v3  }
0x107: {  	[tilespmem:$0x2A50] =	vst v2  }
0x108: {  	v2 =	vld [tilespmem:s25+$0x2E0];
	_ =	sdelay $0x4  }
0x109: {  	v3 =	vand.u32 $0xFFFF, v2  }
0x10a: {  	v2 =	vshra.s32 v2, $0x10;
	[tilespmem:$0x2AE0] =	vst v3  }
0x10b: {  	[tilespmem:$0x2A60] =	vst v2  }
0x10c: {  	v2 =	vld [tilespmem:s25+$0x2F0];
	_ =	sdelay $0x4  }
0x10d: {  	v3 =	vand.u32 $0xFFFF, v2  }
0x10e: {  	v2 =	vshra.s32 v2, $0x10;
	[tilespmem:$0x2AF0] =	vst v3  }
0x10f: {  	[tilespmem:$0x2A70] =	vst v2  }
0x110: {  	[spmem:s2] =	stream.indirect.scatter.add.f32 [tilespmem:s12], [sflag:$0x1], $0x1, s17, s10, $0xb8;
	[tilespmem:$0x3080] =	vst v63  }
0x111: {  	_ =	swait.ge [sflag:s18], $0x80  }
0x112: {  	[sflag:s18] =	ssyncset.done $0x0  }
0x113: {  	[sflag:s18] =	ssyncadd.s32 $0xFFFFFF80  }
0x114: {  	_ =	swait.ge [sflag:s18], $0x80  }
0x115: {  	[sflag:s18] =	ssyncset.done $0x0  }
0x116: {  	[sflag:s18] =	ssyncadd.s32 $0xFFFFFF80  }
0x117: {  	_ =	swait.ge [sflag:s18], $0x80  }
0x118: {  	[sflag:s18] =	ssyncset.done $0x0  }
0x119: {  	[sflag:s18] =	ssyncadd.s32 $0xFFFFFF80  }
0x11a: {  	_ =	swait.ge [sflag:s18], $0x80  }
0x11b: {  	[sflag:s18] =	ssyncset.done $0x0  }
0x11c: {  	[sflag:s18] =	ssyncadd.s32 $0xFFFFFF80  }
0x11d: {  	p0 =	sne.s32 s24, $0x9000;
	_ =	swait.ge [sflag:s18], $0x80  }
.Ltmp0:
0x11e: {  	[sflag:s18] =	ssyncset.done $0x0;
	(pc) =	sbr.rel @p0 .LBB2_2-.Ltmp0, $4  }
0x11f: {  	[sflag:s18] =	ssyncadd.s32 $0xFFFFFF80  }
0x120: {  	_ =	swait.ge [sflag:s18], $0x80  }
0x121: {  	[sflag:s18] =	ssyncset.done $0x0  }
0x122: {  	s24 =	sadd.s32 $0xC00, s24;
	[sflag:s18] =	ssyncadd.s32 $0xFFFFFF80  }
0x123: {  	v2 =	vld [tilespmem:$0x2700];
	_ =	sdelay $0x4  }
0x124: {  	v2 =	vshra.s32 v2, $0x10  }
0x125: {  	[tilespmem:$0x2780] =	vst v2  }
0x126: {  	[spmem:s2] =	stream.indirect.scatter.add.f32 [tilespmem:s12], [sflag:$0x2], $0x1, s11, s19, $0xb8;
	[tilespmem:$0x3080] =	vst v63  }
0x127: {  	_ =	swait.ge [sflag:s9], $0x10  }
0x128: {  	s23 =	sadd.s32 $0x1, s23;
	[sflag:s9] =	ssyncset.done $0x0  }
0x129: {  	p0 =	sne.s32 s23, s7;
	[sflag:s9] =	ssyncadd.s32 $0xFFFFFFF0  }
.Ltmp1:
0x12a: {  	[bflag:$0x0] =	sbarrier.arrive $0xFFFF;
	(pc) =	sbr.rel @p0 .LBB2_1-.Ltmp1, $4  }
0x12b: {  	[hbm:s6@s22], [sflag:s20] =	dma.strided [spmem:s21@s19], $0x50, s18, $0x10   }
0x12c: {  	_ =	swait.ge [sflag:s9], $0x50  }
0x12d: {  	[sflag:s9] =	ssyncset.done $0x0  }
0x12e: {  	[sflag:s9] =	ssyncadd.s32 $0xFFFFFFB0  }
0x12f: {  	_ =	sfence.sel $0x180000  }
0x130: {  	[bflag:$0x0] =	sbarrier.arrive $0xFFFF  }
0x131: {  	p0 =	sne.s32 s1, $0x0;
	_ =	strace $0x90000047  }
0x132: {  	s0 =	sadd.s32 @!p0 $0x100000, s0;
	[bflag:$0x2] =	sbarrier.arrive $0xFFFF  }
0x133: {  	[sflag:s0] =	ssyncadd.tile.s32 @!p0 $0x1;
	_ =	shalt  }
.Lfunc_end2:
_tile_overlayer_lowered:
.L_overlay_start_2:
0x134: {  	(tag) =	ssettag $0x2  }
0x135: {  	s0 =	rddreg [dreg:$0x0];
	s2 =	stileid.u32  }
0x136: {  	s1 =	rddreg [dreg:$0x1];
	p0 =	sne.s32 s2, $0x0  }
0x137: {  	s3 =	rddreg [dreg:$0x2];
	[bflag:$0x3] =	sbarrier.arrive $0xFFFF;
	s2 =	simm.s32 @!p0 $0x1C02  }
0x138: {  	[timem:s3], [sflag:s2] =	dma.local @!p0 [hbm:s0], s1  }
0x139: {  	s0 =	simm.s32 @!p0 $0x2  }
0x13a: {  	_ =	swait.ge @!p0 [sflag:s0], s1  }
0x13b: {  	s1 =	ssub.s32 @!p0 $0x0, s1;
	[sflag:s0] =	ssyncset.done @!p0 $0x0  }
0x13c: {  	[sflag:s0] =	ssyncadd.s32 @!p0 s1  }
0x13d: {  	[bflag:$0x3] =	sbarrier.arrive $0xFFFF  }
0x13e: {  	_ =	shalt  }

</sc_bundles>
